<compile_context>
chip_gen: v7x
topology: tpu7x:2x2x1
jax: 0.10.2.dev20260603
libtpu: 0.0.44.dev20260713+nightly
codegen_flags: <defaults>
</compile_context>

<pallas_src>
import functools

import jax
import jax.numpy as jnp
from jax import lax
from jax.experimental import pallas as pl
from jax.experimental.pallas import tpu as pltpu
from jax.experimental.pallas import tpu_sc as plsc

N = 10000
E = 320000
D = 128

NC = 2
NS = 16
NW = NC * NS
EPW = E // NW
C = 80
NCHUNK = EPW // C
CP = 64
NCP = EPW // CP
REM = EPW - NCP * CP
ND = 10
RPT = N // ND
RCH = 40
NRC = RPT // RCH
L = 16


def _seg_sum_sc(table, src, dst, zeros_rows):
    mesh = plsc.VectorSubcoreMesh(core_axis_name="c", subcore_axis_name="s",
                                  num_cores=NC, num_subcores=NS)

    scratch = [
        pltpu.VMEM((EPW,), jnp.int32),
        pltpu.VMEM((EPW,), jnp.int32),
        pltpu.VMEM((3, CP), jnp.int32),
        pltpu.VMEM((1, L), jnp.int32),
        pltpu.VMEM((CP, D), jnp.float32),
        pltpu.VMEM((CP, D), jnp.float32),
        pltpu.VMEM((CP, D), jnp.float32),
        pltpu.VMEM_SHARED((N, D), jnp.float32),
        pltpu.SemaphoreType.DMA,
        pltpu.SemaphoreType.DMA,
        pltpu.SemaphoreType.DMA,
        pltpu.SemaphoreType.DMA,
    ]

    def body(table_hbm, src_hbm, dst_hbm, z_hbm, sums_hbm,
             sidx_v, didx_v, drow_v, drem_v, b0_v, b1_v, b2_v, acc_sh,
             g0, g1, g2, ssem):
        bufs = (b0_v, b1_v, b2_v)
        gsems = (g0, g1, g2)
        cid = lax.axis_index("c")
        sid = lax.axis_index("s")
        wid = cid * NS + sid

        row0 = sid * RPT

        @pl.when(sid < ND)
        def _zero():
            pltpu.sync_copy(z_hbm, b0_v.at[pl.ds(0, RCH)])

            def zstep(j, carry):
                pltpu.sync_copy(b0_v.at[pl.ds(0, RCH)],
                                acc_sh.at[pl.ds(row0 + j * RCH, RCH)])
                return carry

            lax.fori_loop(0, NRC, zstep, 0)

        ebase = wid * EPW
        pltpu.sync_copy(src_hbm.at[pl.ds(ebase, EPW)], sidx_v)
        pltpu.sync_copy(dst_hbm.at[pl.ds(ebase, EPW)], didx_v)
        plsc.subcore_barrier()

        pltpu.async_copy(
            table_hbm.at[sidx_v.at[pl.ds(NCP * CP, REM)]],
            b0_v.at[pl.ds(0, REM)], g0).wait()
        drem_v[0, :] = didx_v[pl.ds(NCP * CP, REM)]
        pltpu.sync_copy(b0_v.at[pl.ds(0, REM)], acc_sh.at[drem_v.at[0]],
                        add=True)

        def gather_start(i, r):
            pltpu.async_copy(
                table_hbm.at[sidx_v.at[pl.ds(i * CP, CP)]], bufs[r], gsems[r])

        def gather_wait(r):
            pltpu.make_async_copy(
                table_hbm.at[sidx_v.at[pl.ds(0, CP)]], bufs[r], gsems[r]).wait()

        def scatter_start(i, r):
            for k in range(CP // L):
                drow_v[r, pl.ds(k * L, L)] = didx_v[pl.ds(i * CP + k * L, L)]
            pltpu.async_copy(bufs[r], acc_sh.at[drow_v.at[r]], ssem, add=True)

        def scatter_wait(r):
            pltpu.make_async_copy(bufs[r], acc_sh.at[drow_v.at[r]], ssem).wait()

        gather_start(0, 0)
        gather_start(1, 1)
        gather_wait(0)
        scatter_start(0, 0)
        gather_start(2, 2)

        def step(j, carry):
            for k in range(3):
                i = 3 * j + 1 + k
                r = (1 + k) % 3
                gather_wait(r)
                scatter_wait((r + 2) % 3)
                scatter_start(i, r)
                gather_start(i + 2, (r + 2) % 3)
            return carry

        lax.fori_loop(0, (NCP - 3) // 3, step, 0)
        for i in (NCP - 2, NCP - 1):
            r = i % 3
            gather_wait(r)
            scatter_wait((r + 2) % 3)
            scatter_start(i, r)
        scatter_wait((NCP - 1) % 3)
        plsc.subcore_barrier()

        @pl.when(sid < ND)
        def _drain():
            def dstep(j, carry):
                r = row0 + j * RCH
                pltpu.sync_copy(acc_sh.at[pl.ds(r, RCH)], b0_v.at[pl.ds(0, RCH)])
                pltpu.sync_copy(b0_v.at[pl.ds(0, RCH)],
                                sums_hbm.at[cid, pl.ds(r, RCH)])
                return carry

            lax.fori_loop(0, NRC, dstep, 0)

    k = pl.kernel(body, out_type=jax.ShapeDtypeStruct((NC, N, D), jnp.float32),
                  mesh=mesh, scratch_types=scratch,
                  compiler_params=pltpu.CompilerParams(needs_layout_passes=False))
    return k(table, src, dst, zeros_rows)


def _counts_sc(dst, zeros_hist):
    mesh = plsc.VectorSubcoreMesh(core_axis_name="c", subcore_axis_name="s",
                                  num_cores=NC, num_subcores=NS)

    scratch = [
        pltpu.VMEM((EPW,), jnp.int32),
        pltpu.VMEM((N,), jnp.float32),
    ]

    def body(dst_hbm, zh_hbm, cnts_hbm, didx_v, hist_v):
        cid = lax.axis_index("c")
        sid = lax.axis_index("s")
        wid = cid * NS + sid

        pltpu.sync_copy(zh_hbm, hist_v)
        pltpu.sync_copy(dst_hbm.at[pl.ds(wid * EPW, EPW)], didx_v)

        ones_l = jnp.ones((L,), jnp.float32)

        def step(i, carry):
            for k in range(C // L):
                idx = didx_v[pl.ds(i * C + k * L, L)]
                plsc.addupdate_scatter(hist_v, [idx], ones_l)
            return carry

        lax.fori_loop(0, NCHUNK, step, 0)
        pltpu.sync_copy(hist_v, cnts_hbm.at[cid, sid])

    k = pl.kernel(body, out_type=jax.ShapeDtypeStruct((NC, NS, N), jnp.float32),
                  mesh=mesh, scratch_types=scratch,
                  compiler_params=pltpu.CompilerParams(needs_layout_passes=False))
    return k(dst, zeros_hist)


def _sage_tc_body(relu, sums_ref, cnts_ref, x_ref, wl_ref, wr_ref, bl_ref, o_ref):
    s = sums_ref[0] + sums_ref[1]
    c = jnp.sum(cnts_ref[...], axis=1, keepdims=True)
    mean = s / jnp.maximum(c, 1.0)
    y = lax.dot_general(mean, wl_ref[...], (((1,), (1,)), ((), ())),
                        preferred_element_type=jnp.float32)
    y += lax.dot_general(x_ref[...], wr_ref[...], (((1,), (1,)), ((), ())),
                         preferred_element_type=jnp.float32)
    y += bl_ref[...]
    o_ref[...] = jnp.maximum(y, 0.0) if relu else y


def _sage_tc(sums, cnts, x, Wl, Wr, bl, relu):
    BN = 2000
    grid = (N // BN,)
    return pl.pallas_call(
        functools.partial(_sage_tc_body, relu),
        grid=grid,
        in_specs=[
            pl.BlockSpec((NC, BN, D), lambda i: (0, i, 0)),
            pl.BlockSpec((BN, NW), lambda i: (i, 0)),
            pl.BlockSpec((BN, D), lambda i: (i, 0)),
            pl.BlockSpec((D, D), lambda i: (0, 0)),
            pl.BlockSpec((D, D), lambda i: (0, 0)),
            pl.BlockSpec((1, D), lambda i: (0, 0)),
        ],
        out_specs=pl.BlockSpec((BN, D), lambda i: (i, 0)),
        out_shape=jax.ShapeDtypeStruct((N, D), jnp.float32),
    )(sums, cnts, x, Wl, Wr, bl)


def kernel(x, edge_index, W1l, b1l, W1r, W2l, b2l, W2r):
    src = edge_index[0]
    dst = edge_index[1]
    zeros_rows = jnp.zeros((RCH, D), jnp.float32)
    zeros_hist = jnp.zeros((N,), jnp.float32)

    cnts = _counts_sc(dst, zeros_hist)
    cnts_t = cnts.reshape(NW, N).T
    sums1 = _seg_sum_sc(x, src, dst, zeros_rows)
    h = _sage_tc(sums1, cnts_t, x, W1l, W1r, b1l.reshape(1, D), relu=True)
    sums2 = _seg_sum_sc(h, src, dst, zeros_rows)
    out = _sage_tc(sums2, cnts_t, h, W2l, W2r, b2l.reshape(1, D), relu=False)
    return out

# --- scband reference (transcript-rebuilt; emitter-appended) ---
"""Pipeline reference for scband-temporal-gnn-46514495815770 (READ-ONLY COPY).

The authoritative reference and input builder live on the scoring server;
editing this copy changes nothing except your own understanding.
"""

import jax, jax.numpy as jnp
import numpy as np

N = 10000
E = 320000
D_IN = 128
D_HID = 128
D_OUT = 128


def _glorot(key, shape):
    fan_in = shape[1]
    bound = 1.0 / np.sqrt(fan_in)
    return jax.random.uniform(key, shape, jnp.float32, -bound, bound)


def setup_inputs(seed: int = 0) -> dict:
    key = jax.random.key(seed)
    ks = jax.random.split(key, 8)
    x = jax.random.normal(ks[0], (N, D_IN), dtype=jnp.float32)
    edge_index = jax.random.randint(ks[1], (2, E), 0, N)
    # SAGEConv layer 1: lin_l (on aggregated neighbors, with bias), lin_r (on root, no bias)
    W1l = _glorot(ks[2], (D_HID, D_IN))
    b1l = jnp.zeros((D_HID,), jnp.float32)
    W1r = _glorot(ks[3], (D_HID, D_IN))
    # SAGEConv layer 2
    W2l = _glorot(ks[4], (D_OUT, D_HID))
    b2l = jnp.zeros((D_OUT,), jnp.float32)
    W2r = _glorot(ks[5], (D_OUT, D_HID))
    return {"x": x, "edge_index": edge_index, "W1l": W1l, "b1l": b1l, "W1r": W1r, "W2l": W2l, "b2l": b2l, "W2r": W2r}


def _sage_conv(x, src, dst, Wl, bl, Wr):
    # PyG SAGEConv with mean aggregation:
    # out = lin_l(mean_{j in N(i)} x_j) + lin_r(x_i)
    msgs = jnp.take(x, src, axis=0)  # gather source node features per edge
    summed = jax.ops.segment_sum(msgs, dst, num_segments=N)
    counts = jax.ops.segment_sum(jnp.ones((src.shape[0], 1), x.dtype), dst, num_segments=N)
    mean_agg = summed / jnp.clip(counts, 1.0, None)
    return mean_agg @ Wl.T + bl + x @ Wr.T


def reference(x, edge_index, W1l, b1l, W1r, W2l, b2l, W2r):
    src = edge_index[0]
    dst = edge_index[1]
    h = _sage_conv(x, src, dst, W1l, b1l, W1r)
    h = jax.nn.relu(h)
    out = _sage_conv(h, src, dst, W2l, b2l, W2r)
    return out

if __name__ == "__main__":
    import jax
    _d = setup_inputs()
    print(jax.jit(kernel)(*tuple(_d.values())))

</pallas_src>

<mosaic_0001>
#map = affine_map<(d0, d1) -> (0)>
#map1 = affine_map<(d0, d1) -> (0, 0, 0)>
module attributes {stable_mosaic.version = 14 : i64} {
  func.func @body(%arg0: i32, %arg1: i32, %arg2: memref<320000xi32, #tpu.memory_space<hbm>>, %arg3: memref<10000xf32, #tpu.memory_space<hbm>>, %arg4: memref<2x16x10000xf32, #tpu.memory_space<hbm>>, %arg5: memref<10000xi32, #tpu.memory_space<vmem>>, %arg6: memref<10000xf32, #tpu.memory_space<vmem>>) attributes {dimension_semantics = [#tpu.dimension_semantics<core_parallel>, #tpu.dimension_semantics<subcore_parallel>], iteration_bounds = array<i64: 2, 16>, scalar_prefetch = 0 : i64, scratch_operands = 2 : i64, tpu.core_type = #tpu.core_type<sc_vector_subcore>, window_params = [{transform_indices = #map}, {transform_indices = #map}, {transform_indices = #map1}]} {
    %mul3A = arith.constant 16 : i32
    %mul3A_0 = arith.muli %arg0, %mul3A : i32
    %add3A = arith.addi %mul3A_0, %arg1 : i32
    "tpu.region"() ({
      %run_scoped3A = tpu.sem_alloc : memref<!tpu.dma_semaphore, #tpu.memory_space<semaphore_mem>>
      tpu.enqueue_dma source(%arg3 : memref<10000xf32, #tpu.memory_space<hbm>>) target(%arg6 : memref<10000xf32, #tpu.memory_space<vmem>>) target_semaphore(%run_scoped3A : memref<!tpu.dma_semaphore, #tpu.memory_space<semaphore_mem>>)
      tpu.wait_dma2 semaphore(%run_scoped3A : memref<!tpu.dma_semaphore, #tpu.memory_space<semaphore_mem>>) src(%arg3 : memref<10000xf32, #tpu.memory_space<hbm>>) dst(%arg6 : memref<10000xf32, #tpu.memory_space<vmem>>)
      tpu.yield
    }) : () -> ()
    %mul3A_1 = arith.constant 10000 : i32
    %mul3A_2 = arith.muli %add3A, %mul3A_1 : i32
    "tpu.region"() ({
      %run_scoped3A = tpu.sem_alloc : memref<!tpu.dma_semaphore, #tpu.memory_space<semaphore_mem>>
      %dma_start3A = tpu.memref_slice %arg2[%mul3A_2] : memref<320000xi32, #tpu.memory_space<hbm>> -> memref<10000xi32, #tpu.memory_space<hbm>>
      %dma_start3A_9 = tpu.memref_slice %arg2[%mul3A_2] : memref<320000xi32, #tpu.memory_space<hbm>> -> memref<10000xi32, #tpu.memory_space<hbm>>
      tpu.enqueue_dma source(%dma_start3A_9 : memref<10000xi32, #tpu.memory_space<hbm>>) target(%arg5 : memref<10000xi32, #tpu.memory_space<vmem>>) target_semaphore(%run_scoped3A : memref<!tpu.dma_semaphore, #tpu.memory_space<semaphore_mem>>)
      %dma_wait3A = tpu.memref_slice %arg2[%mul3A_2] : memref<320000xi32, #tpu.memory_space<hbm>> -> memref<10000xi32, #tpu.memory_space<hbm>>
      %dma_wait3A_10 = tpu.memref_slice %arg2[%mul3A_2] : memref<320000xi32, #tpu.memory_space<hbm>> -> memref<10000xi32, #tpu.memory_space<hbm>>
      tpu.wait_dma2 semaphore(%run_scoped3A : memref<!tpu.dma_semaphore, #tpu.memory_space<semaphore_mem>>) src(%dma_wait3A_10 : memref<10000xi32, #tpu.memory_space<hbm>>) dst(%arg5 : memref<10000xi32, #tpu.memory_space<vmem>>)
      tpu.yield
    }) : () -> ()
    %broadcast_in_dim3A = arith.constant 1.000000e+00 : f32
    %broadcast_in_dim3A_3 = vector.broadcast %broadcast_in_dim3A : f32 to vector<16xf32>
    %scan3A = arith.constant 0 : i32
    %scan3A_4 = arith.constant 0 : i32
    %scan3A_5 = arith.constant 125 : i32
    %scan3A_6 = arith.addi %scan3A_4, %scan3A_5 : i32
    %scan3A_7 = arith.constant 1 : i32
    scf.for %scan3A_9 = %scan3A_4 to %scan3A_6 step %scan3A_7  : i32 {
      %mul3A_10 = arith.constant 80 : i32
      %mul3A_11 = arith.muli %scan3A_9, %mul3A_10 : i32
      %add3A_12 = arith.constant 0 : i32
      %add3A_13 = arith.addi %mul3A_11, %add3A_12 : i32
      %get3A = arith.index_cast %add3A_13 : i32 to index
      %get3A_14 = tpu.vector_load %arg5[%get3A] {strides = array<i32>} : memref<10000xi32, #tpu.memory_space<vmem>>, vector<16xi32>,
      tpu.vector_store_idx %arg6[%get3A_14], %broadcast_in_dim3A_3 {add = true} : memref<10000xf32, #tpu.memory_space<vmem>>[vector<16xi32>], vector<16xf32>,
      %mul3A_15 = arith.constant 80 : i32
      %mul3A_16 = arith.muli %scan3A_9, %mul3A_15 : i32
      %add3A_17 = arith.constant 16 : i32
      %add3A_18 = arith.addi %mul3A_16, %add3A_17 : i32
      %get3A_19 = arith.index_cast %add3A_18 : i32 to index
      %get3A_20 = tpu.vector_load %arg5[%get3A_19] {strides = array<i32>} : memref<10000xi32, #tpu.memory_space<vmem>>, vector<16xi32>,
      tpu.vector_store_idx %arg6[%get3A_20], %broadcast_in_dim3A_3 {add = true} : memref<10000xf32, #tpu.memory_space<vmem>>[vector<16xi32>], vector<16xf32>,
      %mul3A_21 = arith.constant 80 : i32
      %mul3A_22 = arith.muli %scan3A_9, %mul3A_21 : i32
      %add3A_23 = arith.constant 32 : i32
      %add3A_24 = arith.addi %mul3A_22, %add3A_23 : i32
      %get3A_25 = arith.index_cast %add3A_24 : i32 to index
      %get3A_26 = tpu.vector_load %arg5[%get3A_25] {strides = array<i32>} : memref<10000xi32, #tpu.memory_space<vmem>>, vector<16xi32>,
      tpu.vector_store_idx %arg6[%get3A_26], %broadcast_in_dim3A_3 {add = true} : memref<10000xf32, #tpu.memory_space<vmem>>[vector<16xi32>], vector<16xf32>,
      %mul3A_27 = arith.constant 80 : i32
      %mul3A_28 = arith.muli %scan3A_9, %mul3A_27 : i32
      %add3A_29 = arith.constant 48 : i32
      %add3A_30 = arith.addi %mul3A_28, %add3A_29 : i32
      %get3A_31 = arith.index_cast %add3A_30 : i32 to index
      %get3A_32 = tpu.vector_load %arg5[%get3A_31] {strides = array<i32>} : memref<10000xi32, #tpu.memory_space<vmem>>, vector<16xi32>,
      tpu.vector_store_idx %arg6[%get3A_32], %broadcast_in_dim3A_3 {add = true} : memref<10000xf32, #tpu.memory_space<vmem>>[vector<16xi32>], vector<16xf32>,
      %mul3A_33 = arith.constant 80 : i32
      %mul3A_34 = arith.muli %scan3A_9, %mul3A_33 : i32
      %add3A_35 = arith.constant 64 : i32
      %add3A_36 = arith.addi %mul3A_34, %add3A_35 : i32
      %get3A_37 = arith.index_cast %add3A_36 : i32 to index
      %get3A_38 = tpu.vector_load %arg5[%get3A_37] {strides = array<i32>} : memref<10000xi32, #tpu.memory_space<vmem>>, vector<16xi32>,
      tpu.vector_store_idx %arg6[%get3A_38], %broadcast_in_dim3A_3 {add = true} : memref<10000xf32, #tpu.memory_space<vmem>>[vector<16xi32>], vector<16xf32>,
    }
    %scan3A_8 = arith.constant 125 : i32
    "tpu.region"() ({
      %run_scoped3A = tpu.sem_alloc : memref<!tpu.dma_semaphore, #tpu.memory_space<semaphore_mem>>
      %dma_start3A = arith.constant 0 : i32
      %dma_start3A_9 = tpu.memref_slice %arg4[%arg0, %arg1, %dma_start3A] : memref<2x16x10000xf32, #tpu.memory_space<hbm>> -> memref<1x1x10000xf32, #tpu.memory_space<hbm>>
      %dma_start3A_10 = tpu.memref_squeeze %dma_start3A_9 : memref<1x1x10000xf32, #tpu.memory_space<hbm>> -> memref<10000xf32, #tpu.memory_space<hbm>>
      %dma_start3A_11 = arith.constant 0 : i32
      %dma_start3A_12 = tpu.memref_slice %arg4[%arg0, %arg1, %dma_start3A_11] : memref<2x16x10000xf32, #tpu.memory_space<hbm>> -> memref<1x1x10000xf32, #tpu.memory_space<hbm>>
      %dma_start3A_13 = tpu.memref_squeeze %dma_start3A_12 : memref<1x1x10000xf32, #tpu.memory_space<hbm>> -> memref<10000xf32, #tpu.memory_space<hbm>>
      tpu.enqueue_dma source(%arg6 : memref<10000xf32, #tpu.memory_space<vmem>>) target(%dma_start3A_13 : memref<10000xf32, #tpu.memory_space<hbm>>) target_semaphore(%run_scoped3A : memref<!tpu.dma_semaphore, #tpu.memory_space<semaphore_mem>>)
      %dma_wait3A = arith.constant 0 : i32
      %dma_wait3A_14 = tpu.memref_slice %arg4[%arg0, %arg1, %dma_wait3A] : memref<2x16x10000xf32, #tpu.memory_space<hbm>> -> memref<1x1x10000xf32, #tpu.memory_space<hbm>>
      %dma_wait3A_15 = tpu.memref_squeeze %dma_wait3A_14 : memref<1x1x10000xf32, #tpu.memory_space<hbm>> -> memref<10000xf32, #tpu.memory_space<hbm>>
      %dma_wait3A_16 = arith.constant 0 : i32
      %dma_wait3A_17 = tpu.memref_slice %arg4[%arg0, %arg1, %dma_wait3A_16] : memref<2x16x10000xf32, #tpu.memory_space<hbm>> -> memref<1x1x10000xf32, #tpu.memory_space<hbm>>
      %dma_wait3A_18 = tpu.memref_squeeze %dma_wait3A_17 : memref<1x1x10000xf32, #tpu.memory_space<hbm>> -> memref<10000xf32, #tpu.memory_space<hbm>>
      tpu.wait_dma2 semaphore(%run_scoped3A : memref<!tpu.dma_semaphore, #tpu.memory_space<semaphore_mem>>) src(%arg6 : memref<10000xf32, #tpu.memory_space<vmem>>) dst(%dma_wait3A_18 : memref<10000xf32, #tpu.memory_space<hbm>>)
      tpu.yield
    }) : () -> ()
    return
  }
}

#map = affine_map<(d0, d1) -> (0, 0)>
#map1 = affine_map<(d0, d1) -> (0)>
#map2 = affine_map<(d0, d1) -> (0, 0, 0)>
module attributes {stable_mosaic.version = 14 : i64} {
  func.func @body(%arg0: i32, %arg1: i32, %arg2: memref<10000x128xf32, #tpu.memory_space<hbm>>, %arg3: memref<320000xi32, #tpu.memory_space<hbm>>, %arg4: memref<320000xi32, #tpu.memory_space<hbm>>, %arg5: memref<40x128xf32, #tpu.memory_space<hbm>>, %arg6: memref<2x10000x128xf32, #tpu.memory_space<hbm>>, %arg7: memref<10000xi32, #tpu.memory_space<vmem>>, %arg8: memref<10000xi32, #tpu.memory_space<vmem>>, %arg9: memref<3x64xi32, #tpu.memory_space<vmem>>, %arg10: memref<1x16xi32, #tpu.memory_space<vmem>>, %arg11: memref<64x128xf32, #tpu.memory_space<vmem>>, %arg12: memref<64x128xf32, #tpu.memory_space<vmem>>, %arg13: memref<64x128xf32, #tpu.memory_space<vmem>>, %arg14: memref<10000x128xf32, #tpu.memory_space<vmem_shared>>, %arg15: memref<!tpu.dma_semaphore, #tpu.memory_space<semaphore_mem>>, %arg16: memref<!tpu.dma_semaphore, #tpu.memory_space<semaphore_mem>>, %arg17: memref<!tpu.dma_semaphore, #tpu.memory_space<semaphore_mem>>, %arg18: memref<!tpu.dma_semaphore, #tpu.memory_space<semaphore_mem>>) attributes {dimension_semantics = [#tpu.dimension_semantics<core_parallel>, #tpu.dimension_semantics<subcore_parallel>], iteration_bounds = array<i64: 2, 16>, scalar_prefetch = 0 : i64, scratch_operands = 12 : i64, tpu.core_type = #tpu.core_type<sc_vector_subcore>, window_params = [{transform_indices = #map}, {transform_indices = #map1}, {transform_indices = #map1}, {transform_indices = #map}, {transform_indices = #map2}]} {
    %mul3A = arith.constant 16 : i32
    %mul3A_0 = arith.muli %arg0, %mul3A : i32
    %add3A = arith.addi %mul3A_0, %arg1 : i32
    %mul3A_1 = arith.constant 1000 : i32
    %mul3A_2 = arith.muli %arg1, %mul3A_1 : i32
    %lt3A = arith.constant 10 : i32
    %lt3A_3 = arith.cmpi slt, %arg1, %lt3A : i32
    %convert_element_type3A = arith.extui %lt3A_3 : i1 to i32
    %cond3A = arith.constant 0 : i32
    %cond3A_4 = arith.cmpi ne, %convert_element_type3A, %cond3A : i32
    scf.if %cond3A_4 {
      "tpu.region"() ({
        %run_scoped3A_186 = tpu.sem_alloc : memref<!tpu.dma_semaphore, #tpu.memory_space<semaphore_mem>>
        %dma_start3A_187 = arith.constant 0 : i32
        %dma_start3A_188 = arith.constant 0 : i32
        %dma_start3A_189 = tpu.memref_slice %arg11[%dma_start3A_187, %dma_start3A_188] : memref<64x128xf32, #tpu.memory_space<vmem>> -> memref<40x128xf32, #tpu.memory_space<vmem>>
        %dma_start3A_190 = arith.constant 0 : i32
        %dma_start3A_191 = arith.constant 0 : i32
        %dma_start3A_192 = tpu.memref_slice %arg11[%dma_start3A_190, %dma_start3A_191] : memref<64x128xf32, #tpu.memory_space<vmem>> -> memref<40x128xf32, #tpu.memory_space<vmem>>
        tpu.enqueue_dma source(%arg5 : memref<40x128xf32, #tpu.memory_space<hbm>>) target(%dma_start3A_192 : memref<40x128xf32, #tpu.memory_space<vmem>>) target_semaphore(%run_scoped3A_186 : memref<!tpu.dma_semaphore, #tpu.memory_space<semaphore_mem>>)
        %dma_wait3A_193 = arith.constant 0 : i32
        %dma_wait3A_194 = arith.constant 0 : i32
        %dma_wait3A_195 = tpu.memref_slice %arg11[%dma_wait3A_193, %dma_wait3A_194] : memref<64x128xf32, #tpu.memory_space<vmem>> -> memref<40x128xf32, #tpu.memory_space<vmem>>
        %dma_wait3A_196 = arith.constant 0 : i32
        %dma_wait3A_197 = arith.constant 0 : i32
        %dma_wait3A_198 = tpu.memref_slice %arg11[%dma_wait3A_196, %dma_wait3A_197] : memref<64x128xf32, #tpu.memory_space<vmem>> -> memref<40x128xf32, #tpu.memory_space<vmem>>
        tpu.wait_dma2 semaphore(%run_scoped3A_186 : memref<!tpu.dma_semaphore, #tpu.memory_space<semaphore_mem>>) src(%arg5 : memref<40x128xf32, #tpu.memory_space<hbm>>) dst(%dma_wait3A_198 : memref<40x128xf32, #tpu.memory_space<vmem>>)
        tpu.yield
      }) : () -> ()
      %scan3A_180 = arith.constant 0 : i32
      %scan3A_181 = arith.constant 0 : i32
      %scan3A_182 = arith.constant 25 : i32
      %scan3A_183 = arith.addi %scan3A_181, %scan3A_182 : i32
      %scan3A_184 = arith.constant 1 : i32
      scf.for %scan3A_186 = %scan3A_181 to %scan3A_183 step %scan3A_184  : i32 {
        %mul3A_187 = arith.constant 40 : i32
        %mul3A_188 = arith.muli %scan3A_186, %mul3A_187 : i32
        %add3A_189 = arith.addi %mul3A_2, %mul3A_188 : i32
        "tpu.region"() ({
          %run_scoped3A_190 = tpu.sem_alloc : memref<!tpu.dma_semaphore, #tpu.memory_space<semaphore_mem>>
          %dma_start3A_191 = arith.constant 0 : i32
          %dma_start3A_192 = arith.constant 0 : i32
          %dma_start3A_193 = tpu.memref_slice %arg11[%dma_start3A_191, %dma_start3A_192] : memref<64x128xf32, #tpu.memory_space<vmem>> -> memref<40x128xf32, #tpu.memory_space<vmem>>
          %dma_start3A_194 = arith.constant 0 : i32
          %dma_start3A_195 = tpu.memref_slice %arg14[%add3A_189, %dma_start3A_194] : memref<10000x128xf32, #tpu.memory_space<vmem_shared>> -> memref<40x128xf32, #tpu.memory_space<vmem_shared>>
          %dma_start3A_196 = arith.constant 0 : i32
          %dma_start3A_197 = tpu.memref_slice %arg14[%add3A_189, %dma_start3A_196] : memref<10000x128xf32, #tpu.memory_space<vmem_shared>> -> memref<40x128xf32, #tpu.memory_space<vmem_shared>>
          %dma_start3A_198 = arith.constant 0 : i32
          %dma_start3A_199 = arith.constant 0 : i32
          %dma_start3A_200 = tpu.memref_slice %arg11[%dma_start3A_198, %dma_start3A_199] : memref<64x128xf32, #tpu.memory_space<vmem>> -> memref<40x128xf32, #tpu.memory_space<vmem>>
          tpu.enqueue_dma source(%dma_start3A_200 : memref<40x128xf32, #tpu.memory_space<vmem>>) target(%dma_start3A_197 : memref<40x128xf32, #tpu.memory_space<vmem_shared>>) target_semaphore(%run_scoped3A_190 : memref<!tpu.dma_semaphore, #tpu.memory_space<semaphore_mem>>)
          %dma_wait3A_201 = arith.constant 0 : i32
          %dma_wait3A_202 = arith.constant 0 : i32
          %dma_wait3A_203 = tpu.memref_slice %arg11[%dma_wait3A_201, %dma_wait3A_202] : memref<64x128xf32, #tpu.memory_space<vmem>> -> memref<40x128xf32, #tpu.memory_space<vmem>>
          %dma_wait3A_204 = arith.constant 0 : i32
          %dma_wait3A_205 = tpu.memref_slice %arg14[%add3A_189, %dma_wait3A_204] : memref<10000x128xf32, #tpu.memory_space<vmem_shared>> -> memref<40x128xf32, #tpu.memory_space<vmem_shared>>
          %dma_wait3A_206 = arith.constant 0 : i32
          %dma_wait3A_207 = tpu.memref_slice %arg14[%add3A_189, %dma_wait3A_206] : memref<10000x128xf32, #tpu.memory_space<vmem_shared>> -> memref<40x128xf32, #tpu.memory_space<vmem_shared>>
          %dma_wait3A_208 = arith.constant 0 : i32
          %dma_wait3A_209 = arith.constant 0 : i32
          %dma_wait3A_210 = tpu.memref_slice %arg11[%dma_wait3A_208, %dma_wait3A_209] : memref<64x128xf32, #tpu.memory_space<vmem>> -> memref<40x128xf32, #tpu.memory_space<vmem>>
          tpu.wait_dma2 semaphore(%run_scoped3A_190 : memref<!tpu.dma_semaphore, #tpu.memory_space<semaphore_mem>>) src(%dma_wait3A_210 : memref<40x128xf32, #tpu.memory_space<vmem>>) dst(%dma_wait3A_207 : memref<40x128xf32, #tpu.memory_space<vmem_shared>>)
          tpu.yield
        }) : () -> ()
      }
      %scan3A_185 = arith.constant 25 : i32
    } else {
    }
    %mul3A_5 = arith.constant 10000 : i32
    %mul3A_6 = arith.muli %add3A, %mul3A_5 : i32
    "tpu.region"() ({
      %run_scoped3A_180 = tpu.sem_alloc : memref<!tpu.dma_semaphore, #tpu.memory_space<semaphore_mem>>
      %dma_start3A_181 = tpu.memref_slice %arg3[%mul3A_6] : memref<320000xi32, #tpu.memory_space<hbm>> -> memref<10000xi32, #tpu.memory_space<hbm>>
      %dma_start3A_182 = tpu.memref_slice %arg3[%mul3A_6] : memref<320000xi32, #tpu.memory_space<hbm>> -> memref<10000xi32, #tpu.memory_space<hbm>>
      tpu.enqueue_dma source(%dma_start3A_182 : memref<10000xi32, #tpu.memory_space<hbm>>) target(%arg7 : memref<10000xi32, #tpu.memory_space<vmem>>) target_semaphore(%run_scoped3A_180 : memref<!tpu.dma_semaphore, #tpu.memory_space<semaphore_mem>>)
      %dma_wait3A_183 = tpu.memref_slice %arg3[%mul3A_6] : memref<320000xi32, #tpu.memory_space<hbm>> -> memref<10000xi32, #tpu.memory_space<hbm>>
      %dma_wait3A_184 = tpu.memref_slice %arg3[%mul3A_6] : memref<320000xi32, #tpu.memory_space<hbm>> -> memref<10000xi32, #tpu.memory_space<hbm>>
      tpu.wait_dma2 semaphore(%run_scoped3A_180 : memref<!tpu.dma_semaphore, #tpu.memory_space<semaphore_mem>>) src(%dma_wait3A_184 : memref<10000xi32, #tpu.memory_space<hbm>>) dst(%arg7 : memref<10000xi32, #tpu.memory_space<vmem>>)
      tpu.yield
    }) : () -> ()
    "tpu.region"() ({
      %run_scoped3A_180 = tpu.sem_alloc : memref<!tpu.dma_semaphore, #tpu.memory_space<semaphore_mem>>
      %dma_start3A_181 = tpu.memref_slice %arg4[%mul3A_6] : memref<320000xi32, #tpu.memory_space<hbm>> -> memref<10000xi32, #tpu.memory_space<hbm>>
      %dma_start3A_182 = tpu.memref_slice %arg4[%mul3A_6] : memref<320000xi32, #tpu.memory_space<hbm>> -> memref<10000xi32, #tpu.memory_space<hbm>>
      tpu.enqueue_dma source(%dma_start3A_182 : memref<10000xi32, #tpu.memory_space<hbm>>) target(%arg8 : memref<10000xi32, #tpu.memory_space<vmem>>) target_semaphore(%run_scoped3A_180 : memref<!tpu.dma_semaphore, #tpu.memory_space<semaphore_mem>>)
      %dma_wait3A_183 = tpu.memref_slice %arg4[%mul3A_6] : memref<320000xi32, #tpu.memory_space<hbm>> -> memref<10000xi32, #tpu.memory_space<hbm>>
      %dma_wait3A_184 = tpu.memref_slice %arg4[%mul3A_6] : memref<320000xi32, #tpu.memory_space<hbm>> -> memref<10000xi32, #tpu.memory_space<hbm>>
      tpu.wait_dma2 semaphore(%run_scoped3A_180 : memref<!tpu.dma_semaphore, #tpu.memory_space<semaphore_mem>>) src(%dma_wait3A_184 : memref<10000xi32, #tpu.memory_space<hbm>>) dst(%arg8 : memref<10000xi32, #tpu.memory_space<vmem>>)
      tpu.yield
    }) : () -> ()
    %barrier3A = arith.constant 0 : index
    tpu.barrier barrier_id(%barrier3A)
    %dma_start3A = arith.constant 0 : i32
    %dma_start3A_7 = arith.constant 0 : i32
    %dma_start3A_8 = tpu.memref_slice %arg11[%dma_start3A, %dma_start3A_7] : memref<64x128xf32, #tpu.memory_space<vmem>> -> memref<16x128xf32, #tpu.memory_space<vmem>>
    %dma_start3A_9 = arith.constant 9984 : i32
    %dma_start3A_10 = tpu.memref_slice %arg7[%dma_start3A_9] : memref<10000xi32, #tpu.memory_space<vmem>> -> memref<16xi32, #tpu.memory_space<vmem>>
    %dma_start3A_11 = arith.constant 0 : i32
    %dma_start3A_12 = arith.constant 0 : i32
    %dma_start3A_13 = tpu.memref_slice %arg2[%dma_start3A_11, %dma_start3A_12] : memref<10000x128xf32, #tpu.memory_space<hbm>> -> memref<10000x128xf32, #tpu.memory_space<hbm>>
    tpu.enqueue_indirect_dma source(%dma_start3A_13 : memref<10000x128xf32, #tpu.memory_space<hbm>>) target(%dma_start3A_8 : memref<16x128xf32, #tpu.memory_space<vmem>>) offsets(%dma_start3A_10 : memref<16xi32, #tpu.memory_space<vmem>>) semaphore(%arg15 : memref<!tpu.dma_semaphore, #tpu.memory_space<semaphore_mem>>)
    %dma_wait3A = arith.constant 0 : i32
    %dma_wait3A_14 = arith.constant 0 : i32
    %dma_wait3A_15 = tpu.memref_slice %arg11[%dma_wait3A, %dma_wait3A_14] : memref<64x128xf32, #tpu.memory_space<vmem>> -> memref<16x128xf32, #tpu.memory_space<vmem>>
    %dma_wait3A_16 = arith.constant 9984 : i32
    %dma_wait3A_17 = tpu.memref_slice %arg7[%dma_wait3A_16] : memref<10000xi32, #tpu.memory_space<vmem>> -> memref<16xi32, #tpu.memory_space<vmem>>
    %dma_wait3A_18 = arith.constant 0 : i32
    %dma_wait3A_19 = arith.constant 0 : i32
    %dma_wait3A_20 = tpu.memref_slice %arg2[%dma_wait3A_18, %dma_wait3A_19] : memref<10000x128xf32, #tpu.memory_space<hbm>> -> memref<10000x128xf32, #tpu.memory_space<hbm>>
    tpu.wait_indirect_dma semaphore(%arg15 : memref<!tpu.dma_semaphore, #tpu.memory_space<semaphore_mem>>) src(%dma_wait3A_20 : memref<10000x128xf32, #tpu.memory_space<hbm>>) dst(%dma_wait3A_15 : memref<16x128xf32, #tpu.memory_space<vmem>>)
    %get3A = arith.constant 9984 : index
    %get3A_21 = tpu.vector_load %arg8[%get3A] {strides = array<i32>} : memref<10000xi32, #tpu.memory_space<vmem>>, vector<16xi32>,
    %swap3A = arith.constant 0 : i32
    %swap3A_22 = arith.index_cast %swap3A : i32 to index
    %swap3A_23 = arith.constant 0 : index
    %swap3A_24 = tpu.vector_load %arg10[%swap3A_22, %swap3A_23] {strides = array<i32>} : memref<1x16xi32, #tpu.memory_space<vmem>>, vector<16xi32>,
    tpu.vector_store %arg10[%swap3A_22, %swap3A_23], %get3A_21 {strides = array<i32>} : memref<1x16xi32, #tpu.memory_space<vmem>>, vector<16xi32>,
    %run_scoped3A = arith.constant 0 : i32
    "tpu.region"() ({
      %run_scoped3A_180 = tpu.sem_alloc : memref<!tpu.dma_semaphore, #tpu.memory_space<semaphore_mem>>
      %dma_start3A_181 = arith.constant 0 : i32
      %dma_start3A_182 = arith.constant 0 : i32
      %dma_start3A_183 = tpu.memref_slice %arg11[%dma_start3A_181, %dma_start3A_182] : memref<64x128xf32, #tpu.memory_space<vmem>> -> memref<16x128xf32, #tpu.memory_space<vmem>>
      %dma_start3A_184 = arith.constant 0 : i32
      %dma_start3A_185 = tpu.memref_slice %arg10[%run_scoped3A, %dma_start3A_184] : memref<1x16xi32, #tpu.memory_space<vmem>> -> memref<1x16xi32, #tpu.memory_space<vmem>>
      %dma_start3A_186 = tpu.memref_squeeze %dma_start3A_185 : memref<1x16xi32, #tpu.memory_space<vmem>> -> memref<16xi32, #tpu.memory_space<vmem>>
      %dma_start3A_187 = arith.constant 0 : i32
      %dma_start3A_188 = arith.constant 0 : i32
      %dma_start3A_189 = tpu.memref_slice %arg14[%dma_start3A_187, %dma_start3A_188] : memref<10000x128xf32, #tpu.memory_space<vmem_shared>> -> memref<10000x128xf32, #tpu.memory_space<vmem_shared>>
      tpu.enqueue_indirect_dma source(%dma_start3A_183 : memref<16x128xf32, #tpu.memory_space<vmem>>) target(%dma_start3A_189 : memref<10000x128xf32, #tpu.memory_space<vmem_shared>>) offsets(%dma_start3A_186 : memref<16xi32, #tpu.memory_space<vmem>>) semaphore(%run_scoped3A_180 : memref<!tpu.dma_semaphore, #tpu.memory_space<semaphore_mem>>) {add = true}
      %dma_wait3A_190 = arith.constant 0 : i32
      %dma_wait3A_191 = arith.constant 0 : i32
      %dma_wait3A_192 = tpu.memref_slice %arg11[%dma_wait3A_190, %dma_wait3A_191] : memref<64x128xf32, #tpu.memory_space<vmem>> -> memref<16x128xf32, #tpu.memory_space<vmem>>
      %dma_wait3A_193 = arith.constant 0 : i32
      %dma_wait3A_194 = tpu.memref_slice %arg10[%run_scoped3A, %dma_wait3A_193] : memref<1x16xi32, #tpu.memory_space<vmem>> -> memref<1x16xi32, #tpu.memory_space<vmem>>
      %dma_wait3A_195 = tpu.memref_squeeze %dma_wait3A_194 : memref<1x16xi32, #tpu.memory_space<vmem>> -> memref<16xi32, #tpu.memory_space<vmem>>
      %dma_wait3A_196 = arith.constant 0 : i32
      %dma_wait3A_197 = arith.constant 0 : i32
      %dma_wait3A_198 = tpu.memref_slice %arg14[%dma_wait3A_196, %dma_wait3A_197] : memref<10000x128xf32, #tpu.memory_space<vmem_shared>> -> memref<10000x128xf32, #tpu.memory_space<vmem_shared>>
      tpu.wait_indirect_dma semaphore(%run_scoped3A_180 : memref<!tpu.dma_semaphore, #tpu.memory_space<semaphore_mem>>) src(%dma_wait3A_192 : memref<16x128xf32, #tpu.memory_space<vmem>>) dst(%dma_wait3A_198 : memref<10000x128xf32, #tpu.memory_space<vmem_shared>>)
      tpu.yield
    }) : () -> ()
    %dma_start3A_25 = arith.constant 0 : i32
    %dma_start3A_26 = tpu.memref_slice %arg7[%dma_start3A_25] : memref<10000xi32, #tpu.memory_space<vmem>> -> memref<64xi32, #tpu.memory_space<vmem>>
    %dma_start3A_27 = arith.constant 0 : i32
    %dma_start3A_28 = arith.constant 0 : i32
    %dma_start3A_29 = tpu.memref_slice %arg2[%dma_start3A_27, %dma_start3A_28] : memref<10000x128xf32, #tpu.memory_space<hbm>> -> memref<10000x128xf32, #tpu.memory_space<hbm>>
    tpu.enqueue_indirect_dma source(%dma_start3A_29 : memref<10000x128xf32, #tpu.memory_space<hbm>>) target(%arg11 : memref<64x128xf32, #tpu.memory_space<vmem>>) offsets(%dma_start3A_26 : memref<64xi32, #tpu.memory_space<vmem>>) semaphore(%arg15 : memref<!tpu.dma_semaphore, #tpu.memory_space<semaphore_mem>>)
    %dma_start3A_30 = arith.constant 64 : i32
    %dma_start3A_31 = tpu.memref_slice %arg7[%dma_start3A_30] : memref<10000xi32, #tpu.memory_space<vmem>> -> memref<64xi32, #tpu.memory_space<vmem>>
    %dma_start3A_32 = arith.constant 0 : i32
    %dma_start3A_33 = arith.constant 0 : i32
    %dma_start3A_34 = tpu.memref_slice %arg2[%dma_start3A_32, %dma_start3A_33] : memref<10000x128xf32, #tpu.memory_space<hbm>> -> memref<10000x128xf32, #tpu.memory_space<hbm>>
    tpu.enqueue_indirect_dma source(%dma_start3A_34 : memref<10000x128xf32, #tpu.memory_space<hbm>>) target(%arg12 : memref<64x128xf32, #tpu.memory_space<vmem>>) offsets(%dma_start3A_31 : memref<64xi32, #tpu.memory_space<vmem>>) semaphore(%arg16 : memref<!tpu.dma_semaphore, #tpu.memory_space<semaphore_mem>>)
    %dma_wait3A_35 = arith.constant 0 : i32
    %dma_wait3A_36 = tpu.memref_slice %arg7[%dma_wait3A_35] : memref<10000xi32, #tpu.memory_space<vmem>> -> memref<64xi32, #tpu.memory_space<vmem>>
    %dma_wait3A_37 = arith.constant 0 : i32
    %dma_wait3A_38 = arith.constant 0 : i32
    %dma_wait3A_39 = tpu.memref_slice %arg2[%dma_wait3A_37, %dma_wait3A_38] : memref<10000x128xf32, #tpu.memory_space<hbm>> -> memref<10000x128xf32, #tpu.memory_space<hbm>>
    tpu.wait_indirect_dma semaphore(%arg15 : memref<!tpu.dma_semaphore, #tpu.memory_space<semaphore_mem>>) src(%dma_wait3A_39 : memref<10000x128xf32, #tpu.memory_space<hbm>>) dst(%arg11 : memref<64x128xf32, #tpu.memory_space<vmem>>)
    %get3A_40 = arith.constant 0 : index
    %get3A_41 = tpu.vector_load %arg8[%get3A_40] {strides = array<i32>} : memref<10000xi32, #tpu.memory_space<vmem>>, vector<16xi32>,
    %swap3A_42 = arith.constant 0 : i32
    %swap3A_43 = arith.index_cast %swap3A_42 : i32 to index
    %swap3A_44 = arith.constant 0 : index
    %swap3A_45 = tpu.vector_load %arg9[%swap3A_43, %swap3A_44] {strides = array<i32>} : memref<3x64xi32, #tpu.memory_space<vmem>>, vector<16xi32>,
    tpu.vector_store %arg9[%swap3A_43, %swap3A_44], %get3A_41 {strides = array<i32>} : memref<3x64xi32, #tpu.memory_space<vmem>>, vector<16xi32>,
    %get3A_46 = arith.constant 16 : index
    %get3A_47 = tpu.vector_load %arg8[%get3A_46] {strides = array<i32>} : memref<10000xi32, #tpu.memory_space<vmem>>, vector<16xi32>,
    %swap3A_48 = arith.constant 0 : i32
    %swap3A_49 = arith.index_cast %swap3A_48 : i32 to index
    %swap3A_50 = arith.constant 16 : index
    %swap3A_51 = tpu.vector_load %arg9[%swap3A_49, %swap3A_50] {strides = array<i32>} : memref<3x64xi32, #tpu.memory_space<vmem>>, vector<16xi32>,
    tpu.vector_store %arg9[%swap3A_49, %swap3A_50], %get3A_47 {strides = array<i32>} : memref<3x64xi32, #tpu.memory_space<vmem>>, vector<16xi32>,
    %get3A_52 = arith.constant 32 : index
    %get3A_53 = tpu.vector_load %arg8[%get3A_52] {strides = array<i32>} : memref<10000xi32, #tpu.memory_space<vmem>>, vector<16xi32>,
    %swap3A_54 = arith.constant 0 : i32
    %swap3A_55 = arith.index_cast %swap3A_54 : i32 to index
    %swap3A_56 = arith.constant 32 : index
    %swap3A_57 = tpu.vector_load %arg9[%swap3A_55, %swap3A_56] {strides = array<i32>} : memref<3x64xi32, #tpu.memory_space<vmem>>, vector<16xi32>,
    tpu.vector_store %arg9[%swap3A_55, %swap3A_56], %get3A_53 {strides = array<i32>} : memref<3x64xi32, #tpu.memory_space<vmem>>, vector<16xi32>,
    %get3A_58 = arith.constant 48 : index
    %get3A_59 = tpu.vector_load %arg8[%get3A_58] {strides = array<i32>} : memref<10000xi32, #tpu.memory_space<vmem>>, vector<16xi32>,
    %swap3A_60 = arith.constant 0 : i32
    %swap3A_61 = arith.index_cast %swap3A_60 : i32 to index
    %swap3A_62 = arith.constant 48 : index
    %swap3A_63 = tpu.vector_load %arg9[%swap3A_61, %swap3A_62] {strides = array<i32>} : memref<3x64xi32, #tpu.memory_space<vmem>>, vector<16xi32>,
    tpu.vector_store %arg9[%swap3A_61, %swap3A_62], %get3A_59 {strides = array<i32>} : memref<3x64xi32, #tpu.memory_space<vmem>>, vector<16xi32>,
    %dma_start3A_64 = arith.constant 0 : i32
    %dma_start3A_65 = arith.constant 0 : i32
    %dma_start3A_66 = tpu.memref_slice %arg9[%dma_start3A_64, %dma_start3A_65] : memref<3x64xi32, #tpu.memory_space<vmem>> -> memref<1x64xi32, #tpu.memory_space<vmem>>
    %dma_start3A_67 = tpu.memref_squeeze %dma_start3A_66 : memref<1x64xi32, #tpu.memory_space<vmem>> -> memref<64xi32, #tpu.memory_space<vmem>>
    %dma_start3A_68 = arith.constant 0 : i32
    %dma_start3A_69 = arith.constant 0 : i32
    %dma_start3A_70 = tpu.memref_slice %arg14[%dma_start3A_68, %dma_start3A_69] : memref<10000x128xf32, #tpu.memory_space<vmem_shared>> -> memref<10000x128xf32, #tpu.memory_space<vmem_shared>>
    tpu.enqueue_indirect_dma source(%arg11 : memref<64x128xf32, #tpu.memory_space<vmem>>) target(%dma_start3A_70 : memref<10000x128xf32, #tpu.memory_space<vmem_shared>>) offsets(%dma_start3A_67 : memref<64xi32, #tpu.memory_space<vmem>>) semaphore(%arg18 : memref<!tpu.dma_semaphore, #tpu.memory_space<semaphore_mem>>) {add = true}
    %dma_start3A_71 = arith.constant 128 : i32
    %dma_start3A_72 = tpu.memref_slice %arg7[%dma_start3A_71] : memref<10000xi32, #tpu.memory_space<vmem>> -> memref<64xi32, #tpu.memory_space<vmem>>
    %dma_start3A_73 = arith.constant 0 : i32
    %dma_start3A_74 = arith.constant 0 : i32
    %dma_start3A_75 = tpu.memref_slice %arg2[%dma_start3A_73, %dma_start3A_74] : memref<10000x128xf32, #tpu.memory_space<hbm>> -> memref<10000x128xf32, #tpu.memory_space<hbm>>
    tpu.enqueue_indirect_dma source(%dma_start3A_75 : memref<10000x128xf32, #tpu.memory_space<hbm>>) target(%arg13 : memref<64x128xf32, #tpu.memory_space<vmem>>) offsets(%dma_start3A_72 : memref<64xi32, #tpu.memory_space<vmem>>) semaphore(%arg17 : memref<!tpu.dma_semaphore, #tpu.memory_space<semaphore_mem>>)
    %scan3A = arith.constant 0 : i32
    %scan3A_76 = arith.constant 0 : i32
    %scan3A_77 = arith.constant 51 : i32
    %scan3A_78 = arith.addi %scan3A_76, %scan3A_77 : i32
    %scan3A_79 = arith.constant 1 : i32
    scf.for %scan3A_180 = %scan3A_76 to %scan3A_78 step %scan3A_79  : i32 {
      %mul3A_181 = arith.constant 3 : i32
      %mul3A_182 = arith.muli %mul3A_181, %scan3A_180 : i32
      %add3A_183 = arith.constant 1 : i32
      %add3A_184 = arith.addi %mul3A_182, %add3A_183 : i32
      %add3A_185 = arith.constant 0 : i32
      %add3A_186 = arith.addi %add3A_184, %add3A_185 : i32
      %dma_wait3A_187 = arith.constant 0 : i32
      %dma_wait3A_188 = tpu.memref_slice %arg7[%dma_wait3A_187] : memref<10000xi32, #tpu.memory_space<vmem>> -> memref<64xi32, #tpu.memory_space<vmem>>
      %dma_wait3A_189 = arith.constant 0 : i32
      %dma_wait3A_190 = arith.constant 0 : i32
      %dma_wait3A_191 = tpu.memref_slice %arg2[%dma_wait3A_189, %dma_wait3A_190] : memref<10000x128xf32, #tpu.memory_space<hbm>> -> memref<10000x128xf32, #tpu.memory_space<hbm>>
      tpu.wait_indirect_dma semaphore(%arg16 : memref<!tpu.dma_semaphore, #tpu.memory_space<semaphore_mem>>) src(%dma_wait3A_191 : memref<10000x128xf32, #tpu.memory_space<hbm>>) dst(%arg12 : memref<64x128xf32, #tpu.memory_space<vmem>>)
      %dma_wait3A_192 = arith.constant 0 : i32
      %dma_wait3A_193 = arith.constant 0 : i32
      %dma_wait3A_194 = tpu.memref_slice %arg9[%dma_wait3A_192, %dma_wait3A_193] : memref<3x64xi32, #tpu.memory_space<vmem>> -> memref<1x64xi32, #tpu.memory_space<vmem>>
      %dma_wait3A_195 = tpu.memref_squeeze %dma_wait3A_194 : memref<1x64xi32, #tpu.memory_space<vmem>> -> memref<64xi32, #tpu.memory_space<vmem>>
      %dma_wait3A_196 = arith.constant 0 : i32
      %dma_wait3A_197 = arith.constant 0 : i32
      %dma_wait3A_198 = tpu.memref_slice %arg14[%dma_wait3A_196, %dma_wait3A_197] : memref<10000x128xf32, #tpu.memory_space<vmem_shared>> -> memref<10000x128xf32, #tpu.memory_space<vmem_shared>>
      tpu.wait_indirect_dma semaphore(%arg18 : memref<!tpu.dma_semaphore, #tpu.memory_space<semaphore_mem>>) src(%arg11 : memref<64x128xf32, #tpu.memory_space<vmem>>) dst(%dma_wait3A_198 : memref<10000x128xf32, #tpu.memory_space<vmem_shared>>)
      %mul3A_199 = arith.constant 64 : i32
      %mul3A_200 = arith.muli %add3A_186, %mul3A_199 : i32
      %add3A_201 = arith.constant 0 : i32
      %add3A_202 = arith.addi %mul3A_200, %add3A_201 : i32
      %get3A_203 = arith.index_cast %add3A_202 : i32 to index
      %get3A_204 = tpu.vector_load %arg8[%get3A_203] {strides = array<i32>} : memref<10000xi32, #tpu.memory_space<vmem>>, vector<16xi32>,
      %swap3A_205 = arith.constant 1 : i32
      %swap3A_206 = arith.index_cast %swap3A_205 : i32 to index
      %swap3A_207 = arith.constant 0 : index
      %swap3A_208 = tpu.vector_load %arg9[%swap3A_206, %swap3A_207] {strides = array<i32>} : memref<3x64xi32, #tpu.memory_space<vmem>>, vector<16xi32>,
      tpu.vector_store %arg9[%swap3A_206, %swap3A_207], %get3A_204 {strides = array<i32>} : memref<3x64xi32, #tpu.memory_space<vmem>>, vector<16xi32>,
      %mul3A_209 = arith.constant 64 : i32
      %mul3A_210 = arith.muli %add3A_186, %mul3A_209 : i32
      %add3A_211 = arith.constant 16 : i32
      %add3A_212 = arith.addi %mul3A_210, %add3A_211 : i32
      %get3A_213 = arith.index_cast %add3A_212 : i32 to index
      %get3A_214 = tpu.vector_load %arg8[%get3A_213] {strides = array<i32>} : memref<10000xi32, #tpu.memory_space<vmem>>, vector<16xi32>,
      %swap3A_215 = arith.constant 1 : i32
      %swap3A_216 = arith.index_cast %swap3A_215 : i32 to index
      %swap3A_217 = arith.constant 16 : index
      %swap3A_218 = tpu.vector_load %arg9[%swap3A_216, %swap3A_217] {strides = array<i32>} : memref<3x64xi32, #tpu.memory_space<vmem>>, vector<16xi32>,
      tpu.vector_store %arg9[%swap3A_216, %swap3A_217], %get3A_214 {strides = array<i32>} : memref<3x64xi32, #tpu.memory_space<vmem>>, vector<16xi32>,
      %mul3A_219 = arith.constant 64 : i32
      %mul3A_220 = arith.muli %add3A_186, %mul3A_219 : i32
      %add3A_221 = arith.constant 32 : i32
      %add3A_222 = arith.addi %mul3A_220, %add3A_221 : i32
      %get3A_223 = arith.index_cast %add3A_222 : i32 to index
      %get3A_224 = tpu.vector_load %arg8[%get3A_223] {strides = array<i32>} : memref<10000xi32, #tpu.memory_space<vmem>>, vector<16xi32>,
      %swap3A_225 = arith.constant 1 : i32
      %swap3A_226 = arith.index_cast %swap3A_225 : i32 to index
      %swap3A_227 = arith.constant 32 : index
      %swap3A_228 = tpu.vector_load %arg9[%swap3A_226, %swap3A_227] {strides = array<i32>} : memref<3x64xi32, #tpu.memory_space<vmem>>, vector<16xi32>,
      tpu.vector_store %arg9[%swap3A_226, %swap3A_227], %get3A_224 {strides = array<i32>} : memref<3x64xi32, #tpu.memory_space<vmem>>, vector<16xi32>,
      %mul3A_229 = arith.constant 64 : i32
      %mul3A_230 = arith.muli %add3A_186, %mul3A_229 : i32
      %add3A_231 = arith.constant 48 : i32
      %add3A_232 = arith.addi %mul3A_230, %add3A_231 : i32
      %get3A_233 = arith.index_cast %add3A_232 : i32 to index
      %get3A_234 = tpu.vector_load %arg8[%get3A_233] {strides = array<i32>} : memref<10000xi32, #tpu.memory_space<vmem>>, vector<16xi32>,
      %swap3A_235 = arith.constant 1 : i32
      %swap3A_236 = arith.index_cast %swap3A_235 : i32 to index
      %swap3A_237 = arith.constant 48 : index
      %swap3A_238 = tpu.vector_load %arg9[%swap3A_236, %swap3A_237] {strides = array<i32>} : memref<3x64xi32, #tpu.memory_space<vmem>>, vector<16xi32>,
      tpu.vector_store %arg9[%swap3A_236, %swap3A_237], %get3A_234 {strides = array<i32>} : memref<3x64xi32, #tpu.memory_space<vmem>>, vector<16xi32>,
      %dma_start3A_239 = arith.constant 1 : i32
      %dma_start3A_240 = arith.constant 0 : i32
      %dma_start3A_241 = tpu.memref_slice %arg9[%dma_start3A_239, %dma_start3A_240] : memref<3x64xi32, #tpu.memory_space<vmem>> -> memref<1x64xi32, #tpu.memory_space<vmem>>
      %dma_start3A_242 = tpu.memref_squeeze %dma_start3A_241 : memref<1x64xi32, #tpu.memory_space<vmem>> -> memref<64xi32, #tpu.memory_space<vmem>>
      %dma_start3A_243 = arith.constant 0 : i32
      %dma_start3A_244 = arith.constant 0 : i32
      %dma_start3A_245 = tpu.memref_slice %arg14[%dma_start3A_243, %dma_start3A_244] : memref<10000x128xf32, #tpu.memory_space<vmem_shared>> -> memref<10000x128xf32, #tpu.memory_space<vmem_shared>>
      tpu.enqueue_indirect_dma source(%arg12 : memref<64x128xf32, #tpu.memory_space<vmem>>) target(%dma_start3A_245 : memref<10000x128xf32, #tpu.memory_space<vmem_shared>>) offsets(%dma_start3A_242 : memref<64xi32, #tpu.memory_space<vmem>>) semaphore(%arg18 : memref<!tpu.dma_semaphore, #tpu.memory_space<semaphore_mem>>) {add = true}
      %add3A_246 = arith.constant 2 : i32
      %add3A_247 = arith.addi %add3A_186, %add3A_246 : i32
      %mul3A_248 = arith.constant 64 : i32
      %mul3A_249 = arith.muli %add3A_247, %mul3A_248 : i32
      %dma_start3A_250 = tpu.memref_slice %arg7[%mul3A_249] : memref<10000xi32, #tpu.memory_space<vmem>> -> memref<64xi32, #tpu.memory_space<vmem>>
      %dma_start3A_251 = arith.constant 0 : i32
      %dma_start3A_252 = arith.constant 0 : i32
      %dma_start3A_253 = tpu.memref_slice %arg2[%dma_start3A_251, %dma_start3A_252] : memref<10000x128xf32, #tpu.memory_space<hbm>> -> memref<10000x128xf32, #tpu.memory_space<hbm>>
      tpu.enqueue_indirect_dma source(%dma_start3A_253 : memref<10000x128xf32, #tpu.memory_space<hbm>>) target(%arg11 : memref<64x128xf32, #tpu.memory_space<vmem>>) offsets(%dma_start3A_250 : memref<64xi32, #tpu.memory_space<vmem>>) semaphore(%arg15 : memref<!tpu.dma_semaphore, #tpu.memory_space<semaphore_mem>>)
      %mul3A_254 = arith.constant 3 : i32
      %mul3A_255 = arith.muli %mul3A_254, %scan3A_180 : i32
      %add3A_256 = arith.constant 1 : i32
      %add3A_257 = arith.addi %mul3A_255, %add3A_256 : i32
      %add3A_258 = arith.constant 1 : i32
      %add3A_259 = arith.addi %add3A_257, %add3A_258 : i32
      %dma_wait3A_260 = arith.constant 0 : i32
      %dma_wait3A_261 = tpu.memref_slice %arg7[%dma_wait3A_260] : memref<10000xi32, #tpu.memory_space<vmem>> -> memref<64xi32, #tpu.memory_space<vmem>>
      %dma_wait3A_262 = arith.constant 0 : i32
      %dma_wait3A_263 = arith.constant 0 : i32
      %dma_wait3A_264 = tpu.memref_slice %arg2[%dma_wait3A_262, %dma_wait3A_263] : memref<10000x128xf32, #tpu.memory_space<hbm>> -> memref<10000x128xf32, #tpu.memory_space<hbm>>
      tpu.wait_indirect_dma semaphore(%arg17 : memref<!tpu.dma_semaphore, #tpu.memory_space<semaphore_mem>>) src(%dma_wait3A_264 : memref<10000x128xf32, #tpu.memory_space<hbm>>) dst(%arg13 : memref<64x128xf32, #tpu.memory_space<vmem>>)
      %dma_wait3A_265 = arith.constant 1 : i32
      %dma_wait3A_266 = arith.constant 0 : i32
      %dma_wait3A_267 = tpu.memref_slice %arg9[%dma_wait3A_265, %dma_wait3A_266] : memref<3x64xi32, #tpu.memory_space<vmem>> -> memref<1x64xi32, #tpu.memory_space<vmem>>
      %dma_wait3A_268 = tpu.memref_squeeze %dma_wait3A_267 : memref<1x64xi32, #tpu.memory_space<vmem>> -> memref<64xi32, #tpu.memory_space<vmem>>
      %dma_wait3A_269 = arith.constant 0 : i32
      %dma_wait3A_270 = arith.constant 0 : i32
      %dma_wait3A_271 = tpu.memref_slice %arg14[%dma_wait3A_269, %dma_wait3A_270] : memref<10000x128xf32, #tpu.memory_space<vmem_shared>> -> memref<10000x128xf32, #tpu.memory_space<vmem_shared>>
      tpu.wait_indirect_dma semaphore(%arg18 : memref<!tpu.dma_semaphore, #tpu.memory_space<semaphore_mem>>) src(%arg12 : memref<64x128xf32, #tpu.memory_space<vmem>>) dst(%dma_wait3A_271 : memref<10000x128xf32, #tpu.memory_space<vmem_shared>>)
      %mul3A_272 = arith.constant 64 : i32
      %mul3A_273 = arith.muli %add3A_259, %mul3A_272 : i32
      %add3A_274 = arith.constant 0 : i32
      %add3A_275 = arith.addi %mul3A_273, %add3A_274 : i32
      %get3A_276 = arith.index_cast %add3A_275 : i32 to index
      %get3A_277 = tpu.vector_load %arg8[%get3A_276] {strides = array<i32>} : memref<10000xi32, #tpu.memory_space<vmem>>, vector<16xi32>,
      %swap3A_278 = arith.constant 2 : i32
      %swap3A_279 = arith.index_cast %swap3A_278 : i32 to index
      %swap3A_280 = arith.constant 0 : index
      %swap3A_281 = tpu.vector_load %arg9[%swap3A_279, %swap3A_280] {strides = array<i32>} : memref<3x64xi32, #tpu.memory_space<vmem>>, vector<16xi32>,
      tpu.vector_store %arg9[%swap3A_279, %swap3A_280], %get3A_277 {strides = array<i32>} : memref<3x64xi32, #tpu.memory_space<vmem>>, vector<16xi32>,
      %mul3A_282 = arith.constant 64 : i32
      %mul3A_283 = arith.muli %add3A_259, %mul3A_282 : i32
      %add3A_284 = arith.constant 16 : i32
      %add3A_285 = arith.addi %mul3A_283, %add3A_284 : i32
      %get3A_286 = arith.index_cast %add3A_285 : i32 to index
      %get3A_287 = tpu.vector_load %arg8[%get3A_286] {strides = array<i32>} : memref<10000xi32, #tpu.memory_space<vmem>>, vector<16xi32>,
      %swap3A_288 = arith.constant 2 : i32
      %swap3A_289 = arith.index_cast %swap3A_288 : i32 to index
      %swap3A_290 = arith.constant 16 : index
      %swap3A_291 = tpu.vector_load %arg9[%swap3A_289, %swap3A_290] {strides = array<i32>} : memref<3x64xi32, #tpu.memory_space<vmem>>, vector<16xi32>,
      tpu.vector_store %arg9[%swap3A_289, %swap3A_290], %get3A_287 {strides = array<i32>} : memref<3x64xi32, #tpu.memory_space<vmem>>, vector<16xi32>,
      %mul3A_292 = arith.constant 64 : i32
      %mul3A_293 = arith.muli %add3A_259, %mul3A_292 : i32
      %add3A_294 = arith.constant 32 : i32
      %add3A_295 = arith.addi %mul3A_293, %add3A_294 : i32
      %get3A_296 = arith.index_cast %add3A_295 : i32 to index
      %get3A_297 = tpu.vector_load %arg8[%get3A_296] {strides = array<i32>} : memref<10000xi32, #tpu.memory_space<vmem>>, vector<16xi32>,
      %swap3A_298 = arith.constant 2 : i32
      %swap3A_299 = arith.index_cast %swap3A_298 : i32 to index
      %swap3A_300 = arith.constant 32 : index
      %swap3A_301 = tpu.vector_load %arg9[%swap3A_299, %swap3A_300] {strides = array<i32>} : memref<3x64xi32, #tpu.memory_space<vmem>>, vector<16xi32>,
      tpu.vector_store %arg9[%swap3A_299, %swap3A_300], %get3A_297 {strides = array<i32>} : memref<3x64xi32, #tpu.memory_space<vmem>>, vector<16xi32>,
      %mul3A_302 = arith.constant 64 : i32
      %mul3A_303 = arith.muli %add3A_259, %mul3A_302 : i32
      %add3A_304 = arith.constant 48 : i32
      %add3A_305 = arith.addi %mul3A_303, %add3A_304 : i32
      %get3A_306 = arith.index_cast %add3A_305 : i32 to index
      %get3A_307 = tpu.vector_load %arg8[%get3A_306] {strides = array<i32>} : memref<10000xi32, #tpu.memory_space<vmem>>, vector<16xi32>,
      %swap3A_308 = arith.constant 2 : i32
      %swap3A_309 = arith.index_cast %swap3A_308 : i32 to index
      %swap3A_310 = arith.constant 48 : index
      %swap3A_311 = tpu.vector_load %arg9[%swap3A_309, %swap3A_310] {strides = array<i32>} : memref<3x64xi32, #tpu.memory_space<vmem>>, vector<16xi32>,
      tpu.vector_store %arg9[%swap3A_309, %swap3A_310], %get3A_307 {strides = array<i32>} : memref<3x64xi32, #tpu.memory_space<vmem>>, vector<16xi32>,
      %dma_start3A_312 = arith.constant 2 : i32
      %dma_start3A_313 = arith.constant 0 : i32
      %dma_start3A_314 = tpu.memref_slice %arg9[%dma_start3A_312, %dma_start3A_313] : memref<3x64xi32, #tpu.memory_space<vmem>> -> memref<1x64xi32, #tpu.memory_space<vmem>>
      %dma_start3A_315 = tpu.memref_squeeze %dma_start3A_314 : memref<1x64xi32, #tpu.memory_space<vmem>> -> memref<64xi32, #tpu.memory_space<vmem>>
      %dma_start3A_316 = arith.constant 0 : i32
      %dma_start3A_317 = arith.constant 0 : i32
      %dma_start3A_318 = tpu.memref_slice %arg14[%dma_start3A_316, %dma_start3A_317] : memref<10000x128xf32, #tpu.memory_space<vmem_shared>> -> memref<10000x128xf32, #tpu.memory_space<vmem_shared>>
      tpu.enqueue_indirect_dma source(%arg13 : memref<64x128xf32, #tpu.memory_space<vmem>>) target(%dma_start3A_318 : memref<10000x128xf32, #tpu.memory_space<vmem_shared>>) offsets(%dma_start3A_315 : memref<64xi32, #tpu.memory_space<vmem>>) semaphore(%arg18 : memref<!tpu.dma_semaphore, #tpu.memory_space<semaphore_mem>>) {add = true}
      %add3A_319 = arith.constant 2 : i32
      %add3A_320 = arith.addi %add3A_259, %add3A_319 : i32
      %mul3A_321 = arith.constant 64 : i32
      %mul3A_322 = arith.muli %add3A_320, %mul3A_321 : i32
      %dma_start3A_323 = tpu.memref_slice %arg7[%mul3A_322] : memref<10000xi32, #tpu.memory_space<vmem>> -> memref<64xi32, #tpu.memory_space<vmem>>
      %dma_start3A_324 = arith.constant 0 : i32
      %dma_start3A_325 = arith.constant 0 : i32
      %dma_start3A_326 = tpu.memref_slice %arg2[%dma_start3A_324, %dma_start3A_325] : memref<10000x128xf32, #tpu.memory_space<hbm>> -> memref<10000x128xf32, #tpu.memory_space<hbm>>
      tpu.enqueue_indirect_dma source(%dma_start3A_326 : memref<10000x128xf32, #tpu.memory_space<hbm>>) target(%arg12 : memref<64x128xf32, #tpu.memory_space<vmem>>) offsets(%dma_start3A_323 : memref<64xi32, #tpu.memory_space<vmem>>) semaphore(%arg16 : memref<!tpu.dma_semaphore, #tpu.memory_space<semaphore_mem>>)
      %mul3A_327 = arith.constant 3 : i32
      %mul3A_328 = arith.muli %mul3A_327, %scan3A_180 : i32
      %add3A_329 = arith.constant 1 : i32
      %add3A_330 = arith.addi %mul3A_328, %add3A_329 : i32
      %add3A_331 = arith.constant 2 : i32
      %add3A_332 = arith.addi %add3A_330, %add3A_331 : i32
      %dma_wait3A_333 = arith.constant 0 : i32
      %dma_wait3A_334 = tpu.memref_slice %arg7[%dma_wait3A_333] : memref<10000xi32, #tpu.memory_space<vmem>> -> memref<64xi32, #tpu.memory_space<vmem>>
      %dma_wait3A_335 = arith.constant 0 : i32
      %dma_wait3A_336 = arith.constant 0 : i32
      %dma_wait3A_337 = tpu.memref_slice %arg2[%dma_wait3A_335, %dma_wait3A_336] : memref<10000x128xf32, #tpu.memory_space<hbm>> -> memref<10000x128xf32, #tpu.memory_space<hbm>>
      tpu.wait_indirect_dma semaphore(%arg15 : memref<!tpu.dma_semaphore, #tpu.memory_space<semaphore_mem>>) src(%dma_wait3A_337 : memref<10000x128xf32, #tpu.memory_space<hbm>>) dst(%arg11 : memref<64x128xf32, #tpu.memory_space<vmem>>)
      %dma_wait3A_338 = arith.constant 2 : i32
      %dma_wait3A_339 = arith.constant 0 : i32
      %dma_wait3A_340 = tpu.memref_slice %arg9[%dma_wait3A_338, %dma_wait3A_339] : memref<3x64xi32, #tpu.memory_space<vmem>> -> memref<1x64xi32, #tpu.memory_space<vmem>>
      %dma_wait3A_341 = tpu.memref_squeeze %dma_wait3A_340 : memref<1x64xi32, #tpu.memory_space<vmem>> -> memref<64xi32, #tpu.memory_space<vmem>>
      %dma_wait3A_342 = arith.constant 0 : i32
      %dma_wait3A_343 = arith.constant 0 : i32
      %dma_wait3A_344 = tpu.memref_slice %arg14[%dma_wait3A_342, %dma_wait3A_343] : memref<10000x128xf32, #tpu.memory_space<vmem_shared>> -> memref<10000x128xf32, #tpu.memory_space<vmem_shared>>
      tpu.wait_indirect_dma semaphore(%arg18 : memref<!tpu.dma_semaphore, #tpu.memory_space<semaphore_mem>>) src(%arg13 : memref<64x128xf32, #tpu.memory_space<vmem>>) dst(%dma_wait3A_344 : memref<10000x128xf32, #tpu.memory_space<vmem_shared>>)
      %mul3A_345 = arith.constant 64 : i32
      %mul3A_346 = arith.muli %add3A_332, %mul3A_345 : i32
      %add3A_347 = arith.constant 0 : i32
      %add3A_348 = arith.addi %mul3A_346, %add3A_347 : i32
      %get3A_349 = arith.index_cast %add3A_348 : i32 to index
      %get3A_350 = tpu.vector_load %arg8[%get3A_349] {strides = array<i32>} : memref<10000xi32, #tpu.memory_space<vmem>>, vector<16xi32>,
      %swap3A_351 = arith.constant 0 : i32
      %swap3A_352 = arith.index_cast %swap3A_351 : i32 to index
      %swap3A_353 = arith.constant 0 : index
      %swap3A_354 = tpu.vector_load %arg9[%swap3A_352, %swap3A_353] {strides = array<i32>} : memref<3x64xi32, #tpu.memory_space<vmem>>, vector<16xi32>,
      tpu.vector_store %arg9[%swap3A_352, %swap3A_353], %get3A_350 {strides = array<i32>} : memref<3x64xi32, #tpu.memory_space<vmem>>, vector<16xi32>,
      %mul3A_355 = arith.constant 64 : i32
      %mul3A_356 = arith.muli %add3A_332, %mul3A_355 : i32
      %add3A_357 = arith.constant 16 : i32
      %add3A_358 = arith.addi %mul3A_356, %add3A_357 : i32
      %get3A_359 = arith.index_cast %add3A_358 : i32 to index
      %get3A_360 = tpu.vector_load %arg8[%get3A_359] {strides = array<i32>} : memref<10000xi32, #tpu.memory_space<vmem>>, vector<16xi32>,
      %swap3A_361 = arith.constant 0 : i32
      %swap3A_362 = arith.index_cast %swap3A_361 : i32 to index
      %swap3A_363 = arith.constant 16 : index
      %swap3A_364 = tpu.vector_load %arg9[%swap3A_362, %swap3A_363] {strides = array<i32>} : memref<3x64xi32, #tpu.memory_space<vmem>>, vector<16xi32>,
      tpu.vector_store %arg9[%swap3A_362, %swap3A_363], %get3A_360 {strides = array<i32>} : memref<3x64xi32, #tpu.memory_space<vmem>>, vector<16xi32>,
      %mul3A_365 = arith.constant 64 : i32
      %mul3A_366 = arith.muli %add3A_332, %mul3A_365 : i32
      %add3A_367 = arith.constant 32 : i32
      %add3A_368 = arith.addi %mul3A_366, %add3A_367 : i32
      %get3A_369 = arith.index_cast %add3A_368 : i32 to index
      %get3A_370 = tpu.vector_load %arg8[%get3A_369] {strides = array<i32>} : memref<10000xi32, #tpu.memory_space<vmem>>, vector<16xi32>,
      %swap3A_371 = arith.constant 0 : i32
      %swap3A_372 = arith.index_cast %swap3A_371 : i32 to index
      %swap3A_373 = arith.constant 32 : index
      %swap3A_374 = tpu.vector_load %arg9[%swap3A_372, %swap3A_373] {strides = array<i32>} : memref<3x64xi32, #tpu.memory_space<vmem>>, vector<16xi32>,
      tpu.vector_store %arg9[%swap3A_372, %swap3A_373], %get3A_370 {strides = array<i32>} : memref<3x64xi32, #tpu.memory_space<vmem>>, vector<16xi32>,
      %mul3A_375 = arith.constant 64 : i32
      %mul3A_376 = arith.muli %add3A_332, %mul3A_375 : i32
      %add3A_377 = arith.constant 48 : i32
      %add3A_378 = arith.addi %mul3A_376, %add3A_377 : i32
      %get3A_379 = arith.index_cast %add3A_378 : i32 to index
      %get3A_380 = tpu.vector_load %arg8[%get3A_379] {strides = array<i32>} : memref<10000xi32, #tpu.memory_space<vmem>>, vector<16xi32>,
      %swap3A_381 = arith.constant 0 : i32
      %swap3A_382 = arith.index_cast %swap3A_381 : i32 to index
      %swap3A_383 = arith.constant 48 : index
      %swap3A_384 = tpu.vector_load %arg9[%swap3A_382, %swap3A_383] {strides = array<i32>} : memref<3x64xi32, #tpu.memory_space<vmem>>, vector<16xi32>,
      tpu.vector_store %arg9[%swap3A_382, %swap3A_383], %get3A_380 {strides = array<i32>} : memref<3x64xi32, #tpu.memory_space<vmem>>, vector<16xi32>,
      %dma_start3A_385 = arith.constant 0 : i32
      %dma_start3A_386 = arith.constant 0 : i32
      %dma_start3A_387 = tpu.memref_slice %arg9[%dma_start3A_385, %dma_start3A_386] : memref<3x64xi32, #tpu.memory_space<vmem>> -> memref<1x64xi32, #tpu.memory_space<vmem>>
      %dma_start3A_388 = tpu.memref_squeeze %dma_start3A_387 : memref<1x64xi32, #tpu.memory_space<vmem>> -> memref<64xi32, #tpu.memory_space<vmem>>
      %dma_start3A_389 = arith.constant 0 : i32
      %dma_start3A_390 = arith.constant 0 : i32
      %dma_start3A_391 = tpu.memref_slice %arg14[%dma_start3A_389, %dma_start3A_390] : memref<10000x128xf32, #tpu.memory_space<vmem_shared>> -> memref<10000x128xf32, #tpu.memory_space<vmem_shared>>
      tpu.enqueue_indirect_dma source(%arg11 : memref<64x128xf32, #tpu.memory_space<vmem>>) target(%dma_start3A_391 : memref<10000x128xf32, #tpu.memory_space<vmem_shared>>) offsets(%dma_start3A_388 : memref<64xi32, #tpu.memory_space<vmem>>) semaphore(%arg18 : memref<!tpu.dma_semaphore, #tpu.memory_space<semaphore_mem>>) {add = true}
      %add3A_392 = arith.constant 2 : i32
      %add3A_393 = arith.addi %add3A_332, %add3A_392 : i32
      %mul3A_394 = arith.constant 64 : i32
      %mul3A_395 = arith.muli %add3A_393, %mul3A_394 : i32
      %dma_start3A_396 = tpu.memref_slice %arg7[%mul3A_395] : memref<10000xi32, #tpu.memory_space<vmem>> -> memref<64xi32, #tpu.memory_space<vmem>>
      %dma_start3A_397 = arith.constant 0 : i32
      %dma_start3A_398 = arith.constant 0 : i32
      %dma_start3A_399 = tpu.memref_slice %arg2[%dma_start3A_397, %dma_start3A_398] : memref<10000x128xf32, #tpu.memory_space<hbm>> -> memref<10000x128xf32, #tpu.memory_space<hbm>>
      tpu.enqueue_indirect_dma source(%dma_start3A_399 : memref<10000x128xf32, #tpu.memory_space<hbm>>) target(%arg13 : memref<64x128xf32, #tpu.memory_space<vmem>>) offsets(%dma_start3A_396 : memref<64xi32, #tpu.memory_space<vmem>>) semaphore(%arg17 : memref<!tpu.dma_semaphore, #tpu.memory_space<semaphore_mem>>)
    }
    %scan3A_80 = arith.constant 51 : i32
    %dma_wait3A_81 = arith.constant 0 : i32
    %dma_wait3A_82 = tpu.memref_slice %arg7[%dma_wait3A_81] : memref<10000xi32, #tpu.memory_space<vmem>> -> memref<64xi32, #tpu.memory_space<vmem>>
    %dma_wait3A_83 = arith.constant 0 : i32
    %dma_wait3A_84 = arith.constant 0 : i32
    %dma_wait3A_85 = tpu.memref_slice %arg2[%dma_wait3A_83, %dma_wait3A_84] : memref<10000x128xf32, #tpu.memory_space<hbm>> -> memref<10000x128xf32, #tpu.memory_space<hbm>>
    tpu.wait_indirect_dma semaphore(%arg16 : memref<!tpu.dma_semaphore, #tpu.memory_space<semaphore_mem>>) src(%dma_wait3A_85 : memref<10000x128xf32, #tpu.memory_space<hbm>>) dst(%arg12 : memref<64x128xf32, #tpu.memory_space<vmem>>)
    %dma_wait3A_86 = arith.constant 0 : i32
    %dma_wait3A_87 = arith.constant 0 : i32
    %dma_wait3A_88 = tpu.memref_slice %arg9[%dma_wait3A_86, %dma_wait3A_87] : memref<3x64xi32, #tpu.memory_space<vmem>> -> memref<1x64xi32, #tpu.memory_space<vmem>>
    %dma_wait3A_89 = tpu.memref_squeeze %dma_wait3A_88 : memref<1x64xi32, #tpu.memory_space<vmem>> -> memref<64xi32, #tpu.memory_space<vmem>>
    %dma_wait3A_90 = arith.constant 0 : i32
    %dma_wait3A_91 = arith.constant 0 : i32
    %dma_wait3A_92 = tpu.memref_slice %arg14[%dma_wait3A_90, %dma_wait3A_91] : memref<10000x128xf32, #tpu.memory_space<vmem_shared>> -> memref<10000x128xf32, #tpu.memory_space<vmem_shared>>
    tpu.wait_indirect_dma semaphore(%arg18 : memref<!tpu.dma_semaphore, #tpu.memory_space<semaphore_mem>>) src(%arg11 : memref<64x128xf32, #tpu.memory_space<vmem>>) dst(%dma_wait3A_92 : memref<10000x128xf32, #tpu.memory_space<vmem_shared>>)
    %get3A_93 = arith.constant 9856 : index
    %get3A_94 = tpu.vector_load %arg8[%get3A_93] {strides = array<i32>} : memref<10000xi32, #tpu.memory_space<vmem>>, vector<16xi32>,
    %swap3A_95 = arith.constant 1 : i32
    %swap3A_96 = arith.index_cast %swap3A_95 : i32 to index
    %swap3A_97 = arith.constant 0 : index
    %swap3A_98 = tpu.vector_load %arg9[%swap3A_96, %swap3A_97] {strides = array<i32>} : memref<3x64xi32, #tpu.memory_space<vmem>>, vector<16xi32>,
    tpu.vector_store %arg9[%swap3A_96, %swap3A_97], %get3A_94 {strides = array<i32>} : memref<3x64xi32, #tpu.memory_space<vmem>>, vector<16xi32>,
    %get3A_99 = arith.constant 9872 : index
    %get3A_100 = tpu.vector_load %arg8[%get3A_99] {strides = array<i32>} : memref<10000xi32, #tpu.memory_space<vmem>>, vector<16xi32>,
    %swap3A_101 = arith.constant 1 : i32
    %swap3A_102 = arith.index_cast %swap3A_101 : i32 to index
    %swap3A_103 = arith.constant 16 : index
    %swap3A_104 = tpu.vector_load %arg9[%swap3A_102, %swap3A_103] {strides = array<i32>} : memref<3x64xi32, #tpu.memory_space<vmem>>, vector<16xi32>,
    tpu.vector_store %arg9[%swap3A_102, %swap3A_103], %get3A_100 {strides = array<i32>} : memref<3x64xi32, #tpu.memory_space<vmem>>, vector<16xi32>,
    %get3A_105 = arith.constant 9888 : index
    %get3A_106 = tpu.vector_load %arg8[%get3A_105] {strides = array<i32>} : memref<10000xi32, #tpu.memory_space<vmem>>, vector<16xi32>,
    %swap3A_107 = arith.constant 1 : i32
    %swap3A_108 = arith.index_cast %swap3A_107 : i32 to index
    %swap3A_109 = arith.constant 32 : index
    %swap3A_110 = tpu.vector_load %arg9[%swap3A_108, %swap3A_109] {strides = array<i32>} : memref<3x64xi32, #tpu.memory_space<vmem>>, vector<16xi32>,
    tpu.vector_store %arg9[%swap3A_108, %swap3A_109], %get3A_106 {strides = array<i32>} : memref<3x64xi32, #tpu.memory_space<vmem>>, vector<16xi32>,
    %get3A_111 = arith.constant 9904 : index
    %get3A_112 = tpu.vector_load %arg8[%get3A_111] {strides = array<i32>} : memref<10000xi32, #tpu.memory_space<vmem>>, vector<16xi32>,
    %swap3A_113 = arith.constant 1 : i32
    %swap3A_114 = arith.index_cast %swap3A_113 : i32 to index
    %swap3A_115 = arith.constant 48 : index
    %swap3A_116 = tpu.vector_load %arg9[%swap3A_114, %swap3A_115] {strides = array<i32>} : memref<3x64xi32, #tpu.memory_space<vmem>>, vector<16xi32>,
    tpu.vector_store %arg9[%swap3A_114, %swap3A_115], %get3A_112 {strides = array<i32>} : memref<3x64xi32, #tpu.memory_space<vmem>>, vector<16xi32>,
    %dma_start3A_117 = arith.constant 1 : i32
    %dma_start3A_118 = arith.constant 0 : i32
    %dma_start3A_119 = tpu.memref_slice %arg9[%dma_start3A_117, %dma_start3A_118] : memref<3x64xi32, #tpu.memory_space<vmem>> -> memref<1x64xi32, #tpu.memory_space<vmem>>
    %dma_start3A_120 = tpu.memref_squeeze %dma_start3A_119 : memref<1x64xi32, #tpu.memory_space<vmem>> -> memref<64xi32, #tpu.memory_space<vmem>>
    %dma_start3A_121 = arith.constant 0 : i32
    %dma_start3A_122 = arith.constant 0 : i32
    %dma_start3A_123 = tpu.memref_slice %arg14[%dma_start3A_121, %dma_start3A_122] : memref<10000x128xf32, #tpu.memory_space<vmem_shared>> -> memref<10000x128xf32, #tpu.memory_space<vmem_shared>>
    tpu.enqueue_indirect_dma source(%arg12 : memref<64x128xf32, #tpu.memory_space<vmem>>) target(%dma_start3A_123 : memref<10000x128xf32, #tpu.memory_space<vmem_shared>>) offsets(%dma_start3A_120 : memref<64xi32, #tpu.memory_space<vmem>>) semaphore(%arg18 : memref<!tpu.dma_semaphore, #tpu.memory_space<semaphore_mem>>) {add = true}
    %dma_wait3A_124 = arith.constant 0 : i32
    %dma_wait3A_125 = tpu.memref_slice %arg7[%dma_wait3A_124] : memref<10000xi32, #tpu.memory_space<vmem>> -> memref<64xi32, #tpu.memory_space<vmem>>
    %dma_wait3A_126 = arith.constant 0 : i32
    %dma_wait3A_127 = arith.constant 0 : i32
    %dma_wait3A_128 = tpu.memref_slice %arg2[%dma_wait3A_126, %dma_wait3A_127] : memref<10000x128xf32, #tpu.memory_space<hbm>> -> memref<10000x128xf32, #tpu.memory_space<hbm>>
    tpu.wait_indirect_dma semaphore(%arg17 : memref<!tpu.dma_semaphore, #tpu.memory_space<semaphore_mem>>) src(%dma_wait3A_128 : memref<10000x128xf32, #tpu.memory_space<hbm>>) dst(%arg13 : memref<64x128xf32, #tpu.memory_space<vmem>>)
    %dma_wait3A_129 = arith.constant 1 : i32
    %dma_wait3A_130 = arith.constant 0 : i32
    %dma_wait3A_131 = tpu.memref_slice %arg9[%dma_wait3A_129, %dma_wait3A_130] : memref<3x64xi32, #tpu.memory_space<vmem>> -> memref<1x64xi32, #tpu.memory_space<vmem>>
    %dma_wait3A_132 = tpu.memref_squeeze %dma_wait3A_131 : memref<1x64xi32, #tpu.memory_space<vmem>> -> memref<64xi32, #tpu.memory_space<vmem>>
    %dma_wait3A_133 = arith.constant 0 : i32
    %dma_wait3A_134 = arith.constant 0 : i32
    %dma_wait3A_135 = tpu.memref_slice %arg14[%dma_wait3A_133, %dma_wait3A_134] : memref<10000x128xf32, #tpu.memory_space<vmem_shared>> -> memref<10000x128xf32, #tpu.memory_space<vmem_shared>>
    tpu.wait_indirect_dma semaphore(%arg18 : memref<!tpu.dma_semaphore, #tpu.memory_space<semaphore_mem>>) src(%arg12 : memref<64x128xf32, #tpu.memory_space<vmem>>) dst(%dma_wait3A_135 : memref<10000x128xf32, #tpu.memory_space<vmem_shared>>)
    %get3A_136 = arith.constant 9920 : index
    %get3A_137 = tpu.vector_load %arg8[%get3A_136] {strides = array<i32>} : memref<10000xi32, #tpu.memory_space<vmem>>, vector<16xi32>,
    %swap3A_138 = arith.constant 2 : i32
    %swap3A_139 = arith.index_cast %swap3A_138 : i32 to index
    %swap3A_140 = arith.constant 0 : index
    %swap3A_141 = tpu.vector_load %arg9[%swap3A_139, %swap3A_140] {strides = array<i32>} : memref<3x64xi32, #tpu.memory_space<vmem>>, vector<16xi32>,
    tpu.vector_store %arg9[%swap3A_139, %swap3A_140], %get3A_137 {strides = array<i32>} : memref<3x64xi32, #tpu.memory_space<vmem>>, vector<16xi32>,
    %get3A_142 = arith.constant 9936 : index
    %get3A_143 = tpu.vector_load %arg8[%get3A_142] {strides = array<i32>} : memref<10000xi32, #tpu.memory_space<vmem>>, vector<16xi32>,
    %swap3A_144 = arith.constant 2 : i32
    %swap3A_145 = arith.index_cast %swap3A_144 : i32 to index
    %swap3A_146 = arith.constant 16 : index
    %swap3A_147 = tpu.vector_load %arg9[%swap3A_145, %swap3A_146] {strides = array<i32>} : memref<3x64xi32, #tpu.memory_space<vmem>>, vector<16xi32>,
    tpu.vector_store %arg9[%swap3A_145, %swap3A_146], %get3A_143 {strides = array<i32>} : memref<3x64xi32, #tpu.memory_space<vmem>>, vector<16xi32>,
    %get3A_148 = arith.constant 9952 : index
    %get3A_149 = tpu.vector_load %arg8[%get3A_148] {strides = array<i32>} : memref<10000xi32, #tpu.memory_space<vmem>>, vector<16xi32>,
    %swap3A_150 = arith.constant 2 : i32
    %swap3A_151 = arith.index_cast %swap3A_150 : i32 to index
    %swap3A_152 = arith.constant 32 : index
    %swap3A_153 = tpu.vector_load %arg9[%swap3A_151, %swap3A_152] {strides = array<i32>} : memref<3x64xi32, #tpu.memory_space<vmem>>, vector<16xi32>,
    tpu.vector_store %arg9[%swap3A_151, %swap3A_152], %get3A_149 {strides = array<i32>} : memref<3x64xi32, #tpu.memory_space<vmem>>, vector<16xi32>,
    %get3A_154 = arith.constant 9968 : index
    %get3A_155 = tpu.vector_load %arg8[%get3A_154] {strides = array<i32>} : memref<10000xi32, #tpu.memory_space<vmem>>, vector<16xi32>,
    %swap3A_156 = arith.constant 2 : i32
    %swap3A_157 = arith.index_cast %swap3A_156 : i32 to index
    %swap3A_158 = arith.constant 48 : index
    %swap3A_159 = tpu.vector_load %arg9[%swap3A_157, %swap3A_158] {strides = array<i32>} : memref<3x64xi32, #tpu.memory_space<vmem>>, vector<16xi32>,
    tpu.vector_store %arg9[%swap3A_157, %swap3A_158], %get3A_155 {strides = array<i32>} : memref<3x64xi32, #tpu.memory_space<vmem>>, vector<16xi32>,
    %dma_start3A_160 = arith.constant 2 : i32
    %dma_start3A_161 = arith.constant 0 : i32
    %dma_start3A_162 = tpu.memref_slice %arg9[%dma_start3A_160, %dma_start3A_161] : memref<3x64xi32, #tpu.memory_space<vmem>> -> memref<1x64xi32, #tpu.memory_space<vmem>>
    %dma_start3A_163 = tpu.memref_squeeze %dma_start3A_162 : memref<1x64xi32, #tpu.memory_space<vmem>> -> memref<64xi32, #tpu.memory_space<vmem>>
    %dma_start3A_164 = arith.constant 0 : i32
    %dma_start3A_165 = arith.constant 0 : i32
    %dma_start3A_166 = tpu.memref_slice %arg14[%dma_start3A_164, %dma_start3A_165] : memref<10000x128xf32, #tpu.memory_space<vmem_shared>> -> memref<10000x128xf32, #tpu.memory_space<vmem_shared>>
    tpu.enqueue_indirect_dma source(%arg13 : memref<64x128xf32, #tpu.memory_space<vmem>>) target(%dma_start3A_166 : memref<10000x128xf32, #tpu.memory_space<vmem_shared>>) offsets(%dma_start3A_163 : memref<64xi32, #tpu.memory_space<vmem>>) semaphore(%arg18 : memref<!tpu.dma_semaphore, #tpu.memory_space<semaphore_mem>>) {add = true}
    %dma_wait3A_167 = arith.constant 2 : i32
    %dma_wait3A_168 = arith.constant 0 : i32
    %dma_wait3A_169 = tpu.memref_slice %arg9[%dma_wait3A_167, %dma_wait3A_168] : memref<3x64xi32, #tpu.memory_space<vmem>> -> memref<1x64xi32, #tpu.memory_space<vmem>>
    %dma_wait3A_170 = tpu.memref_squeeze %dma_wait3A_169 : memref<1x64xi32, #tpu.memory_space<vmem>> -> memref<64xi32, #tpu.memory_space<vmem>>
    %dma_wait3A_171 = arith.constant 0 : i32
    %dma_wait3A_172 = arith.constant 0 : i32
    %dma_wait3A_173 = tpu.memref_slice %arg14[%dma_wait3A_171, %dma_wait3A_172] : memref<10000x128xf32, #tpu.memory_space<vmem_shared>> -> memref<10000x128xf32, #tpu.memory_space<vmem_shared>>
    tpu.wait_indirect_dma semaphore(%arg18 : memref<!tpu.dma_semaphore, #tpu.memory_space<semaphore_mem>>) src(%arg13 : memref<64x128xf32, #tpu.memory_space<vmem>>) dst(%dma_wait3A_173 : memref<10000x128xf32, #tpu.memory_space<vmem_shared>>)
    %barrier3A_174 = arith.constant 0 : index
    tpu.barrier barrier_id(%barrier3A_174)
    %lt3A_175 = arith.constant 10 : i32
    %lt3A_176 = arith.cmpi slt, %arg1, %lt3A_175 : i32
    %convert_element_type3A_177 = arith.extui %lt3A_176 : i1 to i32
    %cond3A_178 = arith.constant 0 : i32
    %cond3A_179 = arith.cmpi ne, %convert_element_type3A_177, %cond3A_178 : i32
    scf.if %cond3A_179 {
      %scan3A_180 = arith.constant 0 : i32
      %scan3A_181 = arith.constant 0 : i32
      %scan3A_182 = arith.constant 25 : i32
      %scan3A_183 = arith.addi %scan3A_181, %scan3A_182 : i32
      %scan3A_184 = arith.constant 1 : i32
      scf.for %scan3A_186 = %scan3A_181 to %scan3A_183 step %scan3A_184  : i32 {
        %mul3A_187 = arith.constant 40 : i32
        %mul3A_188 = arith.muli %scan3A_186, %mul3A_187 : i32
        %add3A_189 = arith.addi %mul3A_2, %mul3A_188 : i32
        "tpu.region"() ({
          %run_scoped3A_190 = tpu.sem_alloc : memref<!tpu.dma_semaphore, #tpu.memory_space<semaphore_mem>>
          %dma_start3A_191 = arith.constant 0 : i32
          %dma_start3A_192 = arith.constant 0 : i32
          %dma_start3A_193 = tpu.memref_slice %arg11[%dma_start3A_191, %dma_start3A_192] : memref<64x128xf32, #tpu.memory_space<vmem>> -> memref<40x128xf32, #tpu.memory_space<vmem>>
          %dma_start3A_194 = arith.constant 0 : i32
          %dma_start3A_195 = tpu.memref_slice %arg14[%add3A_189, %dma_start3A_194] : memref<10000x128xf32, #tpu.memory_space<vmem_shared>> -> memref<40x128xf32, #tpu.memory_space<vmem_shared>>
          %dma_start3A_196 = arith.constant 0 : i32
          %dma_start3A_197 = arith.constant 0 : i32
          %dma_start3A_198 = tpu.memref_slice %arg11[%dma_start3A_196, %dma_start3A_197] : memref<64x128xf32, #tpu.memory_space<vmem>> -> memref<40x128xf32, #tpu.memory_space<vmem>>
          %dma_start3A_199 = arith.constant 0 : i32
          %dma_start3A_200 = tpu.memref_slice %arg14[%add3A_189, %dma_start3A_199] : memref<10000x128xf32, #tpu.memory_space<vmem_shared>> -> memref<40x128xf32, #tpu.memory_space<vmem_shared>>
          tpu.enqueue_dma source(%dma_start3A_200 : memref<40x128xf32, #tpu.memory_space<vmem_shared>>) target(%dma_start3A_198 : memref<40x128xf32, #tpu.memory_space<vmem>>) target_semaphore(%run_scoped3A_190 : memref<!tpu.dma_semaphore, #tpu.memory_space<semaphore_mem>>)
          %dma_wait3A_201 = arith.constant 0 : i32
          %dma_wait3A_202 = arith.constant 0 : i32
          %dma_wait3A_203 = tpu.memref_slice %arg11[%dma_wait3A_201, %dma_wait3A_202] : memref<64x128xf32, #tpu.memory_space<vmem>> -> memref<40x128xf32, #tpu.memory_space<vmem>>
          %dma_wait3A_204 = arith.constant 0 : i32
          %dma_wait3A_205 = tpu.memref_slice %arg14[%add3A_189, %dma_wait3A_204] : memref<10000x128xf32, #tpu.memory_space<vmem_shared>> -> memref<40x128xf32, #tpu.memory_space<vmem_shared>>
          %dma_wait3A_206 = arith.constant 0 : i32
          %dma_wait3A_207 = arith.constant 0 : i32
          %dma_wait3A_208 = tpu.memref_slice %arg11[%dma_wait3A_206, %dma_wait3A_207] : memref<64x128xf32, #tpu.memory_space<vmem>> -> memref<40x128xf32, #tpu.memory_space<vmem>>
          %dma_wait3A_209 = arith.constant 0 : i32
          %dma_wait3A_210 = tpu.memref_slice %arg14[%add3A_189, %dma_wait3A_209] : memref<10000x128xf32, #tpu.memory_space<vmem_shared>> -> memref<40x128xf32, #tpu.memory_space<vmem_shared>>
          tpu.wait_dma2 semaphore(%run_scoped3A_190 : memref<!tpu.dma_semaphore, #tpu.memory_space<semaphore_mem>>) src(%dma_wait3A_210 : memref<40x128xf32, #tpu.memory_space<vmem_shared>>) dst(%dma_wait3A_208 : memref<40x128xf32, #tpu.memory_space<vmem>>)
          tpu.yield
        }) : () -> ()
        "tpu.region"() ({
          %run_scoped3A_190 = tpu.sem_alloc : memref<!tpu.dma_semaphore, #tpu.memory_space<semaphore_mem>>
          %dma_start3A_191 = arith.constant 0 : i32
          %dma_start3A_192 = arith.constant 0 : i32
          %dma_start3A_193 = tpu.memref_slice %arg11[%dma_start3A_191, %dma_start3A_192] : memref<64x128xf32, #tpu.memory_space<vmem>> -> memref<40x128xf32, #tpu.memory_space<vmem>>
          %dma_start3A_194 = arith.constant 0 : i32
          %dma_start3A_195 = tpu.memref_slice %arg6[%arg0, %add3A_189, %dma_start3A_194] : memref<2x10000x128xf32, #tpu.memory_space<hbm>> -> memref<1x40x128xf32, #tpu.memory_space<hbm>>
          %dma_start3A_196 = tpu.memref_squeeze %dma_start3A_195 : memref<1x40x128xf32, #tpu.memory_space<hbm>> -> memref<40x128xf32, #tpu.memory_space<hbm>>
          %dma_start3A_197 = arith.constant 0 : i32
          %dma_start3A_198 = tpu.memref_slice %arg6[%arg0, %add3A_189, %dma_start3A_197] : memref<2x10000x128xf32, #tpu.memory_space<hbm>> -> memref<1x40x128xf32, #tpu.memory_space<hbm>>
          %dma_start3A_199 = tpu.memref_squeeze %dma_start3A_198 : memref<1x40x128xf32, #tpu.memory_space<hbm>> -> memref<40x128xf32, #tpu.memory_space<hbm>>
          %dma_start3A_200 = arith.constant 0 : i32
          %dma_start3A_201 = arith.constant 0 : i32
          %dma_start3A_202 = tpu.memref_slice %arg11[%dma_start3A_200, %dma_start3A_201] : memref<64x128xf32, #tpu.memory_space<vmem>> -> memref<40x128xf32, #tpu.memory_space<vmem>>
          tpu.enqueue_dma source(%dma_start3A_202 : memref<40x128xf32, #tpu.memory_space<vmem>>) target(%dma_start3A_199 : memref<40x128xf32, #tpu.memory_space<hbm>>) target_semaphore(%run_scoped3A_190 : memref<!tpu.dma_semaphore, #tpu.memory_space<semaphore_mem>>)
          %dma_wait3A_203 = arith.constant 0 : i32
          %dma_wait3A_204 = arith.constant 0 : i32
          %dma_wait3A_205 = tpu.memref_slice %arg11[%dma_wait3A_203, %dma_wait3A_204] : memref<64x128xf32, #tpu.memory_space<vmem>> -> memref<40x128xf32, #tpu.memory_space<vmem>>
          %dma_wait3A_206 = arith.constant 0 : i32
          %dma_wait3A_207 = tpu.memref_slice %arg6[%arg0, %add3A_189, %dma_wait3A_206] : memref<2x10000x128xf32, #tpu.memory_space<hbm>> -> memref<1x40x128xf32, #tpu.memory_space<hbm>>
          %dma_wait3A_208 = tpu.memref_squeeze %dma_wait3A_207 : memref<1x40x128xf32, #tpu.memory_space<hbm>> -> memref<40x128xf32, #tpu.memory_space<hbm>>
          %dma_wait3A_209 = arith.constant 0 : i32
          %dma_wait3A_210 = tpu.memref_slice %arg6[%arg0, %add3A_189, %dma_wait3A_209] : memref<2x10000x128xf32, #tpu.memory_space<hbm>> -> memref<1x40x128xf32, #tpu.memory_space<hbm>>
          %dma_wait3A_211 = tpu.memref_squeeze %dma_wait3A_210 : memref<1x40x128xf32, #tpu.memory_space<hbm>> -> memref<40x128xf32, #tpu.memory_space<hbm>>
          %dma_wait3A_212 = arith.constant 0 : i32
          %dma_wait3A_213 = arith.constant 0 : i32
          %dma_wait3A_214 = tpu.memref_slice %arg11[%dma_wait3A_212, %dma_wait3A_213] : memref<64x128xf32, #tpu.memory_space<vmem>> -> memref<40x128xf32, #tpu.memory_space<vmem>>
          tpu.wait_dma2 semaphore(%run_scoped3A_190 : memref<!tpu.dma_semaphore, #tpu.memory_space<semaphore_mem>>) src(%dma_wait3A_214 : memref<40x128xf32, #tpu.memory_space<vmem>>) dst(%dma_wait3A_211 : memref<40x128xf32, #tpu.memory_space<hbm>>)
          tpu.yield
        }) : () -> ()
      }
      %scan3A_185 = arith.constant 25 : i32
    } else {
    }
    return
  }
}

#map = affine_map<(d0, d1) -> (0, 0)>
#map1 = affine_map<(d0, d1) -> (0)>
#map2 = affine_map<(d0, d1) -> (0, 0, 0)>
module attributes {stable_mosaic.version = 14 : i64} {
  func.func @body(%arg0: i32, %arg1: i32, %arg2: memref<10000x128xf32, #tpu.memory_space<hbm>>, %arg3: memref<320000xi32, #tpu.memory_space<hbm>>, %arg4: memref<320000xi32, #tpu.memory_space<hbm>>, %arg5: memref<40x128xf32, #tpu.memory_space<hbm>>, %arg6: memref<2x10000x128xf32, #tpu.memory_space<hbm>>, %arg7: memref<10000xi32, #tpu.memory_space<vmem>>, %arg8: memref<10000xi32, #tpu.memory_space<vmem>>, %arg9: memref<3x64xi32, #tpu.memory_space<vmem>>, %arg10: memref<1x16xi32, #tpu.memory_space<vmem>>, %arg11: memref<64x128xf32, #tpu.memory_space<vmem>>, %arg12: memref<64x128xf32, #tpu.memory_space<vmem>>, %arg13: memref<64x128xf32, #tpu.memory_space<vmem>>, %arg14: memref<10000x128xf32, #tpu.memory_space<vmem_shared>>, %arg15: memref<!tpu.dma_semaphore, #tpu.memory_space<semaphore_mem>>, %arg16: memref<!tpu.dma_semaphore, #tpu.memory_space<semaphore_mem>>, %arg17: memref<!tpu.dma_semaphore, #tpu.memory_space<semaphore_mem>>, %arg18: memref<!tpu.dma_semaphore, #tpu.memory_space<semaphore_mem>>) attributes {dimension_semantics = [#tpu.dimension_semantics<core_parallel>, #tpu.dimension_semantics<subcore_parallel>], iteration_bounds = array<i64: 2, 16>, scalar_prefetch = 0 : i64, scratch_operands = 12 : i64, tpu.core_type = #tpu.core_type<sc_vector_subcore>, window_params = [{transform_indices = #map}, {transform_indices = #map1}, {transform_indices = #map1}, {transform_indices = #map}, {transform_indices = #map2}]} {
    %mul3A = arith.constant 16 : i32
    %mul3A_0 = arith.muli %arg0, %mul3A : i32
    %add3A = arith.addi %mul3A_0, %arg1 : i32
    %mul3A_1 = arith.constant 1000 : i32
    %mul3A_2 = arith.muli %arg1, %mul3A_1 : i32
    %lt3A = arith.constant 10 : i32
    %lt3A_3 = arith.cmpi slt, %arg1, %lt3A : i32
    %convert_element_type3A = arith.extui %lt3A_3 : i1 to i32
    %cond3A = arith.constant 0 : i32
    %cond3A_4 = arith.cmpi ne, %convert_element_type3A, %cond3A : i32
    scf.if %cond3A_4 {
      "tpu.region"() ({
        %run_scoped3A_186 = tpu.sem_alloc : memref<!tpu.dma_semaphore, #tpu.memory_space<semaphore_mem>>
        %dma_start3A_187 = arith.constant 0 : i32
        %dma_start3A_188 = arith.constant 0 : i32
        %dma_start3A_189 = tpu.memref_slice %arg11[%dma_start3A_187, %dma_start3A_188] : memref<64x128xf32, #tpu.memory_space<vmem>> -> memref<40x128xf32, #tpu.memory_space<vmem>>
        %dma_start3A_190 = arith.constant 0 : i32
        %dma_start3A_191 = arith.constant 0 : i32
        %dma_start3A_192 = tpu.memref_slice %arg11[%dma_start3A_190, %dma_start3A_191] : memref<64x128xf32, #tpu.memory_space<vmem>> -> memref<40x128xf32, #tpu.memory_space<vmem>>
        tpu.enqueue_dma source(%arg5 : memref<40x128xf32, #tpu.memory_space<hbm>>) target(%dma_start3A_192 : memref<40x128xf32, #tpu.memory_space<vmem>>) target_semaphore(%run_scoped3A_186 : memref<!tpu.dma_semaphore, #tpu.memory_space<semaphore_mem>>)
        %dma_wait3A_193 = arith.constant 0 : i32
        %dma_wait3A_194 = arith.constant 0 : i32
        %dma_wait3A_195 = tpu.memref_slice %arg11[%dma_wait3A_193, %dma_wait3A_194] : memref<64x128xf32, #tpu.memory_space<vmem>> -> memref<40x128xf32, #tpu.memory_space<vmem>>
        %dma_wait3A_196 = arith.constant 0 : i32
        %dma_wait3A_197 = arith.constant 0 : i32
        %dma_wait3A_198 = tpu.memref_slice %arg11[%dma_wait3A_196, %dma_wait3A_197] : memref<64x128xf32, #tpu.memory_space<vmem>> -> memref<40x128xf32, #tpu.memory_space<vmem>>
        tpu.wait_dma2 semaphore(%run_scoped3A_186 : memref<!tpu.dma_semaphore, #tpu.memory_space<semaphore_mem>>) src(%arg5 : memref<40x128xf32, #tpu.memory_space<hbm>>) dst(%dma_wait3A_198 : memref<40x128xf32, #tpu.memory_space<vmem>>)
        tpu.yield
      }) : () -> ()
      %scan3A_180 = arith.constant 0 : i32
      %scan3A_181 = arith.constant 0 : i32
      %scan3A_182 = arith.constant 25 : i32
      %scan3A_183 = arith.addi %scan3A_181, %scan3A_182 : i32
      %scan3A_184 = arith.constant 1 : i32
      scf.for %scan3A_186 = %scan3A_181 to %scan3A_183 step %scan3A_184  : i32 {
        %mul3A_187 = arith.constant 40 : i32
        %mul3A_188 = arith.muli %scan3A_186, %mul3A_187 : i32
        %add3A_189 = arith.addi %mul3A_2, %mul3A_188 : i32
        "tpu.region"() ({
          %run_scoped3A_190 = tpu.sem_alloc : memref<!tpu.dma_semaphore, #tpu.memory_space<semaphore_mem>>
          %dma_start3A_191 = arith.constant 0 : i32
          %dma_start3A_192 = arith.constant 0 : i32
          %dma_start3A_193 = tpu.memref_slice %arg11[%dma_start3A_191, %dma_start3A_192] : memref<64x128xf32, #tpu.memory_space<vmem>> -> memref<40x128xf32, #tpu.memory_space<vmem>>
          %dma_start3A_194 = arith.constant 0 : i32
          %dma_start3A_195 = tpu.memref_slice %arg14[%add3A_189, %dma_start3A_194] : memref<10000x128xf32, #tpu.memory_space<vmem_shared>> -> memref<40x128xf32, #tpu.memory_space<vmem_shared>>
          %dma_start3A_196 = arith.constant 0 : i32
          %dma_start3A_197 = tpu.memref_slice %arg14[%add3A_189, %dma_start3A_196] : memref<10000x128xf32, #tpu.memory_space<vmem_shared>> -> memref<40x128xf32, #tpu.memory_space<vmem_shared>>
          %dma_start3A_198 = arith.constant 0 : i32
          %dma_start3A_199 = arith.constant 0 : i32
          %dma_start3A_200 = tpu.memref_slice %arg11[%dma_start3A_198, %dma_start3A_199] : memref<64x128xf32, #tpu.memory_space<vmem>> -> memref<40x128xf32, #tpu.memory_space<vmem>>
          tpu.enqueue_dma source(%dma_start3A_200 : memref<40x128xf32, #tpu.memory_space<vmem>>) target(%dma_start3A_197 : memref<40x128xf32, #tpu.memory_space<vmem_shared>>) target_semaphore(%run_scoped3A_190 : memref<!tpu.dma_semaphore, #tpu.memory_space<semaphore_mem>>)
          %dma_wait3A_201 = arith.constant 0 : i32
          %dma_wait3A_202 = arith.constant 0 : i32
          %dma_wait3A_203 = tpu.memref_slice %arg11[%dma_wait3A_201, %dma_wait3A_202] : memref<64x128xf32, #tpu.memory_space<vmem>> -> memref<40x128xf32, #tpu.memory_space<vmem>>
          %dma_wait3A_204 = arith.constant 0 : i32
          %dma_wait3A_205 = tpu.memref_slice %arg14[%add3A_189, %dma_wait3A_204] : memref<10000x128xf32, #tpu.memory_space<vmem_shared>> -> memref<40x128xf32, #tpu.memory_space<vmem_shared>>
          %dma_wait3A_206 = arith.constant 0 : i32
          %dma_wait3A_207 = tpu.memref_slice %arg14[%add3A_189, %dma_wait3A_206] : memref<10000x128xf32, #tpu.memory_space<vmem_shared>> -> memref<40x128xf32, #tpu.memory_space<vmem_shared>>
          %dma_wait3A_208 = arith.constant 0 : i32
          %dma_wait3A_209 = arith.constant 0 : i32
          %dma_wait3A_210 = tpu.memref_slice %arg11[%dma_wait3A_208, %dma_wait3A_209] : memref<64x128xf32, #tpu.memory_space<vmem>> -> memref<40x128xf32, #tpu.memory_space<vmem>>
          tpu.wait_dma2 semaphore(%run_scoped3A_190 : memref<!tpu.dma_semaphore, #tpu.memory_space<semaphore_mem>>) src(%dma_wait3A_210 : memref<40x128xf32, #tpu.memory_space<vmem>>) dst(%dma_wait3A_207 : memref<40x128xf32, #tpu.memory_space<vmem_shared>>)
          tpu.yield
        }) : () -> ()
      }
      %scan3A_185 = arith.constant 25 : i32
    } else {
    }
    %mul3A_5 = arith.constant 10000 : i32
    %mul3A_6 = arith.muli %add3A, %mul3A_5 : i32
    "tpu.region"() ({
      %run_scoped3A_180 = tpu.sem_alloc : memref<!tpu.dma_semaphore, #tpu.memory_space<semaphore_mem>>
      %dma_start3A_181 = tpu.memref_slice %arg3[%mul3A_6] : memref<320000xi32, #tpu.memory_space<hbm>> -> memref<10000xi32, #tpu.memory_space<hbm>>
      %dma_start3A_182 = tpu.memref_slice %arg3[%mul3A_6] : memref<320000xi32, #tpu.memory_space<hbm>> -> memref<10000xi32, #tpu.memory_space<hbm>>
      tpu.enqueue_dma source(%dma_start3A_182 : memref<10000xi32, #tpu.memory_space<hbm>>) target(%arg7 : memref<10000xi32, #tpu.memory_space<vmem>>) target_semaphore(%run_scoped3A_180 : memref<!tpu.dma_semaphore, #tpu.memory_space<semaphore_mem>>)
      %dma_wait3A_183 = tpu.memref_slice %arg3[%mul3A_6] : memref<320000xi32, #tpu.memory_space<hbm>> -> memref<10000xi32, #tpu.memory_space<hbm>>
      %dma_wait3A_184 = tpu.memref_slice %arg3[%mul3A_6] : memref<320000xi32, #tpu.memory_space<hbm>> -> memref<10000xi32, #tpu.memory_space<hbm>>
      tpu.wait_dma2 semaphore(%run_scoped3A_180 : memref<!tpu.dma_semaphore, #tpu.memory_space<semaphore_mem>>) src(%dma_wait3A_184 : memref<10000xi32, #tpu.memory_space<hbm>>) dst(%arg7 : memref<10000xi32, #tpu.memory_space<vmem>>)
      tpu.yield
    }) : () -> ()
    "tpu.region"() ({
      %run_scoped3A_180 = tpu.sem_alloc : memref<!tpu.dma_semaphore, #tpu.memory_space<semaphore_mem>>
      %dma_start3A_181 = tpu.memref_slice %arg4[%mul3A_6] : memref<320000xi32, #tpu.memory_space<hbm>> -> memref<10000xi32, #tpu.memory_space<hbm>>
      %dma_start3A_182 = tpu.memref_slice %arg4[%mul3A_6] : memref<320000xi32, #tpu.memory_space<hbm>> -> memref<10000xi32, #tpu.memory_space<hbm>>
      tpu.enqueue_dma source(%dma_start3A_182 : memref<10000xi32, #tpu.memory_space<hbm>>) target(%arg8 : memref<10000xi32, #tpu.memory_space<vmem>>) target_semaphore(%run_scoped3A_180 : memref<!tpu.dma_semaphore, #tpu.memory_space<semaphore_mem>>)
      %dma_wait3A_183 = tpu.memref_slice %arg4[%mul3A_6] : memref<320000xi32, #tpu.memory_space<hbm>> -> memref<10000xi32, #tpu.memory_space<hbm>>
      %dma_wait3A_184 = tpu.memref_slice %arg4[%mul3A_6] : memref<320000xi32, #tpu.memory_space<hbm>> -> memref<10000xi32, #tpu.memory_space<hbm>>
      tpu.wait_dma2 semaphore(%run_scoped3A_180 : memref<!tpu.dma_semaphore, #tpu.memory_space<semaphore_mem>>) src(%dma_wait3A_184 : memref<10000xi32, #tpu.memory_space<hbm>>) dst(%arg8 : memref<10000xi32, #tpu.memory_space<vmem>>)
      tpu.yield
    }) : () -> ()
    %barrier3A = arith.constant 0 : index
    tpu.barrier barrier_id(%barrier3A)
    %dma_start3A = arith.constant 0 : i32
    %dma_start3A_7 = arith.constant 0 : i32
    %dma_start3A_8 = tpu.memref_slice %arg11[%dma_start3A, %dma_start3A_7] : memref<64x128xf32, #tpu.memory_space<vmem>> -> memref<16x128xf32, #tpu.memory_space<vmem>>
    %dma_start3A_9 = arith.constant 9984 : i32
    %dma_start3A_10 = tpu.memref_slice %arg7[%dma_start3A_9] : memref<10000xi32, #tpu.memory_space<vmem>> -> memref<16xi32, #tpu.memory_space<vmem>>
    %dma_start3A_11 = arith.constant 0 : i32
    %dma_start3A_12 = arith.constant 0 : i32
    %dma_start3A_13 = tpu.memref_slice %arg2[%dma_start3A_11, %dma_start3A_12] : memref<10000x128xf32, #tpu.memory_space<hbm>> -> memref<10000x128xf32, #tpu.memory_space<hbm>>
    tpu.enqueue_indirect_dma source(%dma_start3A_13 : memref<10000x128xf32, #tpu.memory_space<hbm>>) target(%dma_start3A_8 : memref<16x128xf32, #tpu.memory_space<vmem>>) offsets(%dma_start3A_10 : memref<16xi32, #tpu.memory_space<vmem>>) semaphore(%arg15 : memref<!tpu.dma_semaphore, #tpu.memory_space<semaphore_mem>>)
    %dma_wait3A = arith.constant 0 : i32
    %dma_wait3A_14 = arith.constant 0 : i32
    %dma_wait3A_15 = tpu.memref_slice %arg11[%dma_wait3A, %dma_wait3A_14] : memref<64x128xf32, #tpu.memory_space<vmem>> -> memref<16x128xf32, #tpu.memory_space<vmem>>
    %dma_wait3A_16 = arith.constant 9984 : i32
    %dma_wait3A_17 = tpu.memref_slice %arg7[%dma_wait3A_16] : memref<10000xi32, #tpu.memory_space<vmem>> -> memref<16xi32, #tpu.memory_space<vmem>>
    %dma_wait3A_18 = arith.constant 0 : i32
    %dma_wait3A_19 = arith.constant 0 : i32
    %dma_wait3A_20 = tpu.memref_slice %arg2[%dma_wait3A_18, %dma_wait3A_19] : memref<10000x128xf32, #tpu.memory_space<hbm>> -> memref<10000x128xf32, #tpu.memory_space<hbm>>
    tpu.wait_indirect_dma semaphore(%arg15 : memref<!tpu.dma_semaphore, #tpu.memory_space<semaphore_mem>>) src(%dma_wait3A_20 : memref<10000x128xf32, #tpu.memory_space<hbm>>) dst(%dma_wait3A_15 : memref<16x128xf32, #tpu.memory_space<vmem>>)
    %get3A = arith.constant 9984 : index
    %get3A_21 = tpu.vector_load %arg8[%get3A] {strides = array<i32>} : memref<10000xi32, #tpu.memory_space<vmem>>, vector<16xi32>,
    %swap3A = arith.constant 0 : i32
    %swap3A_22 = arith.index_cast %swap3A : i32 to index
    %swap3A_23 = arith.constant 0 : index
    %swap3A_24 = tpu.vector_load %arg10[%swap3A_22, %swap3A_23] {strides = array<i32>} : memref<1x16xi32, #tpu.memory_space<vmem>>, vector<16xi32>,
    tpu.vector_store %arg10[%swap3A_22, %swap3A_23], %get3A_21 {strides = array<i32>} : memref<1x16xi32, #tpu.memory_space<vmem>>, vector<16xi32>,
    %run_scoped3A = arith.constant 0 : i32
    "tpu.region"() ({
      %run_scoped3A_180 = tpu.sem_alloc : memref<!tpu.dma_semaphore, #tpu.memory_space<semaphore_mem>>
      %dma_start3A_181 = arith.constant 0 : i32
      %dma_start3A_182 = arith.constant 0 : i32
      %dma_start3A_183 = tpu.memref_slice %arg11[%dma_start3A_181, %dma_start3A_182] : memref<64x128xf32, #tpu.memory_space<vmem>> -> memref<16x128xf32, #tpu.memory_space<vmem>>
      %dma_start3A_184 = arith.constant 0 : i32
      %dma_start3A_185 = tpu.memref_slice %arg10[%run_scoped3A, %dma_start3A_184] : memref<1x16xi32, #tpu.memory_space<vmem>> -> memref<1x16xi32, #tpu.memory_space<vmem>>
      %dma_start3A_186 = tpu.memref_squeeze %dma_start3A_185 : memref<1x16xi32, #tpu.memory_space<vmem>> -> memref<16xi32, #tpu.memory_space<vmem>>
      %dma_start3A_187 = arith.constant 0 : i32
      %dma_start3A_188 = arith.constant 0 : i32
      %dma_start3A_189 = tpu.memref_slice %arg14[%dma_start3A_187, %dma_start3A_188] : memref<10000x128xf32, #tpu.memory_space<vmem_shared>> -> memref<10000x128xf32, #tpu.memory_space<vmem_shared>>
      tpu.enqueue_indirect_dma source(%dma_start3A_183 : memref<16x128xf32, #tpu.memory_space<vmem>>) target(%dma_start3A_189 : memref<10000x128xf32, #tpu.memory_space<vmem_shared>>) offsets(%dma_start3A_186 : memref<16xi32, #tpu.memory_space<vmem>>) semaphore(%run_scoped3A_180 : memref<!tpu.dma_semaphore, #tpu.memory_space<semaphore_mem>>) {add = true}
      %dma_wait3A_190 = arith.constant 0 : i32
      %dma_wait3A_191 = arith.constant 0 : i32
      %dma_wait3A_192 = tpu.memref_slice %arg11[%dma_wait3A_190, %dma_wait3A_191] : memref<64x128xf32, #tpu.memory_space<vmem>> -> memref<16x128xf32, #tpu.memory_space<vmem>>
      %dma_wait3A_193 = arith.constant 0 : i32
      %dma_wait3A_194 = tpu.memref_slice %arg10[%run_scoped3A, %dma_wait3A_193] : memref<1x16xi32, #tpu.memory_space<vmem>> -> memref<1x16xi32, #tpu.memory_space<vmem>>
      %dma_wait3A_195 = tpu.memref_squeeze %dma_wait3A_194 : memref<1x16xi32, #tpu.memory_space<vmem>> -> memref<16xi32, #tpu.memory_space<vmem>>
      %dma_wait3A_196 = arith.constant 0 : i32
      %dma_wait3A_197 = arith.constant 0 : i32
      %dma_wait3A_198 = tpu.memref_slice %arg14[%dma_wait3A_196, %dma_wait3A_197] : memref<10000x128xf32, #tpu.memory_space<vmem_shared>> -> memref<10000x128xf32, #tpu.memory_space<vmem_shared>>
      tpu.wait_indirect_dma semaphore(%run_scoped3A_180 : memref<!tpu.dma_semaphore, #tpu.memory_space<semaphore_mem>>) src(%dma_wait3A_192 : memref<16x128xf32, #tpu.memory_space<vmem>>) dst(%dma_wait3A_198 : memref<10000x128xf32, #tpu.memory_space<vmem_shared>>)
      tpu.yield
    }) : () -> ()
    %dma_start3A_25 = arith.constant 0 : i32
    %dma_start3A_26 = tpu.memref_slice %arg7[%dma_start3A_25] : memref<10000xi32, #tpu.memory_space<vmem>> -> memref<64xi32, #tpu.memory_space<vmem>>
    %dma_start3A_27 = arith.constant 0 : i32
    %dma_start3A_28 = arith.constant 0 : i32
    %dma_start3A_29 = tpu.memref_slice %arg2[%dma_start3A_27, %dma_start3A_28] : memref<10000x128xf32, #tpu.memory_space<hbm>> -> memref<10000x128xf32, #tpu.memory_space<hbm>>
    tpu.enqueue_indirect_dma source(%dma_start3A_29 : memref<10000x128xf32, #tpu.memory_space<hbm>>) target(%arg11 : memref<64x128xf32, #tpu.memory_space<vmem>>) offsets(%dma_start3A_26 : memref<64xi32, #tpu.memory_space<vmem>>) semaphore(%arg15 : memref<!tpu.dma_semaphore, #tpu.memory_space<semaphore_mem>>)
    %dma_start3A_30 = arith.constant 64 : i32
    %dma_start3A_31 = tpu.memref_slice %arg7[%dma_start3A_30] : memref<10000xi32, #tpu.memory_space<vmem>> -> memref<64xi32, #tpu.memory_space<vmem>>
    %dma_start3A_32 = arith.constant 0 : i32
    %dma_start3A_33 = arith.constant 0 : i32
    %dma_start3A_34 = tpu.memref_slice %arg2[%dma_start3A_32, %dma_start3A_33] : memref<10000x128xf32, #tpu.memory_space<hbm>> -> memref<10000x128xf32, #tpu.memory_space<hbm>>
    tpu.enqueue_indirect_dma source(%dma_start3A_34 : memref<10000x128xf32, #tpu.memory_space<hbm>>) target(%arg12 : memref<64x128xf32, #tpu.memory_space<vmem>>) offsets(%dma_start3A_31 : memref<64xi32, #tpu.memory_space<vmem>>) semaphore(%arg16 : memref<!tpu.dma_semaphore, #tpu.memory_space<semaphore_mem>>)
    %dma_wait3A_35 = arith.constant 0 : i32
    %dma_wait3A_36 = tpu.memref_slice %arg7[%dma_wait3A_35] : memref<10000xi32, #tpu.memory_space<vmem>> -> memref<64xi32, #tpu.memory_space<vmem>>
    %dma_wait3A_37 = arith.constant 0 : i32
    %dma_wait3A_38 = arith.constant 0 : i32
    %dma_wait3A_39 = tpu.memref_slice %arg2[%dma_wait3A_37, %dma_wait3A_38] : memref<10000x128xf32, #tpu.memory_space<hbm>> -> memref<10000x128xf32, #tpu.memory_space<hbm>>
    tpu.wait_indirect_dma semaphore(%arg15 : memref<!tpu.dma_semaphore, #tpu.memory_space<semaphore_mem>>) src(%dma_wait3A_39 : memref<10000x128xf32, #tpu.memory_space<hbm>>) dst(%arg11 : memref<64x128xf32, #tpu.memory_space<vmem>>)
    %get3A_40 = arith.constant 0 : index
    %get3A_41 = tpu.vector_load %arg8[%get3A_40] {strides = array<i32>} : memref<10000xi32, #tpu.memory_space<vmem>>, vector<16xi32>,
    %swap3A_42 = arith.constant 0 : i32
    %swap3A_43 = arith.index_cast %swap3A_42 : i32 to index
    %swap3A_44 = arith.constant 0 : index
    %swap3A_45 = tpu.vector_load %arg9[%swap3A_43, %swap3A_44] {strides = array<i32>} : memref<3x64xi32, #tpu.memory_space<vmem>>, vector<16xi32>,
    tpu.vector_store %arg9[%swap3A_43, %swap3A_44], %get3A_41 {strides = array<i32>} : memref<3x64xi32, #tpu.memory_space<vmem>>, vector<16xi32>,
    %get3A_46 = arith.constant 16 : index
    %get3A_47 = tpu.vector_load %arg8[%get3A_46] {strides = array<i32>} : memref<10000xi32, #tpu.memory_space<vmem>>, vector<16xi32>,
    %swap3A_48 = arith.constant 0 : i32
    %swap3A_49 = arith.index_cast %swap3A_48 : i32 to index
    %swap3A_50 = arith.constant 16 : index
    %swap3A_51 = tpu.vector_load %arg9[%swap3A_49, %swap3A_50] {strides = array<i32>} : memref<3x64xi32, #tpu.memory_space<vmem>>, vector<16xi32>,
    tpu.vector_store %arg9[%swap3A_49, %swap3A_50], %get3A_47 {strides = array<i32>} : memref<3x64xi32, #tpu.memory_space<vmem>>, vector<16xi32>,
    %get3A_52 = arith.constant 32 : index
    %get3A_53 = tpu.vector_load %arg8[%get3A_52] {strides = array<i32>} : memref<10000xi32, #tpu.memory_space<vmem>>, vector<16xi32>,
    %swap3A_54 = arith.constant 0 : i32
    %swap3A_55 = arith.index_cast %swap3A_54 : i32 to index
    %swap3A_56 = arith.constant 32 : index
    %swap3A_57 = tpu.vector_load %arg9[%swap3A_55, %swap3A_56] {strides = array<i32>} : memref<3x64xi32, #tpu.memory_space<vmem>>, vector<16xi32>,
    tpu.vector_store %arg9[%swap3A_55, %swap3A_56], %get3A_53 {strides = array<i32>} : memref<3x64xi32, #tpu.memory_space<vmem>>, vector<16xi32>,
    %get3A_58 = arith.constant 48 : index
    %get3A_59 = tpu.vector_load %arg8[%get3A_58] {strides = array<i32>} : memref<10000xi32, #tpu.memory_space<vmem>>, vector<16xi32>,
    %swap3A_60 = arith.constant 0 : i32
    %swap3A_61 = arith.index_cast %swap3A_60 : i32 to index
    %swap3A_62 = arith.constant 48 : index
    %swap3A_63 = tpu.vector_load %arg9[%swap3A_61, %swap3A_62] {strides = array<i32>} : memref<3x64xi32, #tpu.memory_space<vmem>>, vector<16xi32>,
    tpu.vector_store %arg9[%swap3A_61, %swap3A_62], %get3A_59 {strides = array<i32>} : memref<3x64xi32, #tpu.memory_space<vmem>>, vector<16xi32>,
    %dma_start3A_64 = arith.constant 0 : i32
    %dma_start3A_65 = arith.constant 0 : i32
    %dma_start3A_66 = tpu.memref_slice %arg9[%dma_start3A_64, %dma_start3A_65] : memref<3x64xi32, #tpu.memory_space<vmem>> -> memref<1x64xi32, #tpu.memory_space<vmem>>
    %dma_start3A_67 = tpu.memref_squeeze %dma_start3A_66 : memref<1x64xi32, #tpu.memory_space<vmem>> -> memref<64xi32, #tpu.memory_space<vmem>>
    %dma_start3A_68 = arith.constant 0 : i32
    %dma_start3A_69 = arith.constant 0 : i32
    %dma_start3A_70 = tpu.memref_slice %arg14[%dma_start3A_68, %dma_start3A_69] : memref<10000x128xf32, #tpu.memory_space<vmem_shared>> -> memref<10000x128xf32, #tpu.memory_space<vmem_shared>>
    tpu.enqueue_indirect_dma source(%arg11 : memref<64x128xf32, #tpu.memory_space<vmem>>) target(%dma_start3A_70 : memref<10000x128xf32, #tpu.memory_space<vmem_shared>>) offsets(%dma_start3A_67 : memref<64xi32, #tpu.memory_space<vmem>>) semaphore(%arg18 : memref<!tpu.dma_semaphore, #tpu.memory_space<semaphore_mem>>) {add = true}
    %dma_start3A_71 = arith.constant 128 : i32
    %dma_start3A_72 = tpu.memref_slice %arg7[%dma_start3A_71] : memref<10000xi32, #tpu.memory_space<vmem>> -> memref<64xi32, #tpu.memory_space<vmem>>
    %dma_start3A_73 = arith.constant 0 : i32
    %dma_start3A_74 = arith.constant 0 : i32
    %dma_start3A_75 = tpu.memref_slice %arg2[%dma_start3A_73, %dma_start3A_74] : memref<10000x128xf32, #tpu.memory_space<hbm>> -> memref<10000x128xf32, #tpu.memory_space<hbm>>
    tpu.enqueue_indirect_dma source(%dma_start3A_75 : memref<10000x128xf32, #tpu.memory_space<hbm>>) target(%arg13 : memref<64x128xf32, #tpu.memory_space<vmem>>) offsets(%dma_start3A_72 : memref<64xi32, #tpu.memory_space<vmem>>) semaphore(%arg17 : memref<!tpu.dma_semaphore, #tpu.memory_space<semaphore_mem>>)
    %scan3A = arith.constant 0 : i32
    %scan3A_76 = arith.constant 0 : i32
    %scan3A_77 = arith.constant 51 : i32
    %scan3A_78 = arith.addi %scan3A_76, %scan3A_77 : i32
    %scan3A_79 = arith.constant 1 : i32
    scf.for %scan3A_180 = %scan3A_76 to %scan3A_78 step %scan3A_79  : i32 {
      %mul3A_181 = arith.constant 3 : i32
      %mul3A_182 = arith.muli %mul3A_181, %scan3A_180 : i32
      %add3A_183 = arith.constant 1 : i32
      %add3A_184 = arith.addi %mul3A_182, %add3A_183 : i32
      %add3A_185 = arith.constant 0 : i32
      %add3A_186 = arith.addi %add3A_184, %add3A_185 : i32
      %dma_wait3A_187 = arith.constant 0 : i32
      %dma_wait3A_188 = tpu.memref_slice %arg7[%dma_wait3A_187] : memref<10000xi32, #tpu.memory_space<vmem>> -> memref<64xi32, #tpu.memory_space<vmem>>
      %dma_wait3A_189 = arith.constant 0 : i32
      %dma_wait3A_190 = arith.constant 0 : i32
      %dma_wait3A_191 = tpu.memref_slice %arg2[%dma_wait3A_189, %dma_wait3A_190] : memref<10000x128xf32, #tpu.memory_space<hbm>> -> memref<10000x128xf32, #tpu.memory_space<hbm>>
      tpu.wait_indirect_dma semaphore(%arg16 : memref<!tpu.dma_semaphore, #tpu.memory_space<semaphore_mem>>) src(%dma_wait3A_191 : memref<10000x128xf32, #tpu.memory_space<hbm>>) dst(%arg12 : memref<64x128xf32, #tpu.memory_space<vmem>>)
      %dma_wait3A_192 = arith.constant 0 : i32
      %dma_wait3A_193 = arith.constant 0 : i32
      %dma_wait3A_194 = tpu.memref_slice %arg9[%dma_wait3A_192, %dma_wait3A_193] : memref<3x64xi32, #tpu.memory_space<vmem>> -> memref<1x64xi32, #tpu.memory_space<vmem>>
      %dma_wait3A_195 = tpu.memref_squeeze %dma_wait3A_194 : memref<1x64xi32, #tpu.memory_space<vmem>> -> memref<64xi32, #tpu.memory_space<vmem>>
      %dma_wait3A_196 = arith.constant 0 : i32
      %dma_wait3A_197 = arith.constant 0 : i32
      %dma_wait3A_198 = tpu.memref_slice %arg14[%dma_wait3A_196, %dma_wait3A_197] : memref<10000x128xf32, #tpu.memory_space<vmem_shared>> -> memref<10000x128xf32, #tpu.memory_space<vmem_shared>>
      tpu.wait_indirect_dma semaphore(%arg18 : memref<!tpu.dma_semaphore, #tpu.memory_space<semaphore_mem>>) src(%arg11 : memref<64x128xf32, #tpu.memory_space<vmem>>) dst(%dma_wait3A_198 : memref<10000x128xf32, #tpu.memory_space<vmem_shared>>)
      %mul3A_199 = arith.constant 64 : i32
      %mul3A_200 = arith.muli %add3A_186, %mul3A_199 : i32
      %add3A_201 = arith.constant 0 : i32
      %add3A_202 = arith.addi %mul3A_200, %add3A_201 : i32
      %get3A_203 = arith.index_cast %add3A_202 : i32 to index
      %get3A_204 = tpu.vector_load %arg8[%get3A_203] {strides = array<i32>} : memref<10000xi32, #tpu.memory_space<vmem>>, vector<16xi32>,
      %swap3A_205 = arith.constant 1 : i32
      %swap3A_206 = arith.index_cast %swap3A_205 : i32 to index
      %swap3A_207 = arith.constant 0 : index
      %swap3A_208 = tpu.vector_load %arg9[%swap3A_206, %swap3A_207] {strides = array<i32>} : memref<3x64xi32, #tpu.memory_space<vmem>>, vector<16xi32>,
      tpu.vector_store %arg9[%swap3A_206, %swap3A_207], %get3A_204 {strides = array<i32>} : memref<3x64xi32, #tpu.memory_space<vmem>>, vector<16xi32>,
      %mul3A_209 = arith.constant 64 : i32
      %mul3A_210 = arith.muli %add3A_186, %mul3A_209 : i32
      %add3A_211 = arith.constant 16 : i32
      %add3A_212 = arith.addi %mul3A_210, %add3A_211 : i32
      %get3A_213 = arith.index_cast %add3A_212 : i32 to index
      %get3A_214 = tpu.vector_load %arg8[%get3A_213] {strides = array<i32>} : memref<10000xi32, #tpu.memory_space<vmem>>, vector<16xi32>,
      %swap3A_215 = arith.constant 1 : i32
      %swap3A_216 = arith.index_cast %swap3A_215 : i32 to index
      %swap3A_217 = arith.constant 16 : index
      %swap3A_218 = tpu.vector_load %arg9[%swap3A_216, %swap3A_217] {strides = array<i32>} : memref<3x64xi32, #tpu.memory_space<vmem>>, vector<16xi32>,
      tpu.vector_store %arg9[%swap3A_216, %swap3A_217], %get3A_214 {strides = array<i32>} : memref<3x64xi32, #tpu.memory_space<vmem>>, vector<16xi32>,
      %mul3A_219 = arith.constant 64 : i32
      %mul3A_220 = arith.muli %add3A_186, %mul3A_219 : i32
      %add3A_221 = arith.constant 32 : i32
      %add3A_222 = arith.addi %mul3A_220, %add3A_221 : i32
      %get3A_223 = arith.index_cast %add3A_222 : i32 to index
      %get3A_224 = tpu.vector_load %arg8[%get3A_223] {strides = array<i32>} : memref<10000xi32, #tpu.memory_space<vmem>>, vector<16xi32>,
      %swap3A_225 = arith.constant 1 : i32
      %swap3A_226 = arith.index_cast %swap3A_225 : i32 to index
      %swap3A_227 = arith.constant 32 : index
      %swap3A_228 = tpu.vector_load %arg9[%swap3A_226, %swap3A_227] {strides = array<i32>} : memref<3x64xi32, #tpu.memory_space<vmem>>, vector<16xi32>,
      tpu.vector_store %arg9[%swap3A_226, %swap3A_227], %get3A_224 {strides = array<i32>} : memref<3x64xi32, #tpu.memory_space<vmem>>, vector<16xi32>,
      %mul3A_229 = arith.constant 64 : i32
      %mul3A_230 = arith.muli %add3A_186, %mul3A_229 : i32
      %add3A_231 = arith.constant 48 : i32
      %add3A_232 = arith.addi %mul3A_230, %add3A_231 : i32
      %get3A_233 = arith.index_cast %add3A_232 : i32 to index
      %get3A_234 = tpu.vector_load %arg8[%get3A_233] {strides = array<i32>} : memref<10000xi32, #tpu.memory_space<vmem>>, vector<16xi32>,
      %swap3A_235 = arith.constant 1 : i32
      %swap3A_236 = arith.index_cast %swap3A_235 : i32 to index
      %swap3A_237 = arith.constant 48 : index
      %swap3A_238 = tpu.vector_load %arg9[%swap3A_236, %swap3A_237] {strides = array<i32>} : memref<3x64xi32, #tpu.memory_space<vmem>>, vector<16xi32>,
      tpu.vector_store %arg9[%swap3A_236, %swap3A_237], %get3A_234 {strides = array<i32>} : memref<3x64xi32, #tpu.memory_space<vmem>>, vector<16xi32>,
      %dma_start3A_239 = arith.constant 1 : i32
      %dma_start3A_240 = arith.constant 0 : i32
      %dma_start3A_241 = tpu.memref_slice %arg9[%dma_start3A_239, %dma_start3A_240] : memref<3x64xi32, #tpu.memory_space<vmem>> -> memref<1x64xi32, #tpu.memory_space<vmem>>
      %dma_start3A_242 = tpu.memref_squeeze %dma_start3A_241 : memref<1x64xi32, #tpu.memory_space<vmem>> -> memref<64xi32, #tpu.memory_space<vmem>>
      %dma_start3A_243 = arith.constant 0 : i32
      %dma_start3A_244 = arith.constant 0 : i32
      %dma_start3A_245 = tpu.memref_slice %arg14[%dma_start3A_243, %dma_start3A_244] : memref<10000x128xf32, #tpu.memory_space<vmem_shared>> -> memref<10000x128xf32, #tpu.memory_space<vmem_shared>>
      tpu.enqueue_indirect_dma source(%arg12 : memref<64x128xf32, #tpu.memory_space<vmem>>) target(%dma_start3A_245 : memref<10000x128xf32, #tpu.memory_space<vmem_shared>>) offsets(%dma_start3A_242 : memref<64xi32, #tpu.memory_space<vmem>>) semaphore(%arg18 : memref<!tpu.dma_semaphore, #tpu.memory_space<semaphore_mem>>) {add = true}
      %add3A_246 = arith.constant 2 : i32
      %add3A_247 = arith.addi %add3A_186, %add3A_246 : i32
      %mul3A_248 = arith.constant 64 : i32
      %mul3A_249 = arith.muli %add3A_247, %mul3A_248 : i32
      %dma_start3A_250 = tpu.memref_slice %arg7[%mul3A_249] : memref<10000xi32, #tpu.memory_space<vmem>> -> memref<64xi32, #tpu.memory_space<vmem>>
      %dma_start3A_251 = arith.constant 0 : i32
      %dma_start3A_252 = arith.constant 0 : i32
      %dma_start3A_253 = tpu.memref_slice %arg2[%dma_start3A_251, %dma_start3A_252] : memref<10000x128xf32, #tpu.memory_space<hbm>> -> memref<10000x128xf32, #tpu.memory_space<hbm>>
      tpu.enqueue_indirect_dma source(%dma_start3A_253 : memref<10000x128xf32, #tpu.memory_space<hbm>>) target(%arg11 : memref<64x128xf32, #tpu.memory_space<vmem>>) offsets(%dma_start3A_250 : memref<64xi32, #tpu.memory_space<vmem>>) semaphore(%arg15 : memref<!tpu.dma_semaphore, #tpu.memory_space<semaphore_mem>>)
      %mul3A_254 = arith.constant 3 : i32
      %mul3A_255 = arith.muli %mul3A_254, %scan3A_180 : i32
      %add3A_256 = arith.constant 1 : i32
      %add3A_257 = arith.addi %mul3A_255, %add3A_256 : i32
      %add3A_258 = arith.constant 1 : i32
      %add3A_259 = arith.addi %add3A_257, %add3A_258 : i32
      %dma_wait3A_260 = arith.constant 0 : i32
      %dma_wait3A_261 = tpu.memref_slice %arg7[%dma_wait3A_260] : memref<10000xi32, #tpu.memory_space<vmem>> -> memref<64xi32, #tpu.memory_space<vmem>>
      %dma_wait3A_262 = arith.constant 0 : i32
      %dma_wait3A_263 = arith.constant 0 : i32
      %dma_wait3A_264 = tpu.memref_slice %arg2[%dma_wait3A_262, %dma_wait3A_263] : memref<10000x128xf32, #tpu.memory_space<hbm>> -> memref<10000x128xf32, #tpu.memory_space<hbm>>
      tpu.wait_indirect_dma semaphore(%arg17 : memref<!tpu.dma_semaphore, #tpu.memory_space<semaphore_mem>>) src(%dma_wait3A_264 : memref<10000x128xf32, #tpu.memory_space<hbm>>) dst(%arg13 : memref<64x128xf32, #tpu.memory_space<vmem>>)
      %dma_wait3A_265 = arith.constant 1 : i32
      %dma_wait3A_266 = arith.constant 0 : i32
      %dma_wait3A_267 = tpu.memref_slice %arg9[%dma_wait3A_265, %dma_wait3A_266] : memref<3x64xi32, #tpu.memory_space<vmem>> -> memref<1x64xi32, #tpu.memory_space<vmem>>
      %dma_wait3A_268 = tpu.memref_squeeze %dma_wait3A_267 : memref<1x64xi32, #tpu.memory_space<vmem>> -> memref<64xi32, #tpu.memory_space<vmem>>
      %dma_wait3A_269 = arith.constant 0 : i32
      %dma_wait3A_270 = arith.constant 0 : i32
      %dma_wait3A_271 = tpu.memref_slice %arg14[%dma_wait3A_269, %dma_wait3A_270] : memref<10000x128xf32, #tpu.memory_space<vmem_shared>> -> memref<10000x128xf32, #tpu.memory_space<vmem_shared>>
      tpu.wait_indirect_dma semaphore(%arg18 : memref<!tpu.dma_semaphore, #tpu.memory_space<semaphore_mem>>) src(%arg12 : memref<64x128xf32, #tpu.memory_space<vmem>>) dst(%dma_wait3A_271 : memref<10000x128xf32, #tpu.memory_space<vmem_shared>>)
      %mul3A_272 = arith.constant 64 : i32
      %mul3A_273 = arith.muli %add3A_259, %mul3A_272 : i32
      %add3A_274 = arith.constant 0 : i32
      %add3A_275 = arith.addi %mul3A_273, %add3A_274 : i32
      %get3A_276 = arith.index_cast %add3A_275 : i32 to index
      %get3A_277 = tpu.vector_load %arg8[%get3A_276] {strides = array<i32>} : memref<10000xi32, #tpu.memory_space<vmem>>, vector<16xi32>,
      %swap3A_278 = arith.constant 2 : i32
      %swap3A_279 = arith.index_cast %swap3A_278 : i32 to index
      %swap3A_280 = arith.constant 0 : index
      %swap3A_281 = tpu.vector_load %arg9[%swap3A_279, %swap3A_280] {strides = array<i32>} : memref<3x64xi32, #tpu.memory_space<vmem>>, vector<16xi32>,
      tpu.vector_store %arg9[%swap3A_279, %swap3A_280], %get3A_277 {strides = array<i32>} : memref<3x64xi32, #tpu.memory_space<vmem>>, vector<16xi32>,
      %mul3A_282 = arith.constant 64 : i32
      %mul3A_283 = arith.muli %add3A_259, %mul3A_282 : i32
      %add3A_284 = arith.constant 16 : i32
      %add3A_285 = arith.addi %mul3A_283, %add3A_284 : i32
      %get3A_286 = arith.index_cast %add3A_285 : i32 to index
      %get3A_287 = tpu.vector_load %arg8[%get3A_286] {strides = array<i32>} : memref<10000xi32, #tpu.memory_space<vmem>>, vector<16xi32>,
      %swap3A_288 = arith.constant 2 : i32
      %swap3A_289 = arith.index_cast %swap3A_288 : i32 to index
      %swap3A_290 = arith.constant 16 : index
      %swap3A_291 = tpu.vector_load %arg9[%swap3A_289, %swap3A_290] {strides = array<i32>} : memref<3x64xi32, #tpu.memory_space<vmem>>, vector<16xi32>,
      tpu.vector_store %arg9[%swap3A_289, %swap3A_290], %get3A_287 {strides = array<i32>} : memref<3x64xi32, #tpu.memory_space<vmem>>, vector<16xi32>,
      %mul3A_292 = arith.constant 64 : i32
      %mul3A_293 = arith.muli %add3A_259, %mul3A_292 : i32
      %add3A_294 = arith.constant 32 : i32
      %add3A_295 = arith.addi %mul3A_293, %add3A_294 : i32
      %get3A_296 = arith.index_cast %add3A_295 : i32 to index
      %get3A_297 = tpu.vector_load %arg8[%get3A_296] {strides = array<i32>} : memref<10000xi32, #tpu.memory_space<vmem>>, vector<16xi32>,
      %swap3A_298 = arith.constant 2 : i32
      %swap3A_299 = arith.index_cast %swap3A_298 : i32 to index
      %swap3A_300 = arith.constant 32 : index
      %swap3A_301 = tpu.vector_load %arg9[%swap3A_299, %swap3A_300] {strides = array<i32>} : memref<3x64xi32, #tpu.memory_space<vmem>>, vector<16xi32>,
      tpu.vector_store %arg9[%swap3A_299, %swap3A_300], %get3A_297 {strides = array<i32>} : memref<3x64xi32, #tpu.memory_space<vmem>>, vector<16xi32>,
      %mul3A_302 = arith.constant 64 : i32
      %mul3A_303 = arith.muli %add3A_259, %mul3A_302 : i32
      %add3A_304 = arith.constant 48 : i32
      %add3A_305 = arith.addi %mul3A_303, %add3A_304 : i32
      %get3A_306 = arith.index_cast %add3A_305 : i32 to index
      %get3A_307 = tpu.vector_load %arg8[%get3A_306] {strides = array<i32>} : memref<10000xi32, #tpu.memory_space<vmem>>, vector<16xi32>,
      %swap3A_308 = arith.constant 2 : i32
      %swap3A_309 = arith.index_cast %swap3A_308 : i32 to index
      %swap3A_310 = arith.constant 48 : index
      %swap3A_311 = tpu.vector_load %arg9[%swap3A_309, %swap3A_310] {strides = array<i32>} : memref<3x64xi32, #tpu.memory_space<vmem>>, vector<16xi32>,
      tpu.vector_store %arg9[%swap3A_309, %swap3A_310], %get3A_307 {strides = array<i32>} : memref<3x64xi32, #tpu.memory_space<vmem>>, vector<16xi32>,
      %dma_start3A_312 = arith.constant 2 : i32
      %dma_start3A_313 = arith.constant 0 : i32
      %dma_start3A_314 = tpu.memref_slice %arg9[%dma_start3A_312, %dma_start3A_313] : memref<3x64xi32, #tpu.memory_space<vmem>> -> memref<1x64xi32, #tpu.memory_space<vmem>>
      %dma_start3A_315 = tpu.memref_squeeze %dma_start3A_314 : memref<1x64xi32, #tpu.memory_space<vmem>> -> memref<64xi32, #tpu.memory_space<vmem>>
      %dma_start3A_316 = arith.constant 0 : i32
      %dma_start3A_317 = arith.constant 0 : i32
      %dma_start3A_318 = tpu.memref_slice %arg14[%dma_start3A_316, %dma_start3A_317] : memref<10000x128xf32, #tpu.memory_space<vmem_shared>> -> memref<10000x128xf32, #tpu.memory_space<vmem_shared>>
      tpu.enqueue_indirect_dma source(%arg13 : memref<64x128xf32, #tpu.memory_space<vmem>>) target(%dma_start3A_318 : memref<10000x128xf32, #tpu.memory_space<vmem_shared>>) offsets(%dma_start3A_315 : memref<64xi32, #tpu.memory_space<vmem>>) semaphore(%arg18 : memref<!tpu.dma_semaphore, #tpu.memory_space<semaphore_mem>>) {add = true}
      %add3A_319 = arith.constant 2 : i32
      %add3A_320 = arith.addi %add3A_259, %add3A_319 : i32
      %mul3A_321 = arith.constant 64 : i32
      %mul3A_322 = arith.muli %add3A_320, %mul3A_321 : i32
      %dma_start3A_323 = tpu.memref_slice %arg7[%mul3A_322] : memref<10000xi32, #tpu.memory_space<vmem>> -> memref<64xi32, #tpu.memory_space<vmem>>
      %dma_start3A_324 = arith.constant 0 : i32
      %dma_start3A_325 = arith.constant 0 : i32
      %dma_start3A_326 = tpu.memref_slice %arg2[%dma_start3A_324, %dma_start3A_325] : memref<10000x128xf32, #tpu.memory_space<hbm>> -> memref<10000x128xf32, #tpu.memory_space<hbm>>
      tpu.enqueue_indirect_dma source(%dma_start3A_326 : memref<10000x128xf32, #tpu.memory_space<hbm>>) target(%arg12 : memref<64x128xf32, #tpu.memory_space<vmem>>) offsets(%dma_start3A_323 : memref<64xi32, #tpu.memory_space<vmem>>) semaphore(%arg16 : memref<!tpu.dma_semaphore, #tpu.memory_space<semaphore_mem>>)
      %mul3A_327 = arith.constant 3 : i32
      %mul3A_328 = arith.muli %mul3A_327, %scan3A_180 : i32
      %add3A_329 = arith.constant 1 : i32
      %add3A_330 = arith.addi %mul3A_328, %add3A_329 : i32
      %add3A_331 = arith.constant 2 : i32
      %add3A_332 = arith.addi %add3A_330, %add3A_331 : i32
      %dma_wait3A_333 = arith.constant 0 : i32
      %dma_wait3A_334 = tpu.memref_slice %arg7[%dma_wait3A_333] : memref<10000xi32, #tpu.memory_space<vmem>> -> memref<64xi32, #tpu.memory_space<vmem>>
      %dma_wait3A_335 = arith.constant 0 : i32
      %dma_wait3A_336 = arith.constant 0 : i32
      %dma_wait3A_337 = tpu.memref_slice %arg2[%dma_wait3A_335, %dma_wait3A_336] : memref<10000x128xf32, #tpu.memory_space<hbm>> -> memref<10000x128xf32, #tpu.memory_space<hbm>>
      tpu.wait_indirect_dma semaphore(%arg15 : memref<!tpu.dma_semaphore, #tpu.memory_space<semaphore_mem>>) src(%dma_wait3A_337 : memref<10000x128xf32, #tpu.memory_space<hbm>>) dst(%arg11 : memref<64x128xf32, #tpu.memory_space<vmem>>)
      %dma_wait3A_338 = arith.constant 2 : i32
      %dma_wait3A_339 = arith.constant 0 : i32
      %dma_wait3A_340 = tpu.memref_slice %arg9[%dma_wait3A_338, %dma_wait3A_339] : memref<3x64xi32, #tpu.memory_space<vmem>> -> memref<1x64xi32, #tpu.memory_space<vmem>>
      %dma_wait3A_341 = tpu.memref_squeeze %dma_wait3A_340 : memref<1x64xi32, #tpu.memory_space<vmem>> -> memref<64xi32, #tpu.memory_space<vmem>>
      %dma_wait3A_342 = arith.constant 0 : i32
      %dma_wait3A_343 = arith.constant 0 : i32
      %dma_wait3A_344 = tpu.memref_slice %arg14[%dma_wait3A_342, %dma_wait3A_343] : memref<10000x128xf32, #tpu.memory_space<vmem_shared>> -> memref<10000x128xf32, #tpu.memory_space<vmem_shared>>
      tpu.wait_indirect_dma semaphore(%arg18 : memref<!tpu.dma_semaphore, #tpu.memory_space<semaphore_mem>>) src(%arg13 : memref<64x128xf32, #tpu.memory_space<vmem>>) dst(%dma_wait3A_344 : memref<10000x128xf32, #tpu.memory_space<vmem_shared>>)
      %mul3A_345 = arith.constant 64 : i32
      %mul3A_346 = arith.muli %add3A_332, %mul3A_345 : i32
      %add3A_347 = arith.constant 0 : i32
      %add3A_348 = arith.addi %mul3A_346, %add3A_347 : i32
      %get3A_349 = arith.index_cast %add3A_348 : i32 to index
      %get3A_350 = tpu.vector_load %arg8[%get3A_349] {strides = array<i32>} : memref<10000xi32, #tpu.memory_space<vmem>>, vector<16xi32>,
      %swap3A_351 = arith.constant 0 : i32
      %swap3A_352 = arith.index_cast %swap3A_351 : i32 to index
      %swap3A_353 = arith.constant 0 : index
      %swap3A_354 = tpu.vector_load %arg9[%swap3A_352, %swap3A_353] {strides = array<i32>} : memref<3x64xi32, #tpu.memory_space<vmem>>, vector<16xi32>,
      tpu.vector_store %arg9[%swap3A_352, %swap3A_353], %get3A_350 {strides = array<i32>} : memref<3x64xi32, #tpu.memory_space<vmem>>, vector<16xi32>,
      %mul3A_355 = arith.constant 64 : i32
      %mul3A_356 = arith.muli %add3A_332, %mul3A_355 : i32
      %add3A_357 = arith.constant 16 : i32
      %add3A_358 = arith.addi %mul3A_356, %add3A_357 : i32
      %get3A_359 = arith.index_cast %add3A_358 : i32 to index
      %get3A_360 = tpu.vector_load %arg8[%get3A_359] {strides = array<i32>} : memref<10000xi32, #tpu.memory_space<vmem>>, vector<16xi32>,
      %swap3A_361 = arith.constant 0 : i32
      %swap3A_362 = arith.index_cast %swap3A_361 : i32 to index
      %swap3A_363 = arith.constant 16 : index
      %swap3A_364 = tpu.vector_load %arg9[%swap3A_362, %swap3A_363] {strides = array<i32>} : memref<3x64xi32, #tpu.memory_space<vmem>>, vector<16xi32>,
      tpu.vector_store %arg9[%swap3A_362, %swap3A_363], %get3A_360 {strides = array<i32>} : memref<3x64xi32, #tpu.memory_space<vmem>>, vector<16xi32>,
      %mul3A_365 = arith.constant 64 : i32
      %mul3A_366 = arith.muli %add3A_332, %mul3A_365 : i32
      %add3A_367 = arith.constant 32 : i32
      %add3A_368 = arith.addi %mul3A_366, %add3A_367 : i32
      %get3A_369 = arith.index_cast %add3A_368 : i32 to index
      %get3A_370 = tpu.vector_load %arg8[%get3A_369] {strides = array<i32>} : memref<10000xi32, #tpu.memory_space<vmem>>, vector<16xi32>,
      %swap3A_371 = arith.constant 0 : i32
      %swap3A_372 = arith.index_cast %swap3A_371 : i32 to index
      %swap3A_373 = arith.constant 32 : index
      %swap3A_374 = tpu.vector_load %arg9[%swap3A_372, %swap3A_373] {strides = array<i32>} : memref<3x64xi32, #tpu.memory_space<vmem>>, vector<16xi32>,
      tpu.vector_store %arg9[%swap3A_372, %swap3A_373], %get3A_370 {strides = array<i32>} : memref<3x64xi32, #tpu.memory_space<vmem>>, vector<16xi32>,
      %mul3A_375 = arith.constant 64 : i32
      %mul3A_376 = arith.muli %add3A_332, %mul3A_375 : i32
      %add3A_377 = arith.constant 48 : i32
      %add3A_378 = arith.addi %mul3A_376, %add3A_377 : i32
      %get3A_379 = arith.index_cast %add3A_378 : i32 to index
      %get3A_380 = tpu.vector_load %arg8[%get3A_379] {strides = array<i32>} : memref<10000xi32, #tpu.memory_space<vmem>>, vector<16xi32>,
      %swap3A_381 = arith.constant 0 : i32
      %swap3A_382 = arith.index_cast %swap3A_381 : i32 to index
      %swap3A_383 = arith.constant 48 : index
      %swap3A_384 = tpu.vector_load %arg9[%swap3A_382, %swap3A_383] {strides = array<i32>} : memref<3x64xi32, #tpu.memory_space<vmem>>, vector<16xi32>,
      tpu.vector_store %arg9[%swap3A_382, %swap3A_383], %get3A_380 {strides = array<i32>} : memref<3x64xi32, #tpu.memory_space<vmem>>, vector<16xi32>,
      %dma_start3A_385 = arith.constant 0 : i32
      %dma_start3A_386 = arith.constant 0 : i32
      %dma_start3A_387 = tpu.memref_slice %arg9[%dma_start3A_385, %dma_start3A_386] : memref<3x64xi32, #tpu.memory_space<vmem>> -> memref<1x64xi32, #tpu.memory_space<vmem>>
      %dma_start3A_388 = tpu.memref_squeeze %dma_start3A_387 : memref<1x64xi32, #tpu.memory_space<vmem>> -> memref<64xi32, #tpu.memory_space<vmem>>
      %dma_start3A_389 = arith.constant 0 : i32
      %dma_start3A_390 = arith.constant 0 : i32
      %dma_start3A_391 = tpu.memref_slice %arg14[%dma_start3A_389, %dma_start3A_390] : memref<10000x128xf32, #tpu.memory_space<vmem_shared>> -> memref<10000x128xf32, #tpu.memory_space<vmem_shared>>
      tpu.enqueue_indirect_dma source(%arg11 : memref<64x128xf32, #tpu.memory_space<vmem>>) target(%dma_start3A_391 : memref<10000x128xf32, #tpu.memory_space<vmem_shared>>) offsets(%dma_start3A_388 : memref<64xi32, #tpu.memory_space<vmem>>) semaphore(%arg18 : memref<!tpu.dma_semaphore, #tpu.memory_space<semaphore_mem>>) {add = true}
      %add3A_392 = arith.constant 2 : i32
      %add3A_393 = arith.addi %add3A_332, %add3A_392 : i32
      %mul3A_394 = arith.constant 64 : i32
      %mul3A_395 = arith.muli %add3A_393, %mul3A_394 : i32
      %dma_start3A_396 = tpu.memref_slice %arg7[%mul3A_395] : memref<10000xi32, #tpu.memory_space<vmem>> -> memref<64xi32, #tpu.memory_space<vmem>>
      %dma_start3A_397 = arith.constant 0 : i32
      %dma_start3A_398 = arith.constant 0 : i32
      %dma_start3A_399 = tpu.memref_slice %arg2[%dma_start3A_397, %dma_start3A_398] : memref<10000x128xf32, #tpu.memory_space<hbm>> -> memref<10000x128xf32, #tpu.memory_space<hbm>>
      tpu.enqueue_indirect_dma source(%dma_start3A_399 : memref<10000x128xf32, #tpu.memory_space<hbm>>) target(%arg13 : memref<64x128xf32, #tpu.memory_space<vmem>>) offsets(%dma_start3A_396 : memref<64xi32, #tpu.memory_space<vmem>>) semaphore(%arg17 : memref<!tpu.dma_semaphore, #tpu.memory_space<semaphore_mem>>)
    }
    %scan3A_80 = arith.constant 51 : i32
    %dma_wait3A_81 = arith.constant 0 : i32
    %dma_wait3A_82 = tpu.memref_slice %arg7[%dma_wait3A_81] : memref<10000xi32, #tpu.memory_space<vmem>> -> memref<64xi32, #tpu.memory_space<vmem>>
    %dma_wait3A_83 = arith.constant 0 : i32
    %dma_wait3A_84 = arith.constant 0 : i32
    %dma_wait3A_85 = tpu.memref_slice %arg2[%dma_wait3A_83, %dma_wait3A_84] : memref<10000x128xf32, #tpu.memory_space<hbm>> -> memref<10000x128xf32, #tpu.memory_space<hbm>>
    tpu.wait_indirect_dma semaphore(%arg16 : memref<!tpu.dma_semaphore, #tpu.memory_space<semaphore_mem>>) src(%dma_wait3A_85 : memref<10000x128xf32, #tpu.memory_space<hbm>>) dst(%arg12 : memref<64x128xf32, #tpu.memory_space<vmem>>)
    %dma_wait3A_86 = arith.constant 0 : i32
    %dma_wait3A_87 = arith.constant 0 : i32
    %dma_wait3A_88 = tpu.memref_slice %arg9[%dma_wait3A_86, %dma_wait3A_87] : memref<3x64xi32, #tpu.memory_space<vmem>> -> memref<1x64xi32, #tpu.memory_space<vmem>>
    %dma_wait3A_89 = tpu.memref_squeeze %dma_wait3A_88 : memref<1x64xi32, #tpu.memory_space<vmem>> -> memref<64xi32, #tpu.memory_space<vmem>>
    %dma_wait3A_90 = arith.constant 0 : i32
    %dma_wait3A_91 = arith.constant 0 : i32
    %dma_wait3A_92 = tpu.memref_slice %arg14[%dma_wait3A_90, %dma_wait3A_91] : memref<10000x128xf32, #tpu.memory_space<vmem_shared>> -> memref<10000x128xf32, #tpu.memory_space<vmem_shared>>
    tpu.wait_indirect_dma semaphore(%arg18 : memref<!tpu.dma_semaphore, #tpu.memory_space<semaphore_mem>>) src(%arg11 : memref<64x128xf32, #tpu.memory_space<vmem>>) dst(%dma_wait3A_92 : memref<10000x128xf32, #tpu.memory_space<vmem_shared>>)
    %get3A_93 = arith.constant 9856 : index
    %get3A_94 = tpu.vector_load %arg8[%get3A_93] {strides = array<i32>} : memref<10000xi32, #tpu.memory_space<vmem>>, vector<16xi32>,
    %swap3A_95 = arith.constant 1 : i32
    %swap3A_96 = arith.index_cast %swap3A_95 : i32 to index
    %swap3A_97 = arith.constant 0 : index
    %swap3A_98 = tpu.vector_load %arg9[%swap3A_96, %swap3A_97] {strides = array<i32>} : memref<3x64xi32, #tpu.memory_space<vmem>>, vector<16xi32>,
    tpu.vector_store %arg9[%swap3A_96, %swap3A_97], %get3A_94 {strides = array<i32>} : memref<3x64xi32, #tpu.memory_space<vmem>>, vector<16xi32>,
    %get3A_99 = arith.constant 9872 : index
    %get3A_100 = tpu.vector_load %arg8[%get3A_99] {strides = array<i32>} : memref<10000xi32, #tpu.memory_space<vmem>>, vector<16xi32>,
    %swap3A_101 = arith.constant 1 : i32
    %swap3A_102 = arith.index_cast %swap3A_101 : i32 to index
    %swap3A_103 = arith.constant 16 : index
    %swap3A_104 = tpu.vector_load %arg9[%swap3A_102, %swap3A_103] {strides = array<i32>} : memref<3x64xi32, #tpu.memory_space<vmem>>, vector<16xi32>,
    tpu.vector_store %arg9[%swap3A_102, %swap3A_103], %get3A_100 {strides = array<i32>} : memref<3x64xi32, #tpu.memory_space<vmem>>, vector<16xi32>,
    %get3A_105 = arith.constant 9888 : index
    %get3A_106 = tpu.vector_load %arg8[%get3A_105] {strides = array<i32>} : memref<10000xi32, #tpu.memory_space<vmem>>, vector<16xi32>,
    %swap3A_107 = arith.constant 1 : i32
    %swap3A_108 = arith.index_cast %swap3A_107 : i32 to index
    %swap3A_109 = arith.constant 32 : index
    %swap3A_110 = tpu.vector_load %arg9[%swap3A_108, %swap3A_109] {strides = array<i32>} : memref<3x64xi32, #tpu.memory_space<vmem>>, vector<16xi32>,
    tpu.vector_store %arg9[%swap3A_108, %swap3A_109], %get3A_106 {strides = array<i32>} : memref<3x64xi32, #tpu.memory_space<vmem>>, vector<16xi32>,
    %get3A_111 = arith.constant 9904 : index
    %get3A_112 = tpu.vector_load %arg8[%get3A_111] {strides = array<i32>} : memref<10000xi32, #tpu.memory_space<vmem>>, vector<16xi32>,
    %swap3A_113 = arith.constant 1 : i32
    %swap3A_114 = arith.index_cast %swap3A_113 : i32 to index
    %swap3A_115 = arith.constant 48 : index
    %swap3A_116 = tpu.vector_load %arg9[%swap3A_114, %swap3A_115] {strides = array<i32>} : memref<3x64xi32, #tpu.memory_space<vmem>>, vector<16xi32>,
    tpu.vector_store %arg9[%swap3A_114, %swap3A_115], %get3A_112 {strides = array<i32>} : memref<3x64xi32, #tpu.memory_space<vmem>>, vector<16xi32>,
    %dma_start3A_117 = arith.constant 1 : i32
    %dma_start3A_118 = arith.constant 0 : i32
    %dma_start3A_119 = tpu.memref_slice %arg9[%dma_start3A_117, %dma_start3A_118] : memref<3x64xi32, #tpu.memory_space<vmem>> -> memref<1x64xi32, #tpu.memory_space<vmem>>
    %dma_start3A_120 = tpu.memref_squeeze %dma_start3A_119 : memref<1x64xi32, #tpu.memory_space<vmem>> -> memref<64xi32, #tpu.memory_space<vmem>>
    %dma_start3A_121 = arith.constant 0 : i32
    %dma_start3A_122 = arith.constant 0 : i32
    %dma_start3A_123 = tpu.memref_slice %arg14[%dma_start3A_121, %dma_start3A_122] : memref<10000x128xf32, #tpu.memory_space<vmem_shared>> -> memref<10000x128xf32, #tpu.memory_space<vmem_shared>>
    tpu.enqueue_indirect_dma source(%arg12 : memref<64x128xf32, #tpu.memory_space<vmem>>) target(%dma_start3A_123 : memref<10000x128xf32, #tpu.memory_space<vmem_shared>>) offsets(%dma_start3A_120 : memref<64xi32, #tpu.memory_space<vmem>>) semaphore(%arg18 : memref<!tpu.dma_semaphore, #tpu.memory_space<semaphore_mem>>) {add = true}
    %dma_wait3A_124 = arith.constant 0 : i32
    %dma_wait3A_125 = tpu.memref_slice %arg7[%dma_wait3A_124] : memref<10000xi32, #tpu.memory_space<vmem>> -> memref<64xi32, #tpu.memory_space<vmem>>
    %dma_wait3A_126 = arith.constant 0 : i32
    %dma_wait3A_127 = arith.constant 0 : i32
    %dma_wait3A_128 = tpu.memref_slice %arg2[%dma_wait3A_126, %dma_wait3A_127] : memref<10000x128xf32, #tpu.memory_space<hbm>> -> memref<10000x128xf32, #tpu.memory_space<hbm>>
    tpu.wait_indirect_dma semaphore(%arg17 : memref<!tpu.dma_semaphore, #tpu.memory_space<semaphore_mem>>) src(%dma_wait3A_128 : memref<10000x128xf32, #tpu.memory_space<hbm>>) dst(%arg13 : memref<64x128xf32, #tpu.memory_space<vmem>>)
    %dma_wait3A_129 = arith.constant 1 : i32
    %dma_wait3A_130 = arith.constant 0 : i32
    %dma_wait3A_131 = tpu.memref_slice %arg9[%dma_wait3A_129, %dma_wait3A_130] : memref<3x64xi32, #tpu.memory_space<vmem>> -> memref<1x64xi32, #tpu.memory_space<vmem>>
    %dma_wait3A_132 = tpu.memref_squeeze %dma_wait3A_131 : memref<1x64xi32, #tpu.memory_space<vmem>> -> memref<64xi32, #tpu.memory_space<vmem>>
    %dma_wait3A_133 = arith.constant 0 : i32
    %dma_wait3A_134 = arith.constant 0 : i32
    %dma_wait3A_135 = tpu.memref_slice %arg14[%dma_wait3A_133, %dma_wait3A_134] : memref<10000x128xf32, #tpu.memory_space<vmem_shared>> -> memref<10000x128xf32, #tpu.memory_space<vmem_shared>>
    tpu.wait_indirect_dma semaphore(%arg18 : memref<!tpu.dma_semaphore, #tpu.memory_space<semaphore_mem>>) src(%arg12 : memref<64x128xf32, #tpu.memory_space<vmem>>) dst(%dma_wait3A_135 : memref<10000x128xf32, #tpu.memory_space<vmem_shared>>)
    %get3A_136 = arith.constant 9920 : index
    %get3A_137 = tpu.vector_load %arg8[%get3A_136] {strides = array<i32>} : memref<10000xi32, #tpu.memory_space<vmem>>, vector<16xi32>,
    %swap3A_138 = arith.constant 2 : i32
    %swap3A_139 = arith.index_cast %swap3A_138 : i32 to index
    %swap3A_140 = arith.constant 0 : index
    %swap3A_141 = tpu.vector_load %arg9[%swap3A_139, %swap3A_140] {strides = array<i32>} : memref<3x64xi32, #tpu.memory_space<vmem>>, vector<16xi32>,
    tpu.vector_store %arg9[%swap3A_139, %swap3A_140], %get3A_137 {strides = array<i32>} : memref<3x64xi32, #tpu.memory_space<vmem>>, vector<16xi32>,
    %get3A_142 = arith.constant 9936 : index
    %get3A_143 = tpu.vector_load %arg8[%get3A_142] {strides = array<i32>} : memref<10000xi32, #tpu.memory_space<vmem>>, vector<16xi32>,
    %swap3A_144 = arith.constant 2 : i32
    %swap3A_145 = arith.index_cast %swap3A_144 : i32 to index
    %swap3A_146 = arith.constant 16 : index
    %swap3A_147 = tpu.vector_load %arg9[%swap3A_145, %swap3A_146] {strides = array<i32>} : memref<3x64xi32, #tpu.memory_space<vmem>>, vector<16xi32>,
    tpu.vector_store %arg9[%swap3A_145, %swap3A_146], %get3A_143 {strides = array<i32>} : memref<3x64xi32, #tpu.memory_space<vmem>>, vector<16xi32>,
    %get3A_148 = arith.constant 9952 : index
    %get3A_149 = tpu.vector_load %arg8[%get3A_148] {strides = array<i32>} : memref<10000xi32, #tpu.memory_space<vmem>>, vector<16xi32>,
    %swap3A_150 = arith.constant 2 : i32
    %swap3A_151 = arith.index_cast %swap3A_150 : i32 to index
    %swap3A_152 = arith.constant 32 : index
    %swap3A_153 = tpu.vector_load %arg9[%swap3A_151, %swap3A_152] {strides = array<i32>} : memref<3x64xi32, #tpu.memory_space<vmem>>, vector<16xi32>,
    tpu.vector_store %arg9[%swap3A_151, %swap3A_152], %get3A_149 {strides = array<i32>} : memref<3x64xi32, #tpu.memory_space<vmem>>, vector<16xi32>,
    %get3A_154 = arith.constant 9968 : index
    %get3A_155 = tpu.vector_load %arg8[%get3A_154] {strides = array<i32>} : memref<10000xi32, #tpu.memory_space<vmem>>, vector<16xi32>,
    %swap3A_156 = arith.constant 2 : i32
    %swap3A_157 = arith.index_cast %swap3A_156 : i32 to index
    %swap3A_158 = arith.constant 48 : index
    %swap3A_159 = tpu.vector_load %arg9[%swap3A_157, %swap3A_158] {strides = array<i32>} : memref<3x64xi32, #tpu.memory_space<vmem>>, vector<16xi32>,
    tpu.vector_store %arg9[%swap3A_157, %swap3A_158], %get3A_155 {strides = array<i32>} : memref<3x64xi32, #tpu.memory_space<vmem>>, vector<16xi32>,
    %dma_start3A_160 = arith.constant 2 : i32
    %dma_start3A_161 = arith.constant 0 : i32
    %dma_start3A_162 = tpu.memref_slice %arg9[%dma_start3A_160, %dma_start3A_161] : memref<3x64xi32, #tpu.memory_space<vmem>> -> memref<1x64xi32, #tpu.memory_space<vmem>>
    %dma_start3A_163 = tpu.memref_squeeze %dma_start3A_162 : memref<1x64xi32, #tpu.memory_space<vmem>> -> memref<64xi32, #tpu.memory_space<vmem>>
    %dma_start3A_164 = arith.constant 0 : i32
    %dma_start3A_165 = arith.constant 0 : i32
    %dma_start3A_166 = tpu.memref_slice %arg14[%dma_start3A_164, %dma_start3A_165] : memref<10000x128xf32, #tpu.memory_space<vmem_shared>> -> memref<10000x128xf32, #tpu.memory_space<vmem_shared>>
    tpu.enqueue_indirect_dma source(%arg13 : memref<64x128xf32, #tpu.memory_space<vmem>>) target(%dma_start3A_166 : memref<10000x128xf32, #tpu.memory_space<vmem_shared>>) offsets(%dma_start3A_163 : memref<64xi32, #tpu.memory_space<vmem>>) semaphore(%arg18 : memref<!tpu.dma_semaphore, #tpu.memory_space<semaphore_mem>>) {add = true}
    %dma_wait3A_167 = arith.constant 2 : i32
    %dma_wait3A_168 = arith.constant 0 : i32
    %dma_wait3A_169 = tpu.memref_slice %arg9[%dma_wait3A_167, %dma_wait3A_168] : memref<3x64xi32, #tpu.memory_space<vmem>> -> memref<1x64xi32, #tpu.memory_space<vmem>>
    %dma_wait3A_170 = tpu.memref_squeeze %dma_wait3A_169 : memref<1x64xi32, #tpu.memory_space<vmem>> -> memref<64xi32, #tpu.memory_space<vmem>>
    %dma_wait3A_171 = arith.constant 0 : i32
    %dma_wait3A_172 = arith.constant 0 : i32
    %dma_wait3A_173 = tpu.memref_slice %arg14[%dma_wait3A_171, %dma_wait3A_172] : memref<10000x128xf32, #tpu.memory_space<vmem_shared>> -> memref<10000x128xf32, #tpu.memory_space<vmem_shared>>
    tpu.wait_indirect_dma semaphore(%arg18 : memref<!tpu.dma_semaphore, #tpu.memory_space<semaphore_mem>>) src(%arg13 : memref<64x128xf32, #tpu.memory_space<vmem>>) dst(%dma_wait3A_173 : memref<10000x128xf32, #tpu.memory_space<vmem_shared>>)
    %barrier3A_174 = arith.constant 0 : index
    tpu.barrier barrier_id(%barrier3A_174)
    %lt3A_175 = arith.constant 10 : i32
    %lt3A_176 = arith.cmpi slt, %arg1, %lt3A_175 : i32
    %convert_element_type3A_177 = arith.extui %lt3A_176 : i1 to i32
    %cond3A_178 = arith.constant 0 : i32
    %cond3A_179 = arith.cmpi ne, %convert_element_type3A_177, %cond3A_178 : i32
    scf.if %cond3A_179 {
      %scan3A_180 = arith.constant 0 : i32
      %scan3A_181 = arith.constant 0 : i32
      %scan3A_182 = arith.constant 25 : i32
      %scan3A_183 = arith.addi %scan3A_181, %scan3A_182 : i32
      %scan3A_184 = arith.constant 1 : i32
      scf.for %scan3A_186 = %scan3A_181 to %scan3A_183 step %scan3A_184  : i32 {
        %mul3A_187 = arith.constant 40 : i32
        %mul3A_188 = arith.muli %scan3A_186, %mul3A_187 : i32
        %add3A_189 = arith.addi %mul3A_2, %mul3A_188 : i32
        "tpu.region"() ({
          %run_scoped3A_190 = tpu.sem_alloc : memref<!tpu.dma_semaphore, #tpu.memory_space<semaphore_mem>>
          %dma_start3A_191 = arith.constant 0 : i32
          %dma_start3A_192 = arith.constant 0 : i32
          %dma_start3A_193 = tpu.memref_slice %arg11[%dma_start3A_191, %dma_start3A_192] : memref<64x128xf32, #tpu.memory_space<vmem>> -> memref<40x128xf32, #tpu.memory_space<vmem>>
          %dma_start3A_194 = arith.constant 0 : i32
          %dma_start3A_195 = tpu.memref_slice %arg14[%add3A_189, %dma_start3A_194] : memref<10000x128xf32, #tpu.memory_space<vmem_shared>> -> memref<40x128xf32, #tpu.memory_space<vmem_shared>>
          %dma_start3A_196 = arith.constant 0 : i32
          %dma_start3A_197 = arith.constant 0 : i32
          %dma_start3A_198 = tpu.memref_slice %arg11[%dma_start3A_196, %dma_start3A_197] : memref<64x128xf32, #tpu.memory_space<vmem>> -> memref<40x128xf32, #tpu.memory_space<vmem>>
          %dma_start3A_199 = arith.constant 0 : i32
          %dma_start3A_200 = tpu.memref_slice %arg14[%add3A_189, %dma_start3A_199] : memref<10000x128xf32, #tpu.memory_space<vmem_shared>> -> memref<40x128xf32, #tpu.memory_space<vmem_shared>>
          tpu.enqueue_dma source(%dma_start3A_200 : memref<40x128xf32, #tpu.memory_space<vmem_shared>>) target(%dma_start3A_198 : memref<40x128xf32, #tpu.memory_space<vmem>>) target_semaphore(%run_scoped3A_190 : memref<!tpu.dma_semaphore, #tpu.memory_space<semaphore_mem>>)
          %dma_wait3A_201 = arith.constant 0 : i32
          %dma_wait3A_202 = arith.constant 0 : i32
          %dma_wait3A_203 = tpu.memref_slice %arg11[%dma_wait3A_201, %dma_wait3A_202] : memref<64x128xf32, #tpu.memory_space<vmem>> -> memref<40x128xf32, #tpu.memory_space<vmem>>
          %dma_wait3A_204 = arith.constant 0 : i32
          %dma_wait3A_205 = tpu.memref_slice %arg14[%add3A_189, %dma_wait3A_204] : memref<10000x128xf32, #tpu.memory_space<vmem_shared>> -> memref<40x128xf32, #tpu.memory_space<vmem_shared>>
          %dma_wait3A_206 = arith.constant 0 : i32
          %dma_wait3A_207 = arith.constant 0 : i32
          %dma_wait3A_208 = tpu.memref_slice %arg11[%dma_wait3A_206, %dma_wait3A_207] : memref<64x128xf32, #tpu.memory_space<vmem>> -> memref<40x128xf32, #tpu.memory_space<vmem>>
          %dma_wait3A_209 = arith.constant 0 : i32
          %dma_wait3A_210 = tpu.memref_slice %arg14[%add3A_189, %dma_wait3A_209] : memref<10000x128xf32, #tpu.memory_space<vmem_shared>> -> memref<40x128xf32, #tpu.memory_space<vmem_shared>>
          tpu.wait_dma2 semaphore(%run_scoped3A_190 : memref<!tpu.dma_semaphore, #tpu.memory_space<semaphore_mem>>) src(%dma_wait3A_210 : memref<40x128xf32, #tpu.memory_space<vmem_shared>>) dst(%dma_wait3A_208 : memref<40x128xf32, #tpu.memory_space<vmem>>)
          tpu.yield
        }) : () -> ()
        "tpu.region"() ({
          %run_scoped3A_190 = tpu.sem_alloc : memref<!tpu.dma_semaphore, #tpu.memory_space<semaphore_mem>>
          %dma_start3A_191 = arith.constant 0 : i32
          %dma_start3A_192 = arith.constant 0 : i32
          %dma_start3A_193 = tpu.memref_slice %arg11[%dma_start3A_191, %dma_start3A_192] : memref<64x128xf32, #tpu.memory_space<vmem>> -> memref<40x128xf32, #tpu.memory_space<vmem>>
          %dma_start3A_194 = arith.constant 0 : i32
          %dma_start3A_195 = tpu.memref_slice %arg6[%arg0, %add3A_189, %dma_start3A_194] : memref<2x10000x128xf32, #tpu.memory_space<hbm>> -> memref<1x40x128xf32, #tpu.memory_space<hbm>>
          %dma_start3A_196 = tpu.memref_squeeze %dma_start3A_195 : memref<1x40x128xf32, #tpu.memory_space<hbm>> -> memref<40x128xf32, #tpu.memory_space<hbm>>
          %dma_start3A_197 = arith.constant 0 : i32
          %dma_start3A_198 = tpu.memref_slice %arg6[%arg0, %add3A_189, %dma_start3A_197] : memref<2x10000x128xf32, #tpu.memory_space<hbm>> -> memref<1x40x128xf32, #tpu.memory_space<hbm>>
          %dma_start3A_199 = tpu.memref_squeeze %dma_start3A_198 : memref<1x40x128xf32, #tpu.memory_space<hbm>> -> memref<40x128xf32, #tpu.memory_space<hbm>>
          %dma_start3A_200 = arith.constant 0 : i32
          %dma_start3A_201 = arith.constant 0 : i32
          %dma_start3A_202 = tpu.memref_slice %arg11[%dma_start3A_200, %dma_start3A_201] : memref<64x128xf32, #tpu.memory_space<vmem>> -> memref<40x128xf32, #tpu.memory_space<vmem>>
          tpu.enqueue_dma source(%dma_start3A_202 : memref<40x128xf32, #tpu.memory_space<vmem>>) target(%dma_start3A_199 : memref<40x128xf32, #tpu.memory_space<hbm>>) target_semaphore(%run_scoped3A_190 : memref<!tpu.dma_semaphore, #tpu.memory_space<semaphore_mem>>)
          %dma_wait3A_203 = arith.constant 0 : i32
          %dma_wait3A_204 = arith.constant 0 : i32
          %dma_wait3A_205 = tpu.memref_slice %arg11[%dma_wait3A_203, %dma_wait3A_204] : memref<64x128xf32, #tpu.memory_space<vmem>> -> memref<40x128xf32, #tpu.memory_space<vmem>>
          %dma_wait3A_206 = arith.constant 0 : i32
          %dma_wait3A_207 = tpu.memref_slice %arg6[%arg0, %add3A_189, %dma_wait3A_206] : memref<2x10000x128xf32, #tpu.memory_space<hbm>> -> memref<1x40x128xf32, #tpu.memory_space<hbm>>
          %dma_wait3A_208 = tpu.memref_squeeze %dma_wait3A_207 : memref<1x40x128xf32, #tpu.memory_space<hbm>> -> memref<40x128xf32, #tpu.memory_space<hbm>>
          %dma_wait3A_209 = arith.constant 0 : i32
          %dma_wait3A_210 = tpu.memref_slice %arg6[%arg0, %add3A_189, %dma_wait3A_209] : memref<2x10000x128xf32, #tpu.memory_space<hbm>> -> memref<1x40x128xf32, #tpu.memory_space<hbm>>
          %dma_wait3A_211 = tpu.memref_squeeze %dma_wait3A_210 : memref<1x40x128xf32, #tpu.memory_space<hbm>> -> memref<40x128xf32, #tpu.memory_space<hbm>>
          %dma_wait3A_212 = arith.constant 0 : i32
          %dma_wait3A_213 = arith.constant 0 : i32
          %dma_wait3A_214 = tpu.memref_slice %arg11[%dma_wait3A_212, %dma_wait3A_213] : memref<64x128xf32, #tpu.memory_space<vmem>> -> memref<40x128xf32, #tpu.memory_space<vmem>>
          tpu.wait_dma2 semaphore(%run_scoped3A_190 : memref<!tpu.dma_semaphore, #tpu.memory_space<semaphore_mem>>) src(%dma_wait3A_214 : memref<40x128xf32, #tpu.memory_space<vmem>>) dst(%dma_wait3A_211 : memref<40x128xf32, #tpu.memory_space<hbm>>)
          tpu.yield
        }) : () -> ()
      }
      %scan3A_185 = arith.constant 25 : i32
    } else {
    }
    return
  }
}

module attributes {stable_mosaic.version = 14 : i64} {
  func.func @_sage_tc_body(%arg0: i32, %arg1: memref<2x2000x128xf32, #tpu.memory_space<vmem>>, %arg2: memref<2000x32xf32, #tpu.memory_space<vmem>>, %arg3: memref<2000x128xf32, #tpu.memory_space<vmem>>, %arg4: memref<128x128xf32, #tpu.memory_space<vmem>>, %arg5: memref<128x128xf32, #tpu.memory_space<vmem>>, %arg6: memref<1x128xf32, #tpu.memory_space<vmem>>, %arg7: memref<2000x128xf32, #tpu.memory_space<vmem>>) attributes {dimension_semantics = [#tpu.dimension_semantics<arbitrary>], iteration_bounds = array<i64: 5>, scalar_prefetch = 0 : i64, scratch_operands = 0 : i64, tpu.core_type = #tpu.core_type<tc>, window_params = [{transform_indices = @transform_0, window_bounds = array<i64: 2, 2000, 128>}, {transform_indices = @transform_1, window_bounds = array<i64: 2000, 32>}, {transform_indices = @transform_2, window_bounds = array<i64: 2000, 128>}, {pipeline_mode = #tpu.pipeline_mode<synchronous>, transform_indices = @transform_3, window_bounds = array<i64: 128, 128>}, {pipeline_mode = #tpu.pipeline_mode<synchronous>, transform_indices = @transform_4, window_bounds = array<i64: 128, 128>}, {pipeline_mode = #tpu.pipeline_mode<synchronous>, transform_indices = @transform_5, window_bounds = array<i64: 1, 128>}, {transform_indices = @transform_6, window_bounds = array<i64: 2000, 128>}]} {
    %get3A = arith.constant 0 : index
    %get3A_0 = arith.constant 0 : index
    %get3A_1 = arith.constant 0 : index
    %get3A_2 = vector.load %arg1[%get3A, %get3A_0, %get3A_1] : memref<2x2000x128xf32, #tpu.memory_space<vmem>>, vector<1x2000x128xf32>
    %get3A_3 = vector.shape_cast %get3A_2 : vector<1x2000x128xf32> to vector<2000x128xf32>
    %get3A_4 = arith.constant 1 : index
    %get3A_5 = arith.constant 0 : index
    %get3A_6 = arith.constant 0 : index
    %get3A_7 = vector.load %arg1[%get3A_4, %get3A_5, %get3A_6] : memref<2x2000x128xf32, #tpu.memory_space<vmem>>, vector<1x2000x128xf32>
    %get3A_8 = vector.shape_cast %get3A_7 : vector<1x2000x128xf32> to vector<2000x128xf32>
    %add3A = arith.addf %get3A_3, %get3A_8 : vector<2000x128xf32>
    %get3A_9 = arith.constant 0 : index
    %get3A_10 = arith.constant 0 : index
    %get3A_11 = vector.load %arg2[%get3A_9, %get3A_10] : memref<2000x32xf32, #tpu.memory_space<vmem>>, vector<2000x32xf32>
    %reduce_sum3A = arith.constant dense<0.000000e+00> : vector<2000xf32>
    %reduce_sum3A_12 = vector.multi_reduction <add>, %get3A_11, %reduce_sum3A [1] : vector<2000x32xf32> to vector<2000xf32>
    %broadcast_in_dim3A = vector.shape_cast %reduce_sum3A_12 : vector<2000xf32> to vector<2000x1xf32>
    %max3A = arith.constant 1.000000e+00 : f32
    %max3A_13 = vector.broadcast %max3A : f32 to vector<2000x1xf32>
    %max3A_14 = arith.maximumf %broadcast_in_dim3A, %max3A_13 : vector<2000x1xf32>
    %div3A = vector.broadcast %max3A_14 : vector<2000x1xf32> to vector<2000x128xf32>
    %div3A_15 = arith.divf %add3A, %div3A : vector<2000x128xf32>
    %get3A_16 = arith.constant 0 : index
    %get3A_17 = arith.constant 0 : index
    %get3A_18 = vector.load %arg4[%get3A_16, %get3A_17] : memref<128x128xf32, #tpu.memory_space<vmem>>, vector<128x128xf32>
    %dot_general3A = arith.constant dense<0.000000e+00> : vector<2000x128xf32>
    %dot_general3A_19 = tpu.matmul %div3A_15, %get3A_18, %dot_general3A {dimension_numbers = #tpu.dot_dimension_numbers<[1], [1], [0], [0], [0, 0, 1, 0], [], []>, transpose_lhs_hint = false} : vector<2000x128xf32>, vector<128x128xf32>, vector<2000x128xf32> -> vector<2000x128xf32>
    %get3A_20 = arith.constant 0 : index
    %get3A_21 = arith.constant 0 : index
    %get3A_22 = vector.load %arg3[%get3A_20, %get3A_21] : memref<2000x128xf32, #tpu.memory_space<vmem>>, vector<2000x128xf32>
    %get3A_23 = arith.constant 0 : index
    %get3A_24 = arith.constant 0 : index
    %get3A_25 = vector.load %arg5[%get3A_23, %get3A_24] : memref<128x128xf32, #tpu.memory_space<vmem>>, vector<128x128xf32>
    %dot_general3A_26 = arith.constant dense<0.000000e+00> : vector<2000x128xf32>
    %dot_general3A_27 = tpu.matmul %get3A_22, %get3A_25, %dot_general3A_26 {dimension_numbers = #tpu.dot_dimension_numbers<[1], [1], [0], [0], [0, 0, 1, 0], [], []>, transpose_lhs_hint = false} : vector<2000x128xf32>, vector<128x128xf32>, vector<2000x128xf32> -> vector<2000x128xf32>
    %add3A_28 = arith.addf %dot_general3A_19, %dot_general3A_27 : vector<2000x128xf32>
    %get3A_29 = arith.constant 0 : index
    %get3A_30 = arith.constant 0 : index
    %get3A_31 = vector.load %arg6[%get3A_29, %get3A_30] : memref<1x128xf32, #tpu.memory_space<vmem>>, vector<1x128xf32>
    %add3A_32 = vector.broadcast %get3A_31 : vector<1x128xf32> to vector<2000x128xf32>
    %add3A_33 = arith.addf %add3A_28, %add3A_32 : vector<2000x128xf32>
    %max3A_34 = arith.constant 0.000000e+00 : f32
    %max3A_35 = vector.broadcast %max3A_34 : f32 to vector<2000x128xf32>
    %max3A_36 = arith.maximumf %add3A_33, %max3A_35 : vector<2000x128xf32>
    %swap3A = arith.constant 0 : index
    %swap3A_37 = arith.constant 0 : index
    %swap3A_38 = vector.load %arg7[%swap3A, %swap3A_37] : memref<2000x128xf32, #tpu.memory_space<vmem>>, vector<2000x128xf32>
    tpu.vector_store %arg7[%swap3A, %swap3A_37], %max3A_36 {strides = array<i32>} : memref<2000x128xf32, #tpu.memory_space<vmem>>, vector<2000x128xf32>,
    return
  }
  func.func @transform_0(%arg0: i32) -> (i32, i32, i32) {
    %c0_i32 = arith.constant 0 : i32
    %c0_i32_0 = arith.constant 0 : i32
    %c0_i32_1 = arith.constant 0 : i32
    return %c0_i32, %arg0, %c0_i32_0 : i32, i32, i32
  }
  func.func @transform_1(%arg0: i32) -> (i32, i32) {
    %c0_i32 = arith.constant 0 : i32
    %c0_i32_0 = arith.constant 0 : i32
    return %arg0, %c0_i32 : i32, i32
  }
  func.func @transform_2(%arg0: i32) -> (i32, i32) {
    %c0_i32 = arith.constant 0 : i32
    %c0_i32_0 = arith.constant 0 : i32
    return %arg0, %c0_i32 : i32, i32
  }
  func.func @transform_3(%arg0: i32) -> (i32, i32) {
    %c0_i32 = arith.constant 0 : i32
    %c0_i32_0 = arith.constant 0 : i32
    %c0_i32_1 = arith.constant 0 : i32
    return %c0_i32, %c0_i32_0 : i32, i32
  }
  func.func @transform_4(%arg0: i32) -> (i32, i32) {
    %c0_i32 = arith.constant 0 : i32
    %c0_i32_0 = arith.constant 0 : i32
    %c0_i32_1 = arith.constant 0 : i32
    return %c0_i32, %c0_i32_0 : i32, i32
  }
  func.func @transform_5(%arg0: i32) -> (i32, i32) {
    %c0_i32 = arith.constant 0 : i32
    %c0_i32_0 = arith.constant 0 : i32
    %c0_i32_1 = arith.constant 0 : i32
    return %c0_i32, %c0_i32_0 : i32, i32
  }
  func.func @transform_6(%arg0: i32) -> (i32, i32) {
    %c0_i32 = arith.constant 0 : i32
    %c0_i32_0 = arith.constant 0 : i32
    return %arg0, %c0_i32 : i32, i32
  }
}

module attributes {stable_mosaic.version = 14 : i64} {
  func.func @_sage_tc_body(%arg0: i32, %arg1: memref<2x2000x128xf32, #tpu.memory_space<vmem>>, %arg2: memref<2000x32xf32, #tpu.memory_space<vmem>>, %arg3: memref<2000x128xf32, #tpu.memory_space<vmem>>, %arg4: memref<128x128xf32, #tpu.memory_space<vmem>>, %arg5: memref<128x128xf32, #tpu.memory_space<vmem>>, %arg6: memref<1x128xf32, #tpu.memory_space<vmem>>, %arg7: memref<2000x128xf32, #tpu.memory_space<vmem>>) attributes {dimension_semantics = [#tpu.dimension_semantics<arbitrary>], iteration_bounds = array<i64: 5>, scalar_prefetch = 0 : i64, scratch_operands = 0 : i64, tpu.core_type = #tpu.core_type<tc>, window_params = [{transform_indices = @transform_0, window_bounds = array<i64: 2, 2000, 128>}, {transform_indices = @transform_1, window_bounds = array<i64: 2000, 32>}, {transform_indices = @transform_2, window_bounds = array<i64: 2000, 128>}, {pipeline_mode = #tpu.pipeline_mode<synchronous>, transform_indices = @transform_3, window_bounds = array<i64: 128, 128>}, {pipeline_mode = #tpu.pipeline_mode<synchronous>, transform_indices = @transform_4, window_bounds = array<i64: 128, 128>}, {pipeline_mode = #tpu.pipeline_mode<synchronous>, transform_indices = @transform_5, window_bounds = array<i64: 1, 128>}, {transform_indices = @transform_6, window_bounds = array<i64: 2000, 128>}]} {
    %get3A = arith.constant 0 : index
    %get3A_0 = arith.constant 0 : index
    %get3A_1 = arith.constant 0 : index
    %get3A_2 = vector.load %arg1[%get3A, %get3A_0, %get3A_1] : memref<2x2000x128xf32, #tpu.memory_space<vmem>>, vector<1x2000x128xf32>
    %get3A_3 = vector.shape_cast %get3A_2 : vector<1x2000x128xf32> to vector<2000x128xf32>
    %get3A_4 = arith.constant 1 : index
    %get3A_5 = arith.constant 0 : index
    %get3A_6 = arith.constant 0 : index
    %get3A_7 = vector.load %arg1[%get3A_4, %get3A_5, %get3A_6] : memref<2x2000x128xf32, #tpu.memory_space<vmem>>, vector<1x2000x128xf32>
    %get3A_8 = vector.shape_cast %get3A_7 : vector<1x2000x128xf32> to vector<2000x128xf32>
    %add3A = arith.addf %get3A_3, %get3A_8 : vector<2000x128xf32>
    %get3A_9 = arith.constant 0 : index
    %get3A_10 = arith.constant 0 : index
    %get3A_11 = vector.load %arg2[%get3A_9, %get3A_10] : memref<2000x32xf32, #tpu.memory_space<vmem>>, vector<2000x32xf32>
    %reduce_sum3A = arith.constant dense<0.000000e+00> : vector<2000xf32>
    %reduce_sum3A_12 = vector.multi_reduction <add>, %get3A_11, %reduce_sum3A [1] : vector<2000x32xf32> to vector<2000xf32>
    %broadcast_in_dim3A = vector.shape_cast %reduce_sum3A_12 : vector<2000xf32> to vector<2000x1xf32>
    %max3A = arith.constant 1.000000e+00 : f32
    %max3A_13 = vector.broadcast %max3A : f32 to vector<2000x1xf32>
    %max3A_14 = arith.maximumf %broadcast_in_dim3A, %max3A_13 : vector<2000x1xf32>
    %div3A = vector.broadcast %max3A_14 : vector<2000x1xf32> to vector<2000x128xf32>
    %div3A_15 = arith.divf %add3A, %div3A : vector<2000x128xf32>
    %get3A_16 = arith.constant 0 : index
    %get3A_17 = arith.constant 0 : index
    %get3A_18 = vector.load %arg4[%get3A_16, %get3A_17] : memref<128x128xf32, #tpu.memory_space<vmem>>, vector<128x128xf32>
    %dot_general3A = arith.constant dense<0.000000e+00> : vector<2000x128xf32>
    %dot_general3A_19 = tpu.matmul %div3A_15, %get3A_18, %dot_general3A {dimension_numbers = #tpu.dot_dimension_numbers<[1], [1], [0], [0], [0, 0, 1, 0], [], []>, transpose_lhs_hint = false} : vector<2000x128xf32>, vector<128x128xf32>, vector<2000x128xf32> -> vector<2000x128xf32>
    %get3A_20 = arith.constant 0 : index
    %get3A_21 = arith.constant 0 : index
    %get3A_22 = vector.load %arg3[%get3A_20, %get3A_21] : memref<2000x128xf32, #tpu.memory_space<vmem>>, vector<2000x128xf32>
    %get3A_23 = arith.constant 0 : index
    %get3A_24 = arith.constant 0 : index
    %get3A_25 = vector.load %arg5[%get3A_23, %get3A_24] : memref<128x128xf32, #tpu.memory_space<vmem>>, vector<128x128xf32>
    %dot_general3A_26 = arith.constant dense<0.000000e+00> : vector<2000x128xf32>
    %dot_general3A_27 = tpu.matmul %get3A_22, %get3A_25, %dot_general3A_26 {dimension_numbers = #tpu.dot_dimension_numbers<[1], [1], [0], [0], [0, 0, 1, 0], [], []>, transpose_lhs_hint = false} : vector<2000x128xf32>, vector<128x128xf32>, vector<2000x128xf32> -> vector<2000x128xf32>
    %add3A_28 = arith.addf %dot_general3A_19, %dot_general3A_27 : vector<2000x128xf32>
    %get3A_29 = arith.constant 0 : index
    %get3A_30 = arith.constant 0 : index
    %get3A_31 = vector.load %arg6[%get3A_29, %get3A_30] : memref<1x128xf32, #tpu.memory_space<vmem>>, vector<1x128xf32>
    %add3A_32 = vector.broadcast %get3A_31 : vector<1x128xf32> to vector<2000x128xf32>
    %add3A_33 = arith.addf %add3A_28, %add3A_32 : vector<2000x128xf32>
    %swap3A = arith.constant 0 : index
    %swap3A_34 = arith.constant 0 : index
    %swap3A_35 = vector.load %arg7[%swap3A, %swap3A_34] : memref<2000x128xf32, #tpu.memory_space<vmem>>, vector<2000x128xf32>
    tpu.vector_store %arg7[%swap3A, %swap3A_34], %add3A_33 {strides = array<i32>} : memref<2000x128xf32, #tpu.memory_space<vmem>>, vector<2000x128xf32>,
    return
  }
  func.func @transform_0(%arg0: i32) -> (i32, i32, i32) {
    %c0_i32 = arith.constant 0 : i32
    %c0_i32_0 = arith.constant 0 : i32
    %c0_i32_1 = arith.constant 0 : i32
    return %c0_i32, %arg0, %c0_i32_0 : i32, i32, i32
  }
  func.func @transform_1(%arg0: i32) -> (i32, i32) {
    %c0_i32 = arith.constant 0 : i32
    %c0_i32_0 = arith.constant 0 : i32
    return %arg0, %c0_i32 : i32, i32
  }
  func.func @transform_2(%arg0: i32) -> (i32, i32) {
    %c0_i32 = arith.constant 0 : i32
    %c0_i32_0 = arith.constant 0 : i32
    return %arg0, %c0_i32 : i32, i32
  }
  func.func @transform_3(%arg0: i32) -> (i32, i32) {
    %c0_i32 = arith.constant 0 : i32
    %c0_i32_0 = arith.constant 0 : i32
    %c0_i32_1 = arith.constant 0 : i32
    return %c0_i32, %c0_i32_0 : i32, i32
  }
  func.func @transform_4(%arg0: i32) -> (i32, i32) {
    %c0_i32 = arith.constant 0 : i32
    %c0_i32_0 = arith.constant 0 : i32
    %c0_i32_1 = arith.constant 0 : i32
    return %c0_i32, %c0_i32_0 : i32, i32
  }
  func.func @transform_5(%arg0: i32) -> (i32, i32) {
    %c0_i32 = arith.constant 0 : i32
    %c0_i32_0 = arith.constant 0 : i32
    %c0_i32_1 = arith.constant 0 : i32
    return %c0_i32, %c0_i32_0 : i32, i32
  }
  func.func @transform_6(%arg0: i32) -> (i32, i32) {
    %c0_i32 = arith.constant 0 : i32
    %c0_i32_0 = arith.constant 0 : i32
    return %arg0, %c0_i32 : i32, i32
  }
}

</mosaic_0001>

<sc_bundles>
// kernel: kernel.10.cloned.1.call-start
scs
__scs_entry_jumppad:
0x0: {  	(pc) =	sbr.rel $0x88, $3  }
0x1: {  	(tag) =	ssettag $0x0;
	lr =	simm.s32 $0x1  }
0x2: {  	[smem:$0x3F99] =	sst lr;
	_ =	strace $0xD0000000  }
0x3: {  	_ = 	snop  }
0x4: {  	_ = 	snop  }
0x5: {  	_ = 	snop  }
0x6: {  	_ = 	snop  }
0x7: {  	_ = 	snop  }
__scs_overlays_trampoline_lowered:
0x8: {  	[smem:$0x3FA8] =	sst s0  }
0x9: {  	[smem:$0x3FA9] =	sst s1  }
0xa: {  	[smem:$0x3FAA] =	sst s2  }
0xb: {  	[smem:$0x3FAB] =	sst s3  }
0xc: {  	[smem:$0x3FAC] =	sst s4  }
0xd: {  	[smem:$0x3FAD] =	sst s5  }
0xe: {  	[smem:$0x3FAE] =	sst s6  }
0xf: {  	[smem:$0x3FAF] =	sst s7  }
0x10: {  	[smem:$0x3FB0] =	sst s8  }
0x11: {  	[smem:$0x3FB1] =	sst s9;
	s0 =	simm.s32 @!p0 $0x0  }
0x12: {  	s1 =	sld [smem:$0x3F97];
	s0 =	simm.s32 @p0 $0x1  }
0x13: {  	[smem:$0x3FB2] =	sst s0;
	s0 =	simm.s32 @!p1 $0x0  }
0x14: {  	s2 =	sld [smem:$0x3F96];
	s0 =	simm.s32 @p1 $0x1  }
0x15: {  	[smem:$0x3FB3] =	sst s0;
	s0 =	simm.s32 @!p2 $0x0  }
0x16: {  	s3 =	sld [smem:$0x3FDB];
	s0 =	simm.s32 @p2 $0x1  }
0x17: {  	s4 =	simm.s32 $0x1BF5;
	[smem:$0x3FB5] =	sst s0  }
0x18: {  	s0 =	sld [smem:$0x3F98];
	_ =	swait.ge [sflag:s4], $0x0  }
0x19: {  	s7 =	sld [smem:$0x3F99]  }
0x1a: {  	s8 =	sadd.s32 $0xFFFFE003, lr  }
0x1b: {  	s9 =	sadd.s32 $0xFFFFFEF7, lr;
	s5 =	simm.s32 $0xFFFFFFFF;
	p2 =	slt.u32 s8, $0xFFFFF086  }
0x1c: {  	p1 =	slt.u32 s9, $0xF7A;
	s5 =	simm.s32 @!p2 $0x0  }
0x1d: {  	s5 =	simm.s32 @p1 $0x1;
	p0 =	seq.s32 s7, s2  }
0x1e: {  	s7 =	smul.u32 @!p0 $0xF7A, s2;
	p2 =	seq.s32 @!p0 s5, $0x0  }
0x1f: {  	s9 =	smul.u32 $0xF7A, s1;
	s8 =	simm.s32 @!p0 $0x1BF5;
	p2 =	por !p2, p0  }
0x20: {  	[sflag:s8] =	ssyncset.s32 @!p0 $0xFFFFF086;
	s6 =	sadd.s32 @!p0 s3, s7;
	s7 =	simm.s32 @!p0 $0x108  }
0x21: {  	s3 =	sadd.s32 s3, s9;
	s6 =	sadd.s32 @!p0 $0x88, s6;
	s7 =	simm.s32 @p2 $0x1082  }
0x22: {  	[simem:s7], [sflag:s8] =	dma.local @!p0 [hbm:s6], $0xF7A  }
0x23: {  	s9 =	sor.u32 $0xD0000000, s2;
	s6 =	simm.s32 $0x108;
	_ =	swait.ge @!p0 [sflag:s8], $0x0  }
0x24: {  	s3 =	sadd.s32 $0x88, s3;
	s6 =	simm.s32 @!p1 $0x1082;
	[sflag:s4] =	ssyncset.s32 $0xFFFFF086  }
0x25: {  	[simem:s6], [sflag:s4] =	dma.local [hbm:s3], $0xF7A  }
0x26: {  	[smem:$0x3F99] =	sst s1;
	(tag) =	ssettag s2;
	_ =	strace s9  }
0x27: {  	s1 =	sld [smem:$0x3FA9]  }
0x28: {  	s2 =	sld [smem:$0x3FAA]  }
0x29: {  	s4 =	sld [smem:$0x3FAC]  }
0x2a: {  	p0 =	seq.s32 s5, $0x0;
	s5 =	sld [smem:$0x3FAD]  }
0x2b: {  	s6 =	sld [smem:$0x3FAE]  }
0x2c: {  	s7 =	sld [smem:$0x3FAF]  }
0x2d: {  	s3 =	simm.s32 $0x108;
	s8 =	sld [smem:$0x3FB0]  }
0x2e: {  	s3 =	simm.s32 @!p0 $0x1082;
	s9 =	sld [smem:$0x3FB1]  }
0x2f: {  	lr =	sadd.s32 s0, s3;
	s0 =	sld [smem:$0x3FA8]  }
0x30: {  	s3 =	sld [smem:$0x3FAB]  }
0x31: {  	[smem:$0x3FB4] =	sst s10  }
0x32: {  	s10 =	sld [smem:$0x3FB2];
	_ =	sdelay $0x3  }
0x33: {  	p0 =	seq.s32 s10, $0x1;
	s10 =	sld [smem:$0x3FB4];
	_ =	sdelay $0x3  }
0x34: {  	[smem:$0x3FB4] =	sst s10  }
0x35: {  	s10 =	sld [smem:$0x3FB3];
	_ =	sdelay $0x3  }
0x36: {  	p1 =	seq.s32 s10, $0x1;
	s10 =	sld [smem:$0x3FB4];
	_ =	sdelay $0x3  }
0x37: {  	[smem:$0x3FB4] =	sst s10  }
0x38: {  	s10 =	sld [smem:$0x3FB5]  }
0x39: {  	_ = 	snop;
	(pc) =	sbr.ind lr, $3  }
0x3a: {  	_ = 	snop  }
0x3b: {  	_ = 	snop  }
0x3c: {  	p2 =	seq.s32 s10, $0x1;
	s10 =	sld [smem:$0x3FB4]  }
0x3d: {  	_ =	shalt  }
0x3e: {  	_ =	shalt  }
0x3f: {  	_ =	shalt  }
0x40: {  	_ =	shalt  }
0x41: {  	_ =	shalt  }
0x42: {  	_ =	shalt  }
0x43: {  	_ =	shalt  }
0x44: {  	_ =	shalt  }
0x45: {  	_ =	shalt  }
0x46: {  	_ =	shalt  }
0x47: {  	_ =	shalt  }
0x48: {  	_ =	shalt  }
0x49: {  	_ =	shalt  }
0x4a: {  	_ =	shalt  }
0x4b: {  	_ =	shalt  }
0x4c: {  	_ =	shalt  }
0x4d: {  	_ =	shalt  }
0x4e: {  	_ =	shalt  }
0x4f: {  	_ =	shalt  }
0x50: {  	_ =	shalt  }
0x51: {  	_ =	shalt  }
0x52: {  	_ =	shalt  }
0x53: {  	_ =	shalt  }
0x54: {  	_ =	shalt  }
0x55: {  	_ =	shalt  }
0x56: {  	_ =	shalt  }
0x57: {  	_ =	shalt  }
0x58: {  	_ =	shalt  }
0x59: {  	_ =	shalt  }
0x5a: {  	_ =	shalt  }
0x5b: {  	_ =	shalt  }
0x5c: {  	_ =	shalt  }
0x5d: {  	_ =	shalt  }
0x5e: {  	_ =	shalt  }
0x5f: {  	_ =	shalt  }
0x60: {  	_ =	shalt  }
0x61: {  	_ =	shalt  }
0x62: {  	_ =	shalt  }
0x63: {  	_ =	shalt  }
0x64: {  	_ =	shalt  }
0x65: {  	_ =	shalt  }
0x66: {  	_ =	shalt  }
0x67: {  	_ =	shalt  }
0x68: {  	_ =	shalt  }
0x69: {  	_ =	shalt  }
0x6a: {  	_ =	shalt  }
0x6b: {  	_ =	shalt  }
0x6c: {  	_ =	shalt  }
0x6d: {  	_ =	shalt  }
0x6e: {  	_ =	shalt  }
0x6f: {  	_ =	shalt  }
0x70: {  	_ =	shalt  }
0x71: {  	_ =	shalt  }
0x72: {  	_ =	shalt  }
0x73: {  	_ =	shalt  }
0x74: {  	_ =	shalt  }
0x75: {  	_ =	shalt  }
0x76: {  	_ =	shalt  }
0x77: {  	_ =	shalt  }
0x78: {  	_ =	shalt  }
0x79: {  	_ =	shalt  }
0x7a: {  	_ =	shalt  }
0x7b: {  	_ =	shalt  }
0x7c: {  	_ =	shalt  }
0x7d: {  	_ =	shalt  }
0x7e: {  	_ =	shalt  }
0x7f: {  	_ =	shalt  }
0x80: {  	_ =	shalt  }
0x81: {  	_ =	shalt  }
0x82: {  	_ =	shalt  }
0x83: {  	_ =	shalt  }
0x84: {  	_ =	shalt  }
0x85: {  	_ =	shalt  }
0x86: {  	_ =	shalt  }
0x87: {  	_ =	shalt  }
.Lfunc_end0:
.L_simem_size_0:
called_computation.1_lowered:
.L_overlay_start_0:
0x88: {  	s2 =	sld [smem:$0x3FD9]  }
0x89: {  	s3 =	sld [smem:$0x3FFE];
	_ =	sdelay $0x1  }
0x8a: {  	s1 =	srdreg.scid  }
0x8b: {  	s0 =	sand.u32 $0x1, s1  }
0x8c: {  	s17 =	sshll.u32 s0, $0xA;
	s2 =	sadd.s32 s3, s2  }
0x8d: {  	s2 =	sadd.s32 s2, s17  }
0x8e: {  	[smem:$0x3FC0] =	sst s2  }
0x8f: {  	_ = 	snop  }
0x90: {  	s18 =	sld [smem:$0x3FC9];
	(tm) =	ssettm $0x1  }
0x91: {  	s19 =	sld [smem:$0x3FFB];
	_ =	sdelay $0x3  }
0x92: {  	_ =	strace s19  }
0x93: {  	s2 =	sld [smem:$0x3FFC];
	_ =	sdelay $0x3  }
0x94: {  	_ =	strace s2  }
0x95: {  	s2 =	sld [smem:$0x3FFD];
	_ =	sdelay $0x3  }
0x96: {  	_ =	strace s2  }
0x97: {  	_ =	strace $0x8FFFFFFF  }
0x98: {  	s20 =	sld [smem:$0x3FDB];
	_ =	sdelay $0x1  }
0x99: {  	s4 =	simm.s32 $_scs_section_size  }
0x9a: {  	s5 =	simm.s32 $_size__tile_overlayer_lowered;
	s6 =	simm.s32 $_tile_overlayer_lowered  }
0x9b: {  	s7 =	simm.s32 $0x1BFF;
	s21 =	sshll.u32 s6, $0x1;
	s4 =	sadd.s32 s4, s20  }
0x9c: {  	s22 =	simm.s32 $0x0;
	s5 =	sshll.u32 s5, $0x1;
	s6 =	sadd.s32 s21, s4  }
0x9d: {  	[timem:s22], [sflag:s7] =	dma.local [hbm:s6], s5  }
0x9e: {  	_ =	swait.ge [sflag:s7], s5  }
0x9f: {  	s5 =	ssub.s32 $0x0, s5;
	[sflag:s7] =	ssyncset.done $0x0  }
0xa0: {  	[sflag:s7] =	ssyncadd.s32 s5;
	_ =	sdelay $0x1  }
0xa1: {  	s23 =	simm.s32 $0x1B8B  }
0xa2: {  	_ =	swait.ge [sflag:s23], $0x1  }
0xa3: {  	[sflag:s23] =	ssyncset.done $0x0  }
0xa4: {  	[sflag:s23] =	ssyncadd.s32 $0xFFFFFFFF  }
0xa5: {  	s5 =	sld [smem:$0x0]  }
0xa6: {  	s6 =	sand.u32 $0xFFFFFFFE, s1  }
0xa7: {  	p0 =	sne.s32 s1, s6  }
0xa8: {  	s6 =	sshll.u32 @p0 s6, $0xE  }
0xa9: {  	s6 =	sadd.s32 @p0 $0x11B8D, s6;
	s7 =	sshll.u32 @p0 s5, $0x11  }
0xaa: {  	s6 =	sor.u32 @p0 s7, s6  }
0xab: {  	[sflag:s6] =	ssyncadd.remote.s32 @p0 $0x1;
	_ =	sdelay $0x1  }
0xac: {  	s6 =	simm.s32 @p0 $0x1B8D  }
0xad: {  	_ =	swait.eq @p0 [sflag:s6], $0x1  }
0xae: {  	[sflag:s6] =	ssyncadd.s32 @p0 $0xFFFFFFFF  }
0xaf: {  	s7 =	sshll.u32 @!p0 s1, $0xE  }
0xb0: {  	s7 =	sor.u32 @!p0 $0x4000, s7;
	s6 =	simm.s32 @!p0 $0x1B8D  }
0xb1: {  	s5 =	sshll.u32 @!p0 s5, $0x11;
	s7 =	sadd.s32 @!p0 $0x11B8D, s7;
	_ =	swait.eq @!p0 [sflag:s6], $0x1  }
0xb2: {  	s5 =	sor.u32 @!p0 s5, s7;
	[sflag:s6] =	ssyncadd.s32 @!p0 $0xFFFFFFFF  }
0xb3: {  	s25 =	simm.s32 $0x1B8E;
	s24 =	sld [smem:$0x3FFE];
	[sflag:s5] =	ssyncadd.remote.s32 @!p0 $0x1  }
0xb4: {  	s26 =	simm.s32 $execute0_lowered;
	[smem:$0x3FD2] =	sst s25  }
0xb5: {  	s6 =	sshll.u32 s26, $0x1;
	_ =	strace $0x80000049;
	[dreg:$0x1] =	wrdreg $0xFFFFFFFF  }
0xb6: {  	s28 =	simm.s32 $_size_execute0_lowered;
	s4 =	sadd.s32 s4, s6;
	[dreg:$0x0] =	wrdreg $0x0  }
0xb7: {  	s6 =	sshll.u32 s28, $0x1;
	[dreg:$0x2] =	wrdreg s4  }
0xb8: {  	[dreg:$0x3] =	wrdreg s6  }
0xb9: {  	[dreg:$0x4] =	wrdreg $0xC0  }
0xba: {  	_ =	task [dreg:s22], $0x5FFFF  }
0xbb: {  	[dreg:$0x1] =	wrdreg $0xFFFFFFFF  }
0xbc: {  	[dreg:$0x0] =	wrdreg $0x60  }
0xbd: {  	[dreg:$0x2] =	wrdreg s18  }
0xbe: {  	[dreg:$0x3] =	wrdreg s24  }
0xbf: {  	[dreg:$0x4] =	wrdreg $0xB1800  }
0xc0: {  	[dreg:$0x5] =	wrdreg $0xA  }
0xc1: {  	_ =	task.clear_ibuf [dreg:s22], $0x6FFFF;
	_ =	strace $0x90000049  }
0xc2: {  	s29 =	simm.s32 $0xA;
	_ =	strace $0x8000004B  }
0xc3: {  	_ =	swait.ge [sflag:s29], $0x1  }
0xc4: {  	[sflag:s29] =	ssyncadd.s32 $0xFFFFFFFF  }
0xc5: {  	_ =	strace $0x9000004B  }
0xc6: {  	_ =	sfence  }
0xc7: {  	s30 =	sld [smem:$0x0];
	_ =	sdelay $0x2  }
0xc8: {  	s31 =	sshll.u32 s1, $0xD;
	s1 =	sshrl.u32 s1, $0x2  }
0xc9: {  	s4 =	sand.u32 $0x4000, s31;
	s1 =	sadd.s32 s1, s30  }
0xca: {  	s0 =	sor.u32 s4, s0;
	s1 =	sshll.u32 s1, $0x11  }
0xcb: {  	s0 =	sor.u32 s1, s0  }
0xcc: {  	s0 =	sadd.s32 $0x8F2B, s0  }
0xcd: {  	[sflag:s0] =	ssyncadd.remote.s32 $0x1  }
0xce: {  	_ =	sfence.sel $0xFFFF  }
0xcf: {  	[dreg:$0x0] =	wrdreg $0xFFFFFFFF;
	(pc) =	sbr.abs _section_cstart, $3  }
0xd0: {  	[dreg:$0x1] =	wrdreg $0xFFFFFFFF  }
0xd1: {  	_ =	task.clear_ibuf [dreg:s22], $0x2FFFF;
	_ =	strace $0x9FFFFFFF  }
0xd2: {  	(tm) =	ssettm $0x7FFFFFFF  }
0xd3: {  	_ =	shalt  }
tec
execute0_lowered:
.L_overlay_start_1:
0x0: {  	(tag) =	ssettag $0x1  }
0x1: {  	s0 =	srdreg.scid;
	s1 =	rddreg [dreg:$0x0]  }
0x2: {  	s11 =	stileid.u32;
	s5 =	rddreg [dreg:$0x1]  }
0x3: {  	s3 =	rddreg [dreg:$0x2];
	s4 =	simm.s32 $0x0;
	s12 =	simm.s32 $0x5  }
0x4: {  	s14 =	simm.s32 $0x10;
	s15 =	simm.s32 $0x2700;
	s16 =	simm.s32 $0x1  }
0x5: {  	s17 =	simm.s32 $0x5100;
	s18 =	simm.s32 $0x40;
	s19 =	simm.s32 $0x7180  }
0x6: {  	s20 =	simm.s32 $0x4F00;
	s21 =	simm.s32 $0x80;
	s22 =	simm.s32 $0x9180  }
0x7: {  	s23 =	simm.s32 $0x2;
	s24 =	simm.s32 $0x4;
	s25 =	simm.s32 $0x4F80  }
0x8: {  	s26 =	simm.s32 $0x3;
	s28 =	simm.s32 $0x5000;
	s29 =	simm.s32 $0x0  }
0x9: {  	s0 =	sand.u32 $0x1, s0;
	[smem:$0x7FF] =	sst s4;
	s7 =	smul.u32 $0x1F400, s11  }
0xa: {  	s8 =	sadd.s32 $0x16000, s5;
	s9 =	smul.u32 $0x7D000, s11;
	p0 =	sgt.u32 s11, $0x9  }
0xb: {  	s2 =	sshll.u32 s0, $0x4;
	s6 =	smul.u32 $0x138800, s0;
	_ =	strace $0x8000004A  }
0xc: {  	[dreg:$0x4] =	wrdreg s8;
	s0 =	ssub.s32 $0x2, s0;
	s2 =	sor.u32 s11, s2  }
.Ltmp0:
0xd: {  	s30 =	sshrl.u32 s0, $0x1;
	s31 =	sshrl.u32 s9, $0x2;
	(pc) =	sbr.rel .LBB2_1-.Ltmp0, $4  }
0xe: {  	s11 =	simm.s32 $0x5180;
	s2 =	smul.u32 $0x4E2, s2;
	s6 =	sadd.s32 s7, s6  }
0xf: {  	s0 =	ssub.s32 s0, s30;
	s9 =	sadd.s32 s31, s3;
	s6 =	sshrl.u32 s6, $0x3  }
0x10: {  	s8 =	smax.u32 s0, $0x1;
	s2 =	sadd.s32 s2, s5;
	s5 =	sadd.s32 s6, s5  }
0x11: {  	s6 =	sadd.s32 $0xBC00, s2;
	s7 =	sadd.s32 $0x1E00, s2;
	s10 =	sadd.s32 $0x16400, s5  }
.LBB2_10:
0x12: {  	[sflag:s12] =	ssyncadd.s32 $0xFFFFEC00  }
.LBB2_11:
0x13: {  	s29 =	sadd.s32 $0x1, s29  }
0x14: {  	p1 =	sne.s32 s29, s8  }
.Ltmp1:
0x15: {  	_ = 	snop;
	(pc) =	sbr.rel @!p1 .LBB2_12-.Ltmp1, $1  }
0x16: {  	_ =	sdelay $0x3  }
.LBB2_1:
.Ltmp2:
0x17: {  	(pc) =	sbr.rel @p0 .LBB2_5-.Ltmp2, $1  }
0x18: {  	_ =	sdelay $0x3  }
0x19: {  	s0 =	simm.s32 $0x0;
	s2 =	rddreg [dreg:$0x4]  }
0x1a: {  	[tilespmem:s11], [sflag:$0x5] =	stream.linear.gather [hbm4b:s2+s0], $0x1400, $0x38;
	[tilespmem:$0x1EA00] =	vst v63  }
0x1b: {  	_ =	swait.ge [sflag:s12], $0x1400  }
0x1c: {  	[sflag:s12] =	ssyncset.done $0x0  }
0x1d: {  	s31 =	sadd.s32 $0x0, s9;
	[sflag:s12] =	ssyncadd.s32 $0xFFFFEC00  }
0x1e: {  	[spmem:s31] =	stream.linear.scatter [tilespmem:s11], [sflag:$0x5], $0x1400, $0x38;
	[tilespmem:$0x1EA00] =	vst v63  }
0x1f: {  	s0 =	simm.s32 $0x5000;
	_ =	swait.ge [sflag:s12], $0x1400  }
.LBB2_3:
0x20: {  	s2 =	sshra.s32 s0, $0x2;
	[sflag:s12] =	ssyncset.done $0x0;
	p1 =	sne.s32 s0, $0x78000  }
.Ltmp3:
0x21: {  	s2 =	sadd.s32 s2, s9;
	[sflag:s12] =	ssyncadd.s32 $0xFFFFEC00;
	(pc) =	sbr.rel @p1 .LBB2_3-.Ltmp3, $3  }
0x22: {  	[spmem:s2] =	stream.linear.scatter [tilespmem:s11], [sflag:$0x5], $0x1400, $0x38;
	[tilespmem:$0x1EA00] =	vst v63  }
0x23: {  	s0 =	sadd.s32 $0x5000, s0;
	_ =	sdelay $0x1  }
0x24: {  	_ =	swait.ge [sflag:s12], $0x1400  }
0x25: {  	[sflag:s12] =	ssyncset.done $0x0  }
0x26: {  	[sflag:s12] =	ssyncadd.s32 $0xFFFFEC00  }
.LBB2_5:
0x27: {  	s0 =	simm.s32 $0x0  }
0x28: {  	[tilespmem:s0], [sflag:$0x5] =	stream.linear.gather [hbm4b:s6+s0], $0x2710, $0x38;
	[tilespmem:$0x1EA00] =	vst v63  }
0x29: {  	_ =	swait.ge [sflag:s12], $0x2710  }
0x2a: {  	[sflag:s12] =	ssyncset.done $0x0  }
0x2b: {  	s2 =	simm.s32 $0x2780;
	[sflag:s12] =	ssyncadd.s32 $0xFFFFD8F0  }
0x2c: {  	[tilespmem:s2], [sflag:$0x5] =	stream.linear.gather [hbm4b:s7+s0], $0x2710, $0x38;
	[tilespmem:$0x1EA00] =	vst v63  }
0x2d: {  	_ =	swait.ge [sflag:s12], $0x2710  }
0x2e: {  	[sflag:s12] =	ssyncset.done $0x0  }
0x2f: {  	[sflag:s12] =	ssyncadd.s32 $0xFFFFD8F0  }
0x30: {  	[bflag:$0x0] =	sbarrier.arrive $0xFFFF  }
0x31: {  	[tilespmem:s11], [sflag:$0x1] =	stream.indirect.gather [hbm4b:s1+s14], $0x80, s15, s14, $0xb8;
	[tilespmem:$0x1EA00] =	vst v63  }
0x32: {  	_ =	swait.ge [sflag:s16], $0x800  }
0x33: {  	[sflag:s16] =	ssyncset.done $0x0  }
0x34: {  	[sflag:s16] =	ssyncadd.s32 $0xFFFFF800  }
0x35: {  	v0 =	vld [tilespmem:$0x4E80];
	_ =	sdelay $0x4  }
0x36: {  	[tilespmem:$0x5100] =	vst v0  }
0x37: {  	[spmem:s3] =	stream.indirect.scatter.add.f32 [tilespmem:s11], [sflag:$0x5], $0x80, s17, s14, $0xb8;
	[tilespmem:$0x1EA00] =	vst v63  }
0x38: {  	_ =	swait.ge [sflag:s12], $0x800  }
0x39: {  	[sflag:s12] =	ssyncset.done $0x0  }
0x3a: {  	[sflag:s12] =	ssyncadd.s32 $0xFFFFF800  }
0x3b: {  	[tilespmem:s11], [sflag:$0x1] =	stream.indirect.gather [hbm4b:s1+s18], $0x80, s0, s18, $0xb8;
	[tilespmem:$0x1EA00] =	vst v63  }
0x3c: {  	_ = 	snop  }
0x3d: {  	[tilespmem:s19], [sflag:$0x2] =	stream.indirect.gather [hbm4b:s1+s18], $0x80, s18, s18, $0xb8;
	[tilespmem:$0x1EA00] =	vst v63  }
0x3e: {  	_ =	swait.ge [sflag:s16], $0x2000  }
0x3f: {  	[sflag:s16] =	ssyncset.done $0x0  }
0x40: {  	[sflag:s16] =	ssyncadd.s32 $0xFFFFE000  }
0x41: {  	v60 =	vld [tilespmem:$0x2780]  }
0x42: {  	v1 =	vld [tilespmem:$0x2790]  }
0x43: {  	v2 =	vld [tilespmem:$0x27A0]  }
0x44: {  	v3 =	vld [tilespmem:$0x27B0];
	_ =	sdelay $0x1  }
0x45: {  	[tilespmem:$0x4F00] =	vst v60  }
0x46: {  	[tilespmem:$0x4F10] =	vst v1  }
0x47: {  	[tilespmem:$0x4F20] =	vst v2  }
0x48: {  	[tilespmem:$0x4F30] =	vst v3  }
0x49: {  	[spmem:s3] =	stream.indirect.scatter.add.f32 [tilespmem:s11], [sflag:$0x4], $0x80, s20, s18, $0xb8;
	[tilespmem:$0x1EA00] =	vst v63  }
0x4a: {  	_ = 	snop  }
0x4b: {  	[tilespmem:s22], [sflag:$0x3] =	stream.indirect.gather [hbm4b:s1+s18], $0x80, s21, s18, $0xb8;
	[tilespmem:$0x1EA00] =	vst v63  }
0x4c: {  	_ =	swait.ge [sflag:s23], $0x2000  }
0x4d: {  	[sflag:s23] =	ssyncset.done $0x0  }
0x4e: {  	[sflag:s23] =	ssyncadd.s32 $0xFFFFE000  }
0x4f: {  	_ =	swait.ge [sflag:s24], $0x2000  }
0x50: {  	[sflag:s24] =	ssyncset.done $0x0  }
0x51: {  	s2 =	simm.s32 $0x2810;
	[sflag:s24] =	ssyncadd.s32 $0xFFFFE000  }
0x52: {  	v61 =	vld [tilespmem:s2+$0xFFFFFFB0];
	_ =	sdelay $0x4  }
0x53: {  	[tilespmem:$0x4F80] =	vst v61  }
0x54: {  	v0 =	vld [tilespmem:s2+$0xFFFFFFC0];
	_ =	sdelay $0x4  }
0x55: {  	[tilespmem:$0x4F90] =	vst v0  }
0x56: {  	v0 =	vld [tilespmem:s2+$0xFFFFFFD0];
	_ =	sdelay $0x4  }
0x57: {  	[tilespmem:$0x4FA0] =	vst v0  }
0x58: {  	v0 =	vld [tilespmem:s2+$0xFFFFFFE0];
	_ =	sdelay $0x4  }
0x59: {  	[tilespmem:$0x4FB0] =	vst v0  }
0x5a: {  	[spmem:s3] =	stream.indirect.scatter.add.f32 [tilespmem:s19], [sflag:$0x4], $0x80, s25, s18, $0xb8;
	[tilespmem:$0x1EA00] =	vst v63  }
0x5b: {  	s5 =	simm.s32 $0xC0  }
0x5c: {  	[tilespmem:s11], [sflag:$0x1] =	stream.indirect.gather [hbm4b:s1+s18], $0x80, s5, s18, $0xb8;
	[tilespmem:$0x1EA00] =	vst v63  }
0x5d: {  	_ =	swait.ge [sflag:s26], $0x2000  }
0x5e: {  	[sflag:s26] =	ssyncset.done $0x0  }
0x5f: {  	[sflag:s26] =	ssyncadd.s32 $0xFFFFE000  }
0x60: {  	_ =	swait.ge [sflag:s24], $0x2000  }
0x61: {  	[sflag:s24] =	ssyncset.done $0x0  }
0x62: {  	s0 =	sand.u32 $0x3FC0, s0;
	[sflag:s24] =	ssyncadd.s32 $0xFFFFE000  }
0x63: {  	v62 =	vld [tilespmem:s0+$0x2800];
	_ =	sdelay $0x4  }
0x64: {  	[tilespmem:$0x5000] =	vst v62  }
0x65: {  	v0 =	vld [tilespmem:s2+$0x0];
	_ =	sdelay $0x4  }
0x66: {  	[tilespmem:$0x5010] =	vst v0  }
0x67: {  	v0 =	vld [tilespmem:s2+$0x10];
	_ =	sdelay $0x4  }
0x68: {  	[tilespmem:$0x5020] =	vst v0  }
0x69: {  	v0 =	vld [tilespmem:s2+$0x20];
	_ =	sdelay $0x4  }
0x6a: {  	[tilespmem:$0x5030] =	vst v0  }
0x6b: {  	[spmem:s3] =	stream.indirect.scatter.add.f32 [tilespmem:s22], [sflag:$0x4], $0x80, s28, s18, $0xb8;
	[tilespmem:$0x1EA00] =	vst v63  }
0x6c: {  	s13 =	simm.s32 $0x100  }
0x6d: {  	[tilespmem:s19], [sflag:$0x2] =	stream.indirect.gather [hbm4b:s1+s18], $0x80, s13, s18, $0xb8;
	[tilespmem:$0x1EA00] =	vst v63  }
0x6e: {  	_ =	swait.ge [sflag:s16], $0x2000  }
0x6f: {  	[sflag:s16] =	ssyncset.done $0x0  }
0x70: {  	[sflag:s16] =	ssyncadd.s32 $0xFFFFE000  }
0x71: {  	_ =	swait.ge [sflag:s24], $0x2000  }
0x72: {  	[sflag:s24] =	ssyncset.done $0x0  }
0x73: {  	[sflag:s24] =	ssyncadd.s32 $0xFFFFE000  }
0x74: {  	v63 =	vld [tilespmem:s2+$0x30];
	_ =	sdelay $0x4  }
0x75: {  	[tilespmem:$0x4F00] =	vst v63  }
0x76: {  	v0 =	vld [tilespmem:s2+$0x40];
	_ =	sdelay $0x4  }
0x77: {  	[tilespmem:$0x4F10] =	vst v0  }
0x78: {  	v0 =	vld [tilespmem:s2+$0x50];
	_ =	sdelay $0x4  }
0x79: {  	[tilespmem:$0x4F20] =	vst v0  }
0x7a: {  	v0 =	vld [tilespmem:s2+$0x60];
	_ =	sdelay $0x3  }
0x7b: {  	s30 =	simm.s32 $0x140  }
0x7c: {  	s31 =	simm.s32 $0xC0;
	s0 =	simm.s32 $0x28D0;
	s2 =	simm.s32 $0x200;
	[tilespmem:$0x4F30] =	vst v0  }
0x7d: {  	[spmem:s3] =	stream.indirect.scatter.add.f32 [tilespmem:s11], [sflag:$0x4], $0x80, s20, s18, $0xb8;
	[tilespmem:$0x1EA00] =	vst v63  }
.LBB2_6:
0x7e: {  	[tilespmem:s22], [sflag:$0x3] =	stream.indirect.gather [hbm4b:s1+s18], $0x80, s30, s18, $0xb8;
	[tilespmem:$0x1EA00] =	vst v63  }
0x7f: {  	s5 =	smov.u32 s31;
	s30 =	smov.u32 s2  }
0x80: {  	p1 =	sne.s32 s31, $0x2580;
	s31 =	sadd.s32 $0xC0, s31;
	_ =	swait.ge [sflag:s23], $0x2000  }
0x81: {  	[sflag:s23] =	ssyncset.done $0x0  }
0x82: {  	[sflag:s23] =	ssyncadd.s32 $0xFFFFE000  }
0x83: {  	_ =	swait.ge [sflag:s24], $0x2000  }
0x84: {  	[sflag:s24] =	ssyncset.done $0x0  }
0x85: {  	[sflag:s24] =	ssyncadd.s32 $0xFFFFE000  }
0x86: {  	v0 =	vld [tilespmem:s0+$0xFFFFFFB0];
	_ =	sdelay $0x4  }
0x87: {  	[tilespmem:$0x4F80] =	vst v0  }
0x88: {  	v0 =	vld [tilespmem:s0+$0xFFFFFFC0];
	_ =	sdelay $0x4  }
0x89: {  	[tilespmem:$0x4F90] =	vst v0  }
0x8a: {  	v0 =	vld [tilespmem:s0+$0xFFFFFFD0];
	_ =	sdelay $0x4  }
0x8b: {  	[tilespmem:$0x4FA0] =	vst v0  }
0x8c: {  	v0 =	vld [tilespmem:s0+$0xFFFFFFE0];
	_ =	sdelay $0x4  }
0x8d: {  	[tilespmem:$0x4FB0] =	vst v0  }
0x8e: {  	[spmem:s3] =	stream.indirect.scatter.add.f32 [tilespmem:s19], [sflag:$0x4], $0x80, s25, s18, $0xb8;
	[tilespmem:$0x1EA00] =	vst v63  }
0x8f: {  	s13 =	sadd.s32 $0xFFFFFF80, s2  }
0x90: {  	[tilespmem:s11], [sflag:$0x1] =	stream.indirect.gather [hbm4b:s1+s18], $0x80, s13, s18, $0xb8;
	[tilespmem:$0x1EA00] =	vst v63  }
0x91: {  	_ =	swait.ge [sflag:s26], $0x2000  }
0x92: {  	[sflag:s26] =	ssyncset.done $0x0  }
0x93: {  	[sflag:s26] =	ssyncadd.s32 $0xFFFFE000  }
0x94: {  	_ =	swait.ge [sflag:s24], $0x2000  }
0x95: {  	[sflag:s24] =	ssyncset.done $0x0  }
0x96: {  	s5 =	sand.u32 $0x3FC0, s5;
	[sflag:s24] =	ssyncadd.s32 $0xFFFFE000  }
0x97: {  	v0 =	vld [tilespmem:s5+$0x2800];
	_ =	sdelay $0x4  }
0x98: {  	[tilespmem:$0x5000] =	vst v0  }
0x99: {  	v0 =	vld [tilespmem:s0+$0x0];
	_ =	sdelay $0x4  }
0x9a: {  	[tilespmem:$0x5010] =	vst v0  }
0x9b: {  	v0 =	vld [tilespmem:s0+$0x10];
	_ =	sdelay $0x4  }
0x9c: {  	[tilespmem:$0x5020] =	vst v0  }
0x9d: {  	v0 =	vld [tilespmem:s0+$0x20];
	_ =	sdelay $0x4  }
0x9e: {  	[tilespmem:$0x5030] =	vst v0  }
0x9f: {  	[spmem:s3] =	stream.indirect.scatter.add.f32 [tilespmem:s22], [sflag:$0x4], $0x80, s28, s18, $0xb8;
	[tilespmem:$0x1EA00] =	vst v63  }
0xa0: {  	s5 =	sadd.s32 $0xFFFFFFC0, s2  }
0xa1: {  	[tilespmem:s19], [sflag:$0x2] =	stream.indirect.gather [hbm4b:s1+s18], $0x80, s5, s18, $0xb8;
	[tilespmem:$0x1EA00] =	vst v63  }
0xa2: {  	_ =	swait.ge [sflag:s16], $0x2000  }
0xa3: {  	[sflag:s16] =	ssyncset.done $0x0  }
0xa4: {  	[sflag:s16] =	ssyncadd.s32 $0xFFFFE000  }
0xa5: {  	_ =	swait.ge [sflag:s24], $0x2000  }
0xa6: {  	[sflag:s24] =	ssyncset.done $0x0  }
0xa7: {  	[sflag:s24] =	ssyncadd.s32 $0xFFFFE000  }
0xa8: {  	v0 =	vld [tilespmem:s0+$0x30];
	_ =	sdelay $0x4  }
0xa9: {  	[tilespmem:$0x4F00] =	vst v0  }
0xaa: {  	v0 =	vld [tilespmem:s0+$0x40];
	_ =	sdelay $0x4  }
0xab: {  	[tilespmem:$0x4F10] =	vst v0  }
0xac: {  	v0 =	vld [tilespmem:s0+$0x50];
	_ =	sdelay $0x4  }
0xad: {  	[tilespmem:$0x4F20] =	vst v0  }
0xae: {  	v0 =	vld [tilespmem:s0+$0x60];
	_ =	sdelay $0x2  }
.Ltmp4:
0xaf: {  	(pc) =	sbr.rel @p1 .LBB2_6-.Ltmp4, $4  }
0xb0: {  	_ = 	snop  }
0xb1: {  	[tilespmem:$0x4F30] =	vst v0  }
0xb2: {  	[spmem:s3] =	stream.indirect.scatter.add.f32 [tilespmem:s11], [sflag:$0x4], $0x80, s20, s18, $0xb8;
	[tilespmem:$0x1EA00] =	vst v63  }
0xb3: {  	s2 =	sadd.s32 $0xC0, s2;
	s0 =	sadd.s32 $0xC0, s0  }
0xb4: {  	[tilespmem:s22], [sflag:$0x3] =	stream.indirect.gather [hbm4b:s1+s18], $0x80, s30, s18, $0xb8;
	[tilespmem:$0x1EA00] =	vst v63  }
0xb5: {  	_ =	swait.ge [sflag:s23], $0x2000  }
0xb6: {  	[sflag:s23] =	ssyncset.done $0x0  }
0xb7: {  	[sflag:s23] =	ssyncadd.s32 $0xFFFFE000  }
0xb8: {  	_ =	swait.ge [sflag:s24], $0x2000  }
0xb9: {  	[sflag:s24] =	ssyncset.done $0x0  }
0xba: {  	[sflag:s24] =	ssyncadd.s32 $0xFFFFE000  }
0xbb: {  	v0 =	vld [tilespmem:$0x4E00]  }
0xbc: {  	v1 =	vld [tilespmem:$0x4E10]  }
0xbd: {  	v2 =	vld [tilespmem:$0x4E20]  }
0xbe: {  	v3 =	vld [tilespmem:$0x4E30];
	_ =	sdelay $0x1  }
0xbf: {  	[tilespmem:$0x4F80] =	vst v0  }
0xc0: {  	[tilespmem:$0x4F90] =	vst v1  }
0xc1: {  	[tilespmem:$0x4FA0] =	vst v2  }
0xc2: {  	[tilespmem:$0x4FB0] =	vst v3  }
0xc3: {  	[spmem:s3] =	stream.indirect.scatter.add.f32 [tilespmem:s19], [sflag:$0x4], $0x80, s25, s18, $0xb8;
	[tilespmem:$0x1EA00] =	vst v63  }
0xc4: {  	_ =	swait.ge [sflag:s26], $0x2000  }
0xc5: {  	[sflag:s26] =	ssyncset.done $0x0  }
0xc6: {  	[sflag:s26] =	ssyncadd.s32 $0xFFFFE000  }
0xc7: {  	_ =	swait.ge [sflag:s24], $0x2000  }
0xc8: {  	[sflag:s24] =	ssyncset.done $0x0  }
0xc9: {  	[sflag:s24] =	ssyncadd.s32 $0xFFFFE000  }
0xca: {  	v60 =	vld [tilespmem:$0x4E40]  }
0xcb: {  	v61 =	vld [tilespmem:$0x4E50]  }
0xcc: {  	v62 =	vld [tilespmem:$0x4E60]  }
0xcd: {  	v63 =	vld [tilespmem:$0x4E70];
	_ =	sdelay $0x1  }
0xce: {  	[tilespmem:$0x5000] =	vst v60  }
0xcf: {  	[tilespmem:$0x5010] =	vst v61  }
0xd0: {  	[tilespmem:$0x5020] =	vst v62  }
0xd1: {  	[tilespmem:$0x5030] =	vst v63  }
0xd2: {  	[spmem:s3] =	stream.indirect.scatter.add.f32 [tilespmem:s22], [sflag:$0x4], $0x80, s28, s18, $0xb8;
	[tilespmem:$0x1EA00] =	vst v63  }
.Ltmp5:
0xd3: {  	_ =	swait.ge [sflag:s24], $0x2000;
	(pc) =	sbr.rel @p0 .LBB2_11-.Ltmp5, $3  }
0xd4: {  	[sflag:s24] =	ssyncset.done $0x0  }
0xd5: {  	[sflag:s24] =	ssyncadd.s32 $0xFFFFE000  }
0xd6: {  	[bflag:$0x0] =	sbarrier.arrive $0xFFFF;
	_ =	sdelay $0x1  }
0xd7: {  	[tilespmem:s11], [sflag:$0x5] =	stream.linear.gather [spmem:s9], $0x1400, $0x38;
	[tilespmem:$0x1EA00] =	vst v63  }
0xd8: {  	_ =	swait.ge [sflag:s12], $0x1400  }
0xd9: {  	[sflag:s12] =	ssyncset.done $0x0  }
0xda: {  	s0 =	sadd.s32 $0x0, s10;
	[sflag:s12] =	ssyncadd.s32 $0xFFFFEC00  }
0xdb: {  	[hbm4b:s0+s4] =	stream.linear.scatter [tilespmem:s11], [sflag:$0x5], $0x1400, $0x38;
	[tilespmem:$0x1EA00] =	vst v63  }
0xdc: {  	_ =	swait.ge [sflag:s12], $0x1400  }
0xdd: {  	s2 =	smov.u32 s9;
	s0 =	simm.s32 $0x280;
	[sflag:s12] =	ssyncset.done $0x0  }
.LBB2_9:
0xde: {  	p1 =	sne.s32 s0, $0x3C00;
	[sflag:s12] =	ssyncadd.s32 $0xFFFFEC00;
	s2 =	sadd.s32 $0x1400, s2  }
0xdf: {  	[tilespmem:s11], [sflag:$0x5] =	stream.linear.gather [spmem:s2], $0x1400, $0x38;
	[tilespmem:$0x1EA00] =	vst v63  }
0xe0: {  	s5 =	smov.u32 s0;
	s0 =	sadd.s32 $0x280, s0;
	_ =	swait.ge [sflag:s12], $0x1400  }
.Ltmp6:
0xe1: {  	[sflag:s12] =	ssyncset.done $0x0;
	(pc) =	sbr.rel @p1 .LBB2_9-.Ltmp6, $4  }
0xe2: {  	s5 =	sadd.s32 s5, s10;
	[sflag:s12] =	ssyncadd.s32 $0xFFFFEC00  }
0xe3: {  	[hbm4b:s5+s4] =	stream.linear.scatter [tilespmem:s11], [sflag:$0x5], $0x1400, $0x38;
	[tilespmem:$0x1EA00] =	vst v63  }
0xe4: {  	_ =	swait.ge [sflag:s12], $0x1400  }
0xe5: {  	[sflag:s12] =	ssyncset.done $0x0  }
.Ltmp7:
0xe6: {  	_ = 	snop;
	(pc) =	sbr.rel .LBB2_10-.Ltmp7, $1  }
0xe7: {  	_ =	sdelay $0x3  }
.LBB2_12:
0xe8: {  	_ =	sfence.sel $0x180000  }
0xe9: {  	[bflag:$0x0] =	sbarrier.arrive $0xFFFF  }
0xea: {  	_ =	strace $0x9000004A  }
0xeb: {  	s0 =	stileid.u32;
	[bflag:$0x2] =	sbarrier.arrive $0xFFFF  }
0xec: {  	p0 =	sne.s32 s0, $0x0;
	s0 =	rddreg [dreg:$0x3]  }
0xed: {  	s0 =	sadd.s32 @!p0 $0x100000, s0  }
0xee: {  	[sflag:s0] =	ssyncadd.tile.s32 @!p0 $0x1;
	_ =	shalt  }
.Lfunc_end2:
_tile_overlayer_lowered:
.L_overlay_start_2:
0xef: {  	(tag) =	ssettag $0x2  }
0xf0: {  	s0 =	rddreg [dreg:$0x0];
	s2 =	stileid.u32  }
0xf1: {  	s1 =	rddreg [dreg:$0x1];
	p0 =	sne.s32 s2, $0x0  }
0xf2: {  	s3 =	rddreg [dreg:$0x2];
	[bflag:$0x3] =	sbarrier.arrive $0xFFFF;
	s2 =	simm.s32 @!p0 $0x1C05  }
0xf3: {  	[timem:s3], [sflag:s2] =	dma.local @!p0 [hbm:s0], s1  }
0xf4: {  	s0 =	simm.s32 @!p0 $0x5  }
0xf5: {  	_ =	swait.ge @!p0 [sflag:s0], s1  }
0xf6: {  	s1 =	ssub.s32 @!p0 $0x0, s1;
	[sflag:s0] =	ssyncset.done @!p0 $0x0  }
0xf7: {  	[sflag:s0] =	ssyncadd.s32 @!p0 s1  }
0xf8: {  	[bflag:$0x3] =	sbarrier.arrive $0xFFFF  }
0xf9: {  	_ =	shalt  }

// kernel: kernel.13.cloned.1.call-start
scs
__scs_entry_jumppad:
0x0: {  	(pc) =	sbr.rel $0x88, $3  }
0x1: {  	(tag) =	ssettag $0x0;
	lr =	simm.s32 $0x1  }
0x2: {  	[smem:$0x3F99] =	sst lr;
	_ =	strace $0xD0000000  }
0x3: {  	_ = 	snop  }
0x4: {  	_ = 	snop  }
0x5: {  	_ = 	snop  }
0x6: {  	_ = 	snop  }
0x7: {  	_ = 	snop  }
__scs_overlays_trampoline_lowered:
0x8: {  	[smem:$0x3FA8] =	sst s0  }
0x9: {  	[smem:$0x3FA9] =	sst s1  }
0xa: {  	[smem:$0x3FAA] =	sst s2  }
0xb: {  	[smem:$0x3FAB] =	sst s3  }
0xc: {  	[smem:$0x3FAC] =	sst s4  }
0xd: {  	[smem:$0x3FAD] =	sst s5  }
0xe: {  	[smem:$0x3FAE] =	sst s6  }
0xf: {  	[smem:$0x3FAF] =	sst s7  }
0x10: {  	[smem:$0x3FB0] =	sst s8  }
0x11: {  	[smem:$0x3FB1] =	sst s9;
	s0 =	simm.s32 @!p0 $0x0  }
0x12: {  	s1 =	sld [smem:$0x3F97];
	s0 =	simm.s32 @p0 $0x1  }
0x13: {  	[smem:$0x3FB2] =	sst s0;
	s0 =	simm.s32 @!p1 $0x0  }
0x14: {  	s2 =	sld [smem:$0x3F96];
	s0 =	simm.s32 @p1 $0x1  }
0x15: {  	[smem:$0x3FB3] =	sst s0;
	s0 =	simm.s32 @!p2 $0x0  }
0x16: {  	s3 =	sld [smem:$0x3FDB];
	s0 =	simm.s32 @p2 $0x1  }
0x17: {  	s4 =	simm.s32 $0x1BF5;
	[smem:$0x3FB5] =	sst s0  }
0x18: {  	s0 =	sld [smem:$0x3F98];
	_ =	swait.ge [sflag:s4], $0x0  }
0x19: {  	s7 =	sld [smem:$0x3F99]  }
0x1a: {  	s8 =	sadd.s32 $0xFFFFE003, lr  }
0x1b: {  	s9 =	sadd.s32 $0xFFFFFEF7, lr;
	s5 =	simm.s32 $0xFFFFFFFF;
	p2 =	slt.u32 s8, $0xFFFFF086  }
0x1c: {  	p1 =	slt.u32 s9, $0xF7A;
	s5 =	simm.s32 @!p2 $0x0  }
0x1d: {  	s5 =	simm.s32 @p1 $0x1;
	p0 =	seq.s32 s7, s2  }
0x1e: {  	s7 =	smul.u32 @!p0 $0xF7A, s2;
	p2 =	seq.s32 @!p0 s5, $0x0  }
0x1f: {  	s9 =	smul.u32 $0xF7A, s1;
	s8 =	simm.s32 @!p0 $0x1BF5;
	p2 =	por !p2, p0  }
0x20: {  	[sflag:s8] =	ssyncset.s32 @!p0 $0xFFFFF086;
	s6 =	sadd.s32 @!p0 s3, s7;
	s7 =	simm.s32 @!p0 $0x108  }
0x21: {  	s3 =	sadd.s32 s3, s9;
	s6 =	sadd.s32 @!p0 $0x88, s6;
	s7 =	simm.s32 @p2 $0x1082  }
0x22: {  	[simem:s7], [sflag:s8] =	dma.local @!p0 [hbm:s6], $0xF7A  }
0x23: {  	s9 =	sor.u32 $0xD0000000, s2;
	s6 =	simm.s32 $0x108;
	_ =	swait.ge @!p0 [sflag:s8], $0x0  }
0x24: {  	s3 =	sadd.s32 $0x88, s3;
	s6 =	simm.s32 @!p1 $0x1082;
	[sflag:s4] =	ssyncset.s32 $0xFFFFF086  }
0x25: {  	[simem:s6], [sflag:s4] =	dma.local [hbm:s3], $0xF7A  }
0x26: {  	[smem:$0x3F99] =	sst s1;
	(tag) =	ssettag s2;
	_ =	strace s9  }
0x27: {  	s1 =	sld [smem:$0x3FA9]  }
0x28: {  	s2 =	sld [smem:$0x3FAA]  }
0x29: {  	s4 =	sld [smem:$0x3FAC]  }
0x2a: {  	p0 =	seq.s32 s5, $0x0;
	s5 =	sld [smem:$0x3FAD]  }
0x2b: {  	s6 =	sld [smem:$0x3FAE]  }
0x2c: {  	s7 =	sld [smem:$0x3FAF]  }
0x2d: {  	s3 =	simm.s32 $0x108;
	s8 =	sld [smem:$0x3FB0]  }
0x2e: {  	s3 =	simm.s32 @!p0 $0x1082;
	s9 =	sld [smem:$0x3FB1]  }
0x2f: {  	lr =	sadd.s32 s0, s3;
	s0 =	sld [smem:$0x3FA8]  }
0x30: {  	s3 =	sld [smem:$0x3FAB]  }
0x31: {  	[smem:$0x3FB4] =	sst s10  }
0x32: {  	s10 =	sld [smem:$0x3FB2];
	_ =	sdelay $0x3  }
0x33: {  	p0 =	seq.s32 s10, $0x1;
	s10 =	sld [smem:$0x3FB4];
	_ =	sdelay $0x3  }
0x34: {  	[smem:$0x3FB4] =	sst s10  }
0x35: {  	s10 =	sld [smem:$0x3FB3];
	_ =	sdelay $0x3  }
0x36: {  	p1 =	seq.s32 s10, $0x1;
	s10 =	sld [smem:$0x3FB4];
	_ =	sdelay $0x3  }
0x37: {  	[smem:$0x3FB4] =	sst s10  }
0x38: {  	s10 =	sld [smem:$0x3FB5]  }
0x39: {  	_ = 	snop;
	(pc) =	sbr.ind lr, $3  }
0x3a: {  	_ = 	snop  }
0x3b: {  	_ = 	snop  }
0x3c: {  	p2 =	seq.s32 s10, $0x1;
	s10 =	sld [smem:$0x3FB4]  }
0x3d: {  	_ =	shalt  }
0x3e: {  	_ =	shalt  }
0x3f: {  	_ =	shalt  }
0x40: {  	_ =	shalt  }
0x41: {  	_ =	shalt  }
0x42: {  	_ =	shalt  }
0x43: {  	_ =	shalt  }
0x44: {  	_ =	shalt  }
0x45: {  	_ =	shalt  }
0x46: {  	_ =	shalt  }
0x47: {  	_ =	shalt  }
0x48: {  	_ =	shalt  }
0x49: {  	_ =	shalt  }
0x4a: {  	_ =	shalt  }
0x4b: {  	_ =	shalt  }
0x4c: {  	_ =	shalt  }
0x4d: {  	_ =	shalt  }
0x4e: {  	_ =	shalt  }
0x4f: {  	_ =	shalt  }
0x50: {  	_ =	shalt  }
0x51: {  	_ =	shalt  }
0x52: {  	_ =	shalt  }
0x53: {  	_ =	shalt  }
0x54: {  	_ =	shalt  }
0x55: {  	_ =	shalt  }
0x56: {  	_ =	shalt  }
0x57: {  	_ =	shalt  }
0x58: {  	_ =	shalt  }
0x59: {  	_ =	shalt  }
0x5a: {  	_ =	shalt  }
0x5b: {  	_ =	shalt  }
0x5c: {  	_ =	shalt  }
0x5d: {  	_ =	shalt  }
0x5e: {  	_ =	shalt  }
0x5f: {  	_ =	shalt  }
0x60: {  	_ =	shalt  }
0x61: {  	_ =	shalt  }
0x62: {  	_ =	shalt  }
0x63: {  	_ =	shalt  }
0x64: {  	_ =	shalt  }
0x65: {  	_ =	shalt  }
0x66: {  	_ =	shalt  }
0x67: {  	_ =	shalt  }
0x68: {  	_ =	shalt  }
0x69: {  	_ =	shalt  }
0x6a: {  	_ =	shalt  }
0x6b: {  	_ =	shalt  }
0x6c: {  	_ =	shalt  }
0x6d: {  	_ =	shalt  }
0x6e: {  	_ =	shalt  }
0x6f: {  	_ =	shalt  }
0x70: {  	_ =	shalt  }
0x71: {  	_ =	shalt  }
0x72: {  	_ =	shalt  }
0x73: {  	_ =	shalt  }
0x74: {  	_ =	shalt  }
0x75: {  	_ =	shalt  }
0x76: {  	_ =	shalt  }
0x77: {  	_ =	shalt  }
0x78: {  	_ =	shalt  }
0x79: {  	_ =	shalt  }
0x7a: {  	_ =	shalt  }
0x7b: {  	_ =	shalt  }
0x7c: {  	_ =	shalt  }
0x7d: {  	_ =	shalt  }
0x7e: {  	_ =	shalt  }
0x7f: {  	_ =	shalt  }
0x80: {  	_ =	shalt  }
0x81: {  	_ =	shalt  }
0x82: {  	_ =	shalt  }
0x83: {  	_ =	shalt  }
0x84: {  	_ =	shalt  }
0x85: {  	_ =	shalt  }
0x86: {  	_ =	shalt  }
0x87: {  	_ =	shalt  }
.Lfunc_end0:
.L_simem_size_0:
called_computation.2_lowered:
.L_overlay_start_0:
0x88: {  	s2 =	sld [smem:$0x3FD9]  }
0x89: {  	s3 =	sld [smem:$0x3FFE];
	_ =	sdelay $0x1  }
0x8a: {  	s1 =	srdreg.scid  }
0x8b: {  	s0 =	sand.u32 $0x1, s1  }
0x8c: {  	s17 =	sshll.u32 s0, $0xA;
	s2 =	sadd.s32 s3, s2  }
0x8d: {  	s2 =	sadd.s32 s2, s17  }
0x8e: {  	[smem:$0x3FC0] =	sst s2  }
0x8f: {  	_ = 	snop  }
0x90: {  	s2 =	sld [smem:$0x3FD0];
	(tm) =	ssettm $0x1  }
0x91: {  	s18 =	sld [smem:$0x3FFB];
	_ =	sdelay $0x3  }
0x92: {  	_ =	strace s18  }
0x93: {  	s3 =	sld [smem:$0x3FFC];
	_ =	sdelay $0x3  }
0x94: {  	_ =	strace s3  }
0x95: {  	s3 =	sld [smem:$0x3FFD];
	_ =	sdelay $0x3  }
0x96: {  	_ =	strace s3  }
0x97: {  	_ =	strace $0x8FFFFFFF  }
0x98: {  	s19 =	sld [smem:$0x3FDB];
	_ =	sdelay $0x1  }
0x99: {  	s4 =	simm.s32 $_scs_section_size  }
0x9a: {  	s5 =	simm.s32 $_size__tile_overlayer_lowered;
	s6 =	simm.s32 $_tile_overlayer_lowered  }
0x9b: {  	s22 =	simm.s32 $0x1BFF;
	s21 =	sshll.u32 s6, $0x1;
	s3 =	sadd.s32 s4, s19  }
0x9c: {  	s7 =	simm.s32 $0x0;
	s20 =	sshll.u32 s5, $0x1;
	s5 =	sadd.s32 s21, s3  }
0x9d: {  	[timem:s7], [sflag:s22] =	dma.local [hbm:s5], s20  }
0x9e: {  	_ =	swait.ge [sflag:s22], s20  }
0x9f: {  	s4 =	ssub.s32 $0x0, s20;
	[sflag:s22] =	ssyncset.done $0x0  }
0xa0: {  	[sflag:s22] =	ssyncadd.s32 s4;
	_ =	sdelay $0x1  }
0xa1: {  	s23 =	simm.s32 $0x1B8B  }
0xa2: {  	_ =	swait.ge [sflag:s23], $0x1  }
0xa3: {  	[sflag:s23] =	ssyncset.done $0x0  }
0xa4: {  	s25 =	simm.s32 $0x1B8E;
	s24 =	sld [smem:$0x3FFE];
	[sflag:s23] =	ssyncadd.s32 $0xFFFFFFFF  }
0xa5: {  	s26 =	simm.s32 $execute0_lowered;
	[smem:$0x3FD2] =	sst s25  }
0xa6: {  	s5 =	sshll.u32 s26, $0x1;
	_ =	strace $0x8000004C;
	[dreg:$0x1] =	wrdreg $0xFFFFFFFF  }
0xa7: {  	s28 =	simm.s32 $_size_execute0_lowered;
	s3 =	sadd.s32 s3, s5;
	[dreg:$0x0] =	wrdreg $0x0  }
0xa8: {  	s5 =	sshll.u32 s28, $0x1;
	[dreg:$0x2] =	wrdreg s3  }
0xa9: {  	[dreg:$0x3] =	wrdreg s5  }
0xaa: {  	[dreg:$0x4] =	wrdreg $0xC0  }
0xab: {  	_ =	task [dreg:s7], $0x5FFFF  }
0xac: {  	[dreg:$0x1] =	wrdreg $0xFFFFFFFF  }
0xad: {  	[dreg:$0x0] =	wrdreg $0x60  }
0xae: {  	[dreg:$0x2] =	wrdreg s2  }
0xaf: {  	[dreg:$0x3] =	wrdreg s24  }
0xb0: {  	[dreg:$0x4] =	wrdreg $0xB1800  }
0xb1: {  	[dreg:$0x5] =	wrdreg $0x9  }
0xb2: {  	_ =	task.clear_ibuf [dreg:s7], $0x6FFFF;
	_ =	strace $0x9000004C  }
0xb3: {  	s29 =	simm.s32 $0x9;
	_ =	strace $0x8000004E  }
0xb4: {  	_ =	swait.ge [sflag:s29], $0x1  }
0xb5: {  	[sflag:s29] =	ssyncadd.s32 $0xFFFFFFFF  }
0xb6: {  	_ =	strace $0x9000004E  }
0xb7: {  	_ =	sfence  }
0xb8: {  	s30 =	sld [smem:$0x0];
	_ =	sdelay $0x2  }
0xb9: {  	s31 =	sshll.u32 s1, $0xD;
	s1 =	sshrl.u32 s1, $0x2  }
0xba: {  	s3 =	sand.u32 $0x4000, s31;
	s1 =	sadd.s32 s1, s30  }
0xbb: {  	s0 =	sor.u32 s3, s0;
	s1 =	sshll.u32 s1, $0x11  }
0xbc: {  	s0 =	sor.u32 s1, s0  }
0xbd: {  	s0 =	sadd.s32 $0x8F2B, s0  }
0xbe: {  	[sflag:s0] =	ssyncadd.remote.s32 $0x1  }
0xbf: {  	_ =	sfence.sel $0xFFFF  }
0xc0: {  	[dreg:$0x0] =	wrdreg $0xFFFFFFFF;
	(pc) =	sbr.abs _section_cstart, $3  }
0xc1: {  	[dreg:$0x1] =	wrdreg $0xFFFFFFFF  }
0xc2: {  	_ =	task.clear_ibuf [dreg:s7], $0x2FFFF;
	_ =	strace $0x9FFFFFFF  }
0xc3: {  	(tm) =	ssettm $0x7FFFFFFF  }
tec
execute0_lowered:
.L_overlay_start_1:
0x0: {  	(tag) =	ssettag $0x1  }
0x1: {  	s0 =	srdreg.scid;
	s1 =	rddreg [dreg:$0x0]  }
0x2: {  	s11 =	stileid.u32;
	s5 =	rddreg [dreg:$0x1]  }
0x3: {  	s3 =	rddreg [dreg:$0x2];
	s4 =	simm.s32 $0x0;
	s12 =	simm.s32 $0x5  }
0x4: {  	s14 =	simm.s32 $0x10;
	s15 =	simm.s32 $0x2700;
	s16 =	simm.s32 $0x1  }
0x5: {  	s17 =	simm.s32 $0x5100;
	s18 =	simm.s32 $0x40;
	s19 =	simm.s32 $0x7180  }
0x6: {  	s20 =	simm.s32 $0x4F00;
	s21 =	simm.s32 $0x80;
	s22 =	simm.s32 $0x9180  }
0x7: {  	s23 =	simm.s32 $0x2;
	s24 =	simm.s32 $0x4;
	s25 =	simm.s32 $0x4F80  }
0x8: {  	s26 =	simm.s32 $0x3;
	s28 =	simm.s32 $0x5000;
	s29 =	simm.s32 $0x0  }
0x9: {  	s0 =	sand.u32 $0x1, s0;
	[smem:$0x7FF] =	sst s4;
	s7 =	smul.u32 $0x1F400, s11  }
0xa: {  	s8 =	sadd.s32 $0x16000, s5;
	s9 =	smul.u32 $0x7D000, s11;
	p0 =	sgt.u32 s11, $0x9  }
0xb: {  	s2 =	sshll.u32 s0, $0x4;
	s6 =	smul.u32 $0x138800, s0;
	_ =	strace $0x8000004D  }
0xc: {  	[dreg:$0x4] =	wrdreg s8;
	s0 =	ssub.s32 $0x2, s0;
	s2 =	sor.u32 s11, s2  }
.Ltmp0:
0xd: {  	s30 =	sshrl.u32 s0, $0x1;
	s31 =	sshrl.u32 s9, $0x2;
	(pc) =	sbr.rel .LBB2_1-.Ltmp0, $4  }
0xe: {  	s11 =	simm.s32 $0x5180;
	s2 =	smul.u32 $0x4E2, s2;
	s6 =	sadd.s32 s7, s6  }
0xf: {  	s0 =	ssub.s32 s0, s30;
	s9 =	sadd.s32 s31, s3;
	s6 =	sshrl.u32 s6, $0x3  }
0x10: {  	s8 =	smax.u32 s0, $0x1;
	s2 =	sadd.s32 s2, s5;
	s5 =	sadd.s32 s6, s5  }
0x11: {  	s6 =	sadd.s32 $0xBC00, s2;
	s7 =	sadd.s32 $0x1E00, s2;
	s10 =	sadd.s32 $0x16400, s5  }
.LBB2_10:
0x12: {  	[sflag:s12] =	ssyncadd.s32 $0xFFFFEC00  }
.LBB2_11:
0x13: {  	s29 =	sadd.s32 $0x1, s29  }
0x14: {  	p1 =	sne.s32 s29, s8  }
.Ltmp1:
0x15: {  	_ = 	snop;
	(pc) =	sbr.rel @!p1 .LBB2_12-.Ltmp1, $1  }
0x16: {  	_ =	sdelay $0x3  }
.LBB2_1:
.Ltmp2:
0x17: {  	(pc) =	sbr.rel @p0 .LBB2_5-.Ltmp2, $1  }
0x18: {  	_ =	sdelay $0x3  }
0x19: {  	s0 =	simm.s32 $0x0;
	s2 =	rddreg [dreg:$0x4]  }
0x1a: {  	[tilespmem:s11], [sflag:$0x5] =	stream.linear.gather [hbm4b:s2+s0], $0x1400, $0x38;
	[tilespmem:$0x1EA00] =	vst v63  }
0x1b: {  	_ =	swait.ge [sflag:s12], $0x1400  }
0x1c: {  	[sflag:s12] =	ssyncset.done $0x0  }
0x1d: {  	s31 =	sadd.s32 $0x0, s9;
	[sflag:s12] =	ssyncadd.s32 $0xFFFFEC00  }
0x1e: {  	[spmem:s31] =	stream.linear.scatter [tilespmem:s11], [sflag:$0x5], $0x1400, $0x38;
	[tilespmem:$0x1EA00] =	vst v63  }
0x1f: {  	s0 =	simm.s32 $0x5000;
	_ =	swait.ge [sflag:s12], $0x1400  }
.LBB2_3:
0x20: {  	s2 =	sshra.s32 s0, $0x2;
	[sflag:s12] =	ssyncset.done $0x0;
	p1 =	sne.s32 s0, $0x78000  }
.Ltmp3:
0x21: {  	s2 =	sadd.s32 s2, s9;
	[sflag:s12] =	ssyncadd.s32 $0xFFFFEC00;
	(pc) =	sbr.rel @p1 .LBB2_3-.Ltmp3, $3  }
0x22: {  	[spmem:s2] =	stream.linear.scatter [tilespmem:s11], [sflag:$0x5], $0x1400, $0x38;
	[tilespmem:$0x1EA00] =	vst v63  }
0x23: {  	s0 =	sadd.s32 $0x5000, s0;
	_ =	sdelay $0x1  }
0x24: {  	_ =	swait.ge [sflag:s12], $0x1400  }
0x25: {  	[sflag:s12] =	ssyncset.done $0x0  }
0x26: {  	[sflag:s12] =	ssyncadd.s32 $0xFFFFEC00  }
.LBB2_5:
0x27: {  	s0 =	simm.s32 $0x0  }
0x28: {  	[tilespmem:s0], [sflag:$0x5] =	stream.linear.gather [hbm4b:s6+s0], $0x2710, $0x38;
	[tilespmem:$0x1EA00] =	vst v63  }
0x29: {  	_ =	swait.ge [sflag:s12], $0x2710  }
0x2a: {  	[sflag:s12] =	ssyncset.done $0x0  }
0x2b: {  	s2 =	simm.s32 $0x2780;
	[sflag:s12] =	ssyncadd.s32 $0xFFFFD8F0  }
0x2c: {  	[tilespmem:s2], [sflag:$0x5] =	stream.linear.gather [hbm4b:s7+s0], $0x2710, $0x38;
	[tilespmem:$0x1EA00] =	vst v63  }
0x2d: {  	_ =	swait.ge [sflag:s12], $0x2710  }
0x2e: {  	[sflag:s12] =	ssyncset.done $0x0  }
0x2f: {  	[sflag:s12] =	ssyncadd.s32 $0xFFFFD8F0  }
0x30: {  	[bflag:$0x0] =	sbarrier.arrive $0xFFFF  }
0x31: {  	[tilespmem:s11], [sflag:$0x1] =	stream.indirect.gather [hbm4b:s1+s14], $0x80, s15, s14, $0xb8;
	[tilespmem:$0x1EA00] =	vst v63  }
0x32: {  	_ =	swait.ge [sflag:s16], $0x800  }
0x33: {  	[sflag:s16] =	ssyncset.done $0x0  }
0x34: {  	[sflag:s16] =	ssyncadd.s32 $0xFFFFF800  }
0x35: {  	v0 =	vld [tilespmem:$0x4E80];
	_ =	sdelay $0x4  }
0x36: {  	[tilespmem:$0x5100] =	vst v0  }
0x37: {  	[spmem:s3] =	stream.indirect.scatter.add.f32 [tilespmem:s11], [sflag:$0x5], $0x80, s17, s14, $0xb8;
	[tilespmem:$0x1EA00] =	vst v63  }
0x38: {  	_ =	swait.ge [sflag:s12], $0x800  }
0x39: {  	[sflag:s12] =	ssyncset.done $0x0  }
0x3a: {  	[sflag:s12] =	ssyncadd.s32 $0xFFFFF800  }
0x3b: {  	[tilespmem:s11], [sflag:$0x1] =	stream.indirect.gather [hbm4b:s1+s18], $0x80, s0, s18, $0xb8;
	[tilespmem:$0x1EA00] =	vst v63  }
0x3c: {  	_ = 	snop  }
0x3d: {  	[tilespmem:s19], [sflag:$0x2] =	stream.indirect.gather [hbm4b:s1+s18], $0x80, s18, s18, $0xb8;
	[tilespmem:$0x1EA00] =	vst v63  }
0x3e: {  	_ =	swait.ge [sflag:s16], $0x2000  }
0x3f: {  	[sflag:s16] =	ssyncset.done $0x0  }
0x40: {  	[sflag:s16] =	ssyncadd.s32 $0xFFFFE000  }
0x41: {  	v60 =	vld [tilespmem:$0x2780]  }
0x42: {  	v1 =	vld [tilespmem:$0x2790]  }
0x43: {  	v2 =	vld [tilespmem:$0x27A0]  }
0x44: {  	v3 =	vld [tilespmem:$0x27B0];
	_ =	sdelay $0x1  }
0x45: {  	[tilespmem:$0x4F00] =	vst v60  }
0x46: {  	[tilespmem:$0x4F10] =	vst v1  }
0x47: {  	[tilespmem:$0x4F20] =	vst v2  }
0x48: {  	[tilespmem:$0x4F30] =	vst v3  }
0x49: {  	[spmem:s3] =	stream.indirect.scatter.add.f32 [tilespmem:s11], [sflag:$0x4], $0x80, s20, s18, $0xb8;
	[tilespmem:$0x1EA00] =	vst v63  }
0x4a: {  	_ = 	snop  }
0x4b: {  	[tilespmem:s22], [sflag:$0x3] =	stream.indirect.gather [hbm4b:s1+s18], $0x80, s21, s18, $0xb8;
	[tilespmem:$0x1EA00] =	vst v63  }
0x4c: {  	_ =	swait.ge [sflag:s23], $0x2000  }
0x4d: {  	[sflag:s23] =	ssyncset.done $0x0  }
0x4e: {  	[sflag:s23] =	ssyncadd.s32 $0xFFFFE000  }
0x4f: {  	_ =	swait.ge [sflag:s24], $0x2000  }
0x50: {  	[sflag:s24] =	ssyncset.done $0x0  }
0x51: {  	s2 =	simm.s32 $0x2810;
	[sflag:s24] =	ssyncadd.s32 $0xFFFFE000  }
0x52: {  	v61 =	vld [tilespmem:s2+$0xFFFFFFB0];
	_ =	sdelay $0x4  }
0x53: {  	[tilespmem:$0x4F80] =	vst v61  }
0x54: {  	v0 =	vld [tilespmem:s2+$0xFFFFFFC0];
	_ =	sdelay $0x4  }
0x55: {  	[tilespmem:$0x4F90] =	vst v0  }
0x56: {  	v0 =	vld [tilespmem:s2+$0xFFFFFFD0];
	_ =	sdelay $0x4  }
0x57: {  	[tilespmem:$0x4FA0] =	vst v0  }
0x58: {  	v0 =	vld [tilespmem:s2+$0xFFFFFFE0];
	_ =	sdelay $0x4  }
0x59: {  	[tilespmem:$0x4FB0] =	vst v0  }
0x5a: {  	[spmem:s3] =	stream.indirect.scatter.add.f32 [tilespmem:s19], [sflag:$0x4], $0x80, s25, s18, $0xb8;
	[tilespmem:$0x1EA00] =	vst v63  }
0x5b: {  	s5 =	simm.s32 $0xC0  }
0x5c: {  	[tilespmem:s11], [sflag:$0x1] =	stream.indirect.gather [hbm4b:s1+s18], $0x80, s5, s18, $0xb8;
	[tilespmem:$0x1EA00] =	vst v63  }
0x5d: {  	_ =	swait.ge [sflag:s26], $0x2000  }
0x5e: {  	[sflag:s26] =	ssyncset.done $0x0  }
0x5f: {  	[sflag:s26] =	ssyncadd.s32 $0xFFFFE000  }
0x60: {  	_ =	swait.ge [sflag:s24], $0x2000  }
0x61: {  	[sflag:s24] =	ssyncset.done $0x0  }
0x62: {  	s0 =	sand.u32 $0x3FC0, s0;
	[sflag:s24] =	ssyncadd.s32 $0xFFFFE000  }
0x63: {  	v62 =	vld [tilespmem:s0+$0x2800];
	_ =	sdelay $0x4  }
0x64: {  	[tilespmem:$0x5000] =	vst v62  }
0x65: {  	v0 =	vld [tilespmem:s2+$0x0];
	_ =	sdelay $0x4  }
0x66: {  	[tilespmem:$0x5010] =	vst v0  }
0x67: {  	v0 =	vld [tilespmem:s2+$0x10];
	_ =	sdelay $0x4  }
0x68: {  	[tilespmem:$0x5020] =	vst v0  }
0x69: {  	v0 =	vld [tilespmem:s2+$0x20];
	_ =	sdelay $0x4  }
0x6a: {  	[tilespmem:$0x5030] =	vst v0  }
0x6b: {  	[spmem:s3] =	stream.indirect.scatter.add.f32 [tilespmem:s22], [sflag:$0x4], $0x80, s28, s18, $0xb8;
	[tilespmem:$0x1EA00] =	vst v63  }
0x6c: {  	s13 =	simm.s32 $0x100  }
0x6d: {  	[tilespmem:s19], [sflag:$0x2] =	stream.indirect.gather [hbm4b:s1+s18], $0x80, s13, s18, $0xb8;
	[tilespmem:$0x1EA00] =	vst v63  }
0x6e: {  	_ =	swait.ge [sflag:s16], $0x2000  }
0x6f: {  	[sflag:s16] =	ssyncset.done $0x0  }
0x70: {  	[sflag:s16] =	ssyncadd.s32 $0xFFFFE000  }
0x71: {  	_ =	swait.ge [sflag:s24], $0x2000  }
0x72: {  	[sflag:s24] =	ssyncset.done $0x0  }
0x73: {  	[sflag:s24] =	ssyncadd.s32 $0xFFFFE000  }
0x74: {  	v63 =	vld [tilespmem:s2+$0x30];
	_ =	sdelay $0x4  }
0x75: {  	[tilespmem:$0x4F00] =	vst v63  }
0x76: {  	v0 =	vld [tilespmem:s2+$0x40];
	_ =	sdelay $0x4  }
0x77: {  	[tilespmem:$0x4F10] =	vst v0  }
0x78: {  	v0 =	vld [tilespmem:s2+$0x50];
	_ =	sdelay $0x4  }
0x79: {  	[tilespmem:$0x4F20] =	vst v0  }
0x7a: {  	v0 =	vld [tilespmem:s2+$0x60];
	_ =	sdelay $0x3  }
0x7b: {  	s30 =	simm.s32 $0x140  }
0x7c: {  	s31 =	simm.s32 $0xC0;
	s0 =	simm.s32 $0x28D0;
	s2 =	simm.s32 $0x200;
	[tilespmem:$0x4F30] =	vst v0  }
0x7d: {  	[spmem:s3] =	stream.indirect.scatter.add.f32 [tilespmem:s11], [sflag:$0x4], $0x80, s20, s18, $0xb8;
	[tilespmem:$0x1EA00] =	vst v63  }
.LBB2_6:
0x7e: {  	[tilespmem:s22], [sflag:$0x3] =	stream.indirect.gather [hbm4b:s1+s18], $0x80, s30, s18, $0xb8;
	[tilespmem:$0x1EA00] =	vst v63  }
0x7f: {  	s5 =	smov.u32 s31;
	s30 =	smov.u32 s2  }
0x80: {  	p1 =	sne.s32 s31, $0x2580;
	s31 =	sadd.s32 $0xC0, s31;
	_ =	swait.ge [sflag:s23], $0x2000  }
0x81: {  	[sflag:s23] =	ssyncset.done $0x0  }
0x82: {  	[sflag:s23] =	ssyncadd.s32 $0xFFFFE000  }
0x83: {  	_ =	swait.ge [sflag:s24], $0x2000  }
0x84: {  	[sflag:s24] =	ssyncset.done $0x0  }
0x85: {  	[sflag:s24] =	ssyncadd.s32 $0xFFFFE000  }
0x86: {  	v0 =	vld [tilespmem:s0+$0xFFFFFFB0];
	_ =	sdelay $0x4  }
0x87: {  	[tilespmem:$0x4F80] =	vst v0  }
0x88: {  	v0 =	vld [tilespmem:s0+$0xFFFFFFC0];
	_ =	sdelay $0x4  }
0x89: {  	[tilespmem:$0x4F90] =	vst v0  }
0x8a: {  	v0 =	vld [tilespmem:s0+$0xFFFFFFD0];
	_ =	sdelay $0x4  }
0x8b: {  	[tilespmem:$0x4FA0] =	vst v0  }
0x8c: {  	v0 =	vld [tilespmem:s0+$0xFFFFFFE0];
	_ =	sdelay $0x4  }
0x8d: {  	[tilespmem:$0x4FB0] =	vst v0  }
0x8e: {  	[spmem:s3] =	stream.indirect.scatter.add.f32 [tilespmem:s19], [sflag:$0x4], $0x80, s25, s18, $0xb8;
	[tilespmem:$0x1EA00] =	vst v63  }
0x8f: {  	s13 =	sadd.s32 $0xFFFFFF80, s2  }
0x90: {  	[tilespmem:s11], [sflag:$0x1] =	stream.indirect.gather [hbm4b:s1+s18], $0x80, s13, s18, $0xb8;
	[tilespmem:$0x1EA00] =	vst v63  }
0x91: {  	_ =	swait.ge [sflag:s26], $0x2000  }
0x92: {  	[sflag:s26] =	ssyncset.done $0x0  }
0x93: {  	[sflag:s26] =	ssyncadd.s32 $0xFFFFE000  }
0x94: {  	_ =	swait.ge [sflag:s24], $0x2000  }
0x95: {  	[sflag:s24] =	ssyncset.done $0x0  }
0x96: {  	s5 =	sand.u32 $0x3FC0, s5;
	[sflag:s24] =	ssyncadd.s32 $0xFFFFE000  }
0x97: {  	v0 =	vld [tilespmem:s5+$0x2800];
	_ =	sdelay $0x4  }
0x98: {  	[tilespmem:$0x5000] =	vst v0  }
0x99: {  	v0 =	vld [tilespmem:s0+$0x0];
	_ =	sdelay $0x4  }
0x9a: {  	[tilespmem:$0x5010] =	vst v0  }
0x9b: {  	v0 =	vld [tilespmem:s0+$0x10];
	_ =	sdelay $0x4  }
0x9c: {  	[tilespmem:$0x5020] =	vst v0  }
0x9d: {  	v0 =	vld [tilespmem:s0+$0x20];
	_ =	sdelay $0x4  }
0x9e: {  	[tilespmem:$0x5030] =	vst v0  }
0x9f: {  	[spmem:s3] =	stream.indirect.scatter.add.f32 [tilespmem:s22], [sflag:$0x4], $0x80, s28, s18, $0xb8;
	[tilespmem:$0x1EA00] =	vst v63  }
0xa0: {  	s5 =	sadd.s32 $0xFFFFFFC0, s2  }
0xa1: {  	[tilespmem:s19], [sflag:$0x2] =	stream.indirect.gather [hbm4b:s1+s18], $0x80, s5, s18, $0xb8;
	[tilespmem:$0x1EA00] =	vst v63  }
0xa2: {  	_ =	swait.ge [sflag:s16], $0x2000  }
0xa3: {  	[sflag:s16] =	ssyncset.done $0x0  }
0xa4: {  	[sflag:s16] =	ssyncadd.s32 $0xFFFFE000  }
0xa5: {  	_ =	swait.ge [sflag:s24], $0x2000  }
0xa6: {  	[sflag:s24] =	ssyncset.done $0x0  }
0xa7: {  	[sflag:s24] =	ssyncadd.s32 $0xFFFFE000  }
0xa8: {  	v0 =	vld [tilespmem:s0+$0x30];
	_ =	sdelay $0x4  }
0xa9: {  	[tilespmem:$0x4F00] =	vst v0  }
0xaa: {  	v0 =	vld [tilespmem:s0+$0x40];
	_ =	sdelay $0x4  }
0xab: {  	[tilespmem:$0x4F10] =	vst v0  }
0xac: {  	v0 =	vld [tilespmem:s0+$0x50];
	_ =	sdelay $0x4  }
0xad: {  	[tilespmem:$0x4F20] =	vst v0  }
0xae: {  	v0 =	vld [tilespmem:s0+$0x60];
	_ =	sdelay $0x2  }
.Ltmp4:
0xaf: {  	(pc) =	sbr.rel @p1 .LBB2_6-.Ltmp4, $4  }
0xb0: {  	_ = 	snop  }
0xb1: {  	[tilespmem:$0x4F30] =	vst v0  }
0xb2: {  	[spmem:s3] =	stream.indirect.scatter.add.f32 [tilespmem:s11], [sflag:$0x4], $0x80, s20, s18, $0xb8;
	[tilespmem:$0x1EA00] =	vst v63  }
0xb3: {  	s2 =	sadd.s32 $0xC0, s2;
	s0 =	sadd.s32 $0xC0, s0  }
0xb4: {  	[tilespmem:s22], [sflag:$0x3] =	stream.indirect.gather [hbm4b:s1+s18], $0x80, s30, s18, $0xb8;
	[tilespmem:$0x1EA00] =	vst v63  }
0xb5: {  	_ =	swait.ge [sflag:s23], $0x2000  }
0xb6: {  	[sflag:s23] =	ssyncset.done $0x0  }
0xb7: {  	[sflag:s23] =	ssyncadd.s32 $0xFFFFE000  }
0xb8: {  	_ =	swait.ge [sflag:s24], $0x2000  }
0xb9: {  	[sflag:s24] =	ssyncset.done $0x0  }
0xba: {  	[sflag:s24] =	ssyncadd.s32 $0xFFFFE000  }
0xbb: {  	v0 =	vld [tilespmem:$0x4E00]  }
0xbc: {  	v1 =	vld [tilespmem:$0x4E10]  }
0xbd: {  	v2 =	vld [tilespmem:$0x4E20]  }
0xbe: {  	v3 =	vld [tilespmem:$0x4E30];
	_ =	sdelay $0x1  }
0xbf: {  	[tilespmem:$0x4F80] =	vst v0  }
0xc0: {  	[tilespmem:$0x4F90] =	vst v1  }
0xc1: {  	[tilespmem:$0x4FA0] =	vst v2  }
0xc2: {  	[tilespmem:$0x4FB0] =	vst v3  }
0xc3: {  	[spmem:s3] =	stream.indirect.scatter.add.f32 [tilespmem:s19], [sflag:$0x4], $0x80, s25, s18, $0xb8;
	[tilespmem:$0x1EA00] =	vst v63  }
0xc4: {  	_ =	swait.ge [sflag:s26], $0x2000  }
0xc5: {  	[sflag:s26] =	ssyncset.done $0x0  }
0xc6: {  	[sflag:s26] =	ssyncadd.s32 $0xFFFFE000  }
0xc7: {  	_ =	swait.ge [sflag:s24], $0x2000  }
0xc8: {  	[sflag:s24] =	ssyncset.done $0x0  }
0xc9: {  	[sflag:s24] =	ssyncadd.s32 $0xFFFFE000  }
0xca: {  	v60 =	vld [tilespmem:$0x4E40]  }
0xcb: {  	v61 =	vld [tilespmem:$0x4E50]  }
0xcc: {  	v62 =	vld [tilespmem:$0x4E60]  }
0xcd: {  	v63 =	vld [tilespmem:$0x4E70];
	_ =	sdelay $0x1  }
0xce: {  	[tilespmem:$0x5000] =	vst v60  }
0xcf: {  	[tilespmem:$0x5010] =	vst v61  }
0xd0: {  	[tilespmem:$0x5020] =	vst v62  }
0xd1: {  	[tilespmem:$0x5030] =	vst v63  }
0xd2: {  	[spmem:s3] =	stream.indirect.scatter.add.f32 [tilespmem:s22], [sflag:$0x4], $0x80, s28, s18, $0xb8;
	[tilespmem:$0x1EA00] =	vst v63  }
.Ltmp5:
0xd3: {  	_ =	swait.ge [sflag:s24], $0x2000;
	(pc) =	sbr.rel @p0 .LBB2_11-.Ltmp5, $3  }
0xd4: {  	[sflag:s24] =	ssyncset.done $0x0  }
0xd5: {  	[sflag:s24] =	ssyncadd.s32 $0xFFFFE000  }
0xd6: {  	[bflag:$0x0] =	sbarrier.arrive $0xFFFF;
	_ =	sdelay $0x1  }
0xd7: {  	[tilespmem:s11], [sflag:$0x5] =	stream.linear.gather [spmem:s9], $0x1400, $0x38;
	[tilespmem:$0x1EA00] =	vst v63  }
0xd8: {  	_ =	swait.ge [sflag:s12], $0x1400  }
0xd9: {  	[sflag:s12] =	ssyncset.done $0x0  }
0xda: {  	s0 =	sadd.s32 $0x0, s10;
	[sflag:s12] =	ssyncadd.s32 $0xFFFFEC00  }
0xdb: {  	[hbm4b:s0+s4] =	stream.linear.scatter [tilespmem:s11], [sflag:$0x5], $0x1400, $0x38;
	[tilespmem:$0x1EA00] =	vst v63  }
0xdc: {  	_ =	swait.ge [sflag:s12], $0x1400  }
0xdd: {  	s2 =	smov.u32 s9;
	s0 =	simm.s32 $0x280;
	[sflag:s12] =	ssyncset.done $0x0  }
.LBB2_9:
0xde: {  	p1 =	sne.s32 s0, $0x3C00;
	[sflag:s12] =	ssyncadd.s32 $0xFFFFEC00;
	s2 =	sadd.s32 $0x1400, s2  }
0xdf: {  	[tilespmem:s11], [sflag:$0x5] =	stream.linear.gather [spmem:s2], $0x1400, $0x38;
	[tilespmem:$0x1EA00] =	vst v63  }
0xe0: {  	s5 =	smov.u32 s0;
	s0 =	sadd.s32 $0x280, s0;
	_ =	swait.ge [sflag:s12], $0x1400  }
.Ltmp6:
0xe1: {  	[sflag:s12] =	ssyncset.done $0x0;
	(pc) =	sbr.rel @p1 .LBB2_9-.Ltmp6, $4  }
0xe2: {  	s5 =	sadd.s32 s5, s10;
	[sflag:s12] =	ssyncadd.s32 $0xFFFFEC00  }
0xe3: {  	[hbm4b:s5+s4] =	stream.linear.scatter [tilespmem:s11], [sflag:$0x5], $0x1400, $0x38;
	[tilespmem:$0x1EA00] =	vst v63  }
0xe4: {  	_ =	swait.ge [sflag:s12], $0x1400  }
0xe5: {  	[sflag:s12] =	ssyncset.done $0x0  }
.Ltmp7:
0xe6: {  	_ = 	snop;
	(pc) =	sbr.rel .LBB2_10-.Ltmp7, $1  }
0xe7: {  	_ =	sdelay $0x3  }
.LBB2_12:
0xe8: {  	_ =	sfence.sel $0x180000  }
0xe9: {  	[bflag:$0x0] =	sbarrier.arrive $0xFFFF  }
0xea: {  	_ =	strace $0x9000004D  }
0xeb: {  	s0 =	stileid.u32;
	[bflag:$0x2] =	sbarrier.arrive $0xFFFF  }
0xec: {  	p0 =	sne.s32 s0, $0x0;
	s0 =	rddreg [dreg:$0x3]  }
0xed: {  	s0 =	sadd.s32 @!p0 $0x100000, s0  }
0xee: {  	[sflag:s0] =	ssyncadd.tile.s32 @!p0 $0x1;
	_ =	shalt  }
.Lfunc_end2:
_tile_overlayer_lowered:
.L_overlay_start_2:
0xef: {  	(tag) =	ssettag $0x2  }
0xf0: {  	s0 =	rddreg [dreg:$0x0];
	s2 =	stileid.u32  }
0xf1: {  	s1 =	rddreg [dreg:$0x1];
	p0 =	sne.s32 s2, $0x0  }
0xf2: {  	s3 =	rddreg [dreg:$0x2];
	[bflag:$0x3] =	sbarrier.arrive $0xFFFF;
	s2 =	simm.s32 @!p0 $0x1C05  }
0xf3: {  	[timem:s3], [sflag:s2] =	dma.local @!p0 [hbm:s0], s1  }
0xf4: {  	s0 =	simm.s32 @!p0 $0x5  }
0xf5: {  	_ =	swait.ge @!p0 [sflag:s0], s1  }
0xf6: {  	s1 =	ssub.s32 @!p0 $0x0, s1;
	[sflag:s0] =	ssyncset.done @!p0 $0x0  }
0xf7: {  	[sflag:s0] =	ssyncadd.s32 @!p0 s1  }
0xf8: {  	[bflag:$0x3] =	sbarrier.arrive $0xFFFF  }
0xf9: {  	_ =	shalt  }

// kernel: kernel.7.cloned.1.call-start
scs
__scs_entry_jumppad:
0x0: {  	(pc) =	sbr.rel $0x88, $3  }
0x1: {  	(tag) =	ssettag $0x0;
	lr =	simm.s32 $0x1  }
0x2: {  	[smem:$0x3F99] =	sst lr;
	_ =	strace $0xD0000000  }
0x3: {  	_ = 	snop  }
0x4: {  	_ = 	snop  }
0x5: {  	_ = 	snop  }
0x6: {  	_ = 	snop  }
0x7: {  	_ = 	snop  }
__scs_overlays_trampoline_lowered:
0x8: {  	[smem:$0x3FA8] =	sst s0  }
0x9: {  	[smem:$0x3FA9] =	sst s1  }
0xa: {  	[smem:$0x3FAA] =	sst s2  }
0xb: {  	[smem:$0x3FAB] =	sst s3  }
0xc: {  	[smem:$0x3FAC] =	sst s4  }
0xd: {  	[smem:$0x3FAD] =	sst s5  }
0xe: {  	[smem:$0x3FAE] =	sst s6  }
0xf: {  	[smem:$0x3FAF] =	sst s7  }
0x10: {  	[smem:$0x3FB0] =	sst s8  }
0x11: {  	[smem:$0x3FB1] =	sst s9;
	s0 =	simm.s32 @!p0 $0x0  }
0x12: {  	s1 =	sld [smem:$0x3F97];
	s0 =	simm.s32 @p0 $0x1  }
0x13: {  	[smem:$0x3FB2] =	sst s0;
	s0 =	simm.s32 @!p1 $0x0  }
0x14: {  	s2 =	sld [smem:$0x3F96];
	s0 =	simm.s32 @p1 $0x1  }
0x15: {  	[smem:$0x3FB3] =	sst s0;
	s0 =	simm.s32 @!p2 $0x0  }
0x16: {  	s3 =	sld [smem:$0x3FDB];
	s0 =	simm.s32 @p2 $0x1  }
0x17: {  	s4 =	simm.s32 $0x1BF5;
	[smem:$0x3FB5] =	sst s0  }
0x18: {  	s0 =	sld [smem:$0x3F98];
	_ =	swait.ge [sflag:s4], $0x0  }
0x19: {  	s7 =	sld [smem:$0x3F99]  }
0x1a: {  	s8 =	sadd.s32 $0xFFFFE003, lr  }
0x1b: {  	s9 =	sadd.s32 $0xFFFFFEF7, lr;
	s5 =	simm.s32 $0xFFFFFFFF;
	p2 =	slt.u32 s8, $0xFFFFF086  }
0x1c: {  	p1 =	slt.u32 s9, $0xF7A;
	s5 =	simm.s32 @!p2 $0x0  }
0x1d: {  	s5 =	simm.s32 @p1 $0x1;
	p0 =	seq.s32 s7, s2  }
0x1e: {  	s7 =	smul.u32 @!p0 $0xF7A, s2;
	p2 =	seq.s32 @!p0 s5, $0x0  }
0x1f: {  	s9 =	smul.u32 $0xF7A, s1;
	s8 =	simm.s32 @!p0 $0x1BF5;
	p2 =	por !p2, p0  }
0x20: {  	[sflag:s8] =	ssyncset.s32 @!p0 $0xFFFFF086;
	s6 =	sadd.s32 @!p0 s3, s7;
	s7 =	simm.s32 @!p0 $0x108  }
0x21: {  	s3 =	sadd.s32 s3, s9;
	s6 =	sadd.s32 @!p0 $0x88, s6;
	s7 =	simm.s32 @p2 $0x1082  }
0x22: {  	[simem:s7], [sflag:s8] =	dma.local @!p0 [hbm:s6], $0xF7A  }
0x23: {  	s9 =	sor.u32 $0xD0000000, s2;
	s6 =	simm.s32 $0x108;
	_ =	swait.ge @!p0 [sflag:s8], $0x0  }
0x24: {  	s3 =	sadd.s32 $0x88, s3;
	s6 =	simm.s32 @!p1 $0x1082;
	[sflag:s4] =	ssyncset.s32 $0xFFFFF086  }
0x25: {  	[simem:s6], [sflag:s4] =	dma.local [hbm:s3], $0xF7A  }
0x26: {  	[smem:$0x3F99] =	sst s1;
	(tag) =	ssettag s2;
	_ =	strace s9  }
0x27: {  	s1 =	sld [smem:$0x3FA9]  }
0x28: {  	s2 =	sld [smem:$0x3FAA]  }
0x29: {  	s4 =	sld [smem:$0x3FAC]  }
0x2a: {  	p0 =	seq.s32 s5, $0x0;
	s5 =	sld [smem:$0x3FAD]  }
0x2b: {  	s6 =	sld [smem:$0x3FAE]  }
0x2c: {  	s7 =	sld [smem:$0x3FAF]  }
0x2d: {  	s3 =	simm.s32 $0x108;
	s8 =	sld [smem:$0x3FB0]  }
0x2e: {  	s3 =	simm.s32 @!p0 $0x1082;
	s9 =	sld [smem:$0x3FB1]  }
0x2f: {  	lr =	sadd.s32 s0, s3;
	s0 =	sld [smem:$0x3FA8]  }
0x30: {  	s3 =	sld [smem:$0x3FAB]  }
0x31: {  	[smem:$0x3FB4] =	sst s10  }
0x32: {  	s10 =	sld [smem:$0x3FB2];
	_ =	sdelay $0x3  }
0x33: {  	p0 =	seq.s32 s10, $0x1;
	s10 =	sld [smem:$0x3FB4];
	_ =	sdelay $0x3  }
0x34: {  	[smem:$0x3FB4] =	sst s10  }
0x35: {  	s10 =	sld [smem:$0x3FB3];
	_ =	sdelay $0x3  }
0x36: {  	p1 =	seq.s32 s10, $0x1;
	s10 =	sld [smem:$0x3FB4];
	_ =	sdelay $0x3  }
0x37: {  	[smem:$0x3FB4] =	sst s10  }
0x38: {  	s10 =	sld [smem:$0x3FB5]  }
0x39: {  	_ = 	snop;
	(pc) =	sbr.ind lr, $3  }
0x3a: {  	_ = 	snop  }
0x3b: {  	_ = 	snop  }
0x3c: {  	p2 =	seq.s32 s10, $0x1;
	s10 =	sld [smem:$0x3FB4]  }
0x3d: {  	_ =	shalt  }
0x3e: {  	_ =	shalt  }
0x3f: {  	_ =	shalt  }
0x40: {  	_ =	shalt  }
0x41: {  	_ =	shalt  }
0x42: {  	_ =	shalt  }
0x43: {  	_ =	shalt  }
0x44: {  	_ =	shalt  }
0x45: {  	_ =	shalt  }
0x46: {  	_ =	shalt  }
0x47: {  	_ =	shalt  }
0x48: {  	_ =	shalt  }
0x49: {  	_ =	shalt  }
0x4a: {  	_ =	shalt  }
0x4b: {  	_ =	shalt  }
0x4c: {  	_ =	shalt  }
0x4d: {  	_ =	shalt  }
0x4e: {  	_ =	shalt  }
0x4f: {  	_ =	shalt  }
0x50: {  	_ =	shalt  }
0x51: {  	_ =	shalt  }
0x52: {  	_ =	shalt  }
0x53: {  	_ =	shalt  }
0x54: {  	_ =	shalt  }
0x55: {  	_ =	shalt  }
0x56: {  	_ =	shalt  }
0x57: {  	_ =	shalt  }
0x58: {  	_ =	shalt  }
0x59: {  	_ =	shalt  }
0x5a: {  	_ =	shalt  }
0x5b: {  	_ =	shalt  }
0x5c: {  	_ =	shalt  }
0x5d: {  	_ =	shalt  }
0x5e: {  	_ =	shalt  }
0x5f: {  	_ =	shalt  }
0x60: {  	_ =	shalt  }
0x61: {  	_ =	shalt  }
0x62: {  	_ =	shalt  }
0x63: {  	_ =	shalt  }
0x64: {  	_ =	shalt  }
0x65: {  	_ =	shalt  }
0x66: {  	_ =	shalt  }
0x67: {  	_ =	shalt  }
0x68: {  	_ =	shalt  }
0x69: {  	_ =	shalt  }
0x6a: {  	_ =	shalt  }
0x6b: {  	_ =	shalt  }
0x6c: {  	_ =	shalt  }
0x6d: {  	_ =	shalt  }
0x6e: {  	_ =	shalt  }
0x6f: {  	_ =	shalt  }
0x70: {  	_ =	shalt  }
0x71: {  	_ =	shalt  }
0x72: {  	_ =	shalt  }
0x73: {  	_ =	shalt  }
0x74: {  	_ =	shalt  }
0x75: {  	_ =	shalt  }
0x76: {  	_ =	shalt  }
0x77: {  	_ =	shalt  }
0x78: {  	_ =	shalt  }
0x79: {  	_ =	shalt  }
0x7a: {  	_ =	shalt  }
0x7b: {  	_ =	shalt  }
0x7c: {  	_ =	shalt  }
0x7d: {  	_ =	shalt  }
0x7e: {  	_ =	shalt  }
0x7f: {  	_ =	shalt  }
0x80: {  	_ =	shalt  }
0x81: {  	_ =	shalt  }
0x82: {  	_ =	shalt  }
0x83: {  	_ =	shalt  }
0x84: {  	_ =	shalt  }
0x85: {  	_ =	shalt  }
0x86: {  	_ =	shalt  }
0x87: {  	_ =	shalt  }
.Lfunc_end0:
.L_simem_size_0:
called_computation_lowered:
.L_overlay_start_0:
0x88: {  	s2 =	sld [smem:$0x3FD9]  }
0x89: {  	s3 =	sld [smem:$0x3FFE];
	_ =	sdelay $0x1  }
0x8a: {  	s1 =	srdreg.scid  }
0x8b: {  	s0 =	sand.u32 $0x1, s1  }
0x8c: {  	s17 =	sshll.u32 s0, $0xA;
	s2 =	sadd.s32 s3, s2  }
0x8d: {  	s2 =	sadd.s32 s2, s17  }
0x8e: {  	[smem:$0x3FC0] =	sst s2  }
0x8f: {  	_ = 	snop  }
0x90: {  	s2 =	sld [smem:$0x3FD0];
	(tm) =	ssettm $0x1  }
0x91: {  	s18 =	sld [smem:$0x3FFB];
	_ =	sdelay $0x3  }
0x92: {  	_ =	strace s18  }
0x93: {  	s3 =	sld [smem:$0x3FFC];
	_ =	sdelay $0x3  }
0x94: {  	_ =	strace s3  }
0x95: {  	s3 =	sld [smem:$0x3FFD];
	_ =	sdelay $0x3  }
0x96: {  	_ =	strace s3  }
0x97: {  	_ =	strace $0x8FFFFFFF  }
0x98: {  	s19 =	sld [smem:$0x3FDB];
	_ =	sdelay $0x1  }
0x99: {  	s4 =	simm.s32 $_scs_section_size  }
0x9a: {  	s5 =	simm.s32 $_size__tile_overlayer_lowered;
	s6 =	simm.s32 $_tile_overlayer_lowered  }
0x9b: {  	s22 =	simm.s32 $0x1BFF;
	s21 =	sshll.u32 s6, $0x1;
	s3 =	sadd.s32 s4, s19  }
0x9c: {  	s7 =	simm.s32 $0x0;
	s20 =	sshll.u32 s5, $0x1;
	s5 =	sadd.s32 s21, s3  }
0x9d: {  	[timem:s7], [sflag:s22] =	dma.local [hbm:s5], s20  }
0x9e: {  	_ =	swait.ge [sflag:s22], s20  }
0x9f: {  	s4 =	ssub.s32 $0x0, s20;
	[sflag:s22] =	ssyncset.done $0x0  }
0xa0: {  	[sflag:s22] =	ssyncadd.s32 s4;
	_ =	sdelay $0x1  }
0xa1: {  	s23 =	simm.s32 $0x1B8B  }
0xa2: {  	_ =	swait.ge [sflag:s23], $0x1  }
0xa3: {  	[sflag:s23] =	ssyncset.done $0x0  }
0xa4: {  	s25 =	simm.s32 $0x1B8E;
	s24 =	sld [smem:$0x3FFE];
	[sflag:s23] =	ssyncadd.s32 $0xFFFFFFFF  }
0xa5: {  	s26 =	simm.s32 $execute0_lowered;
	[smem:$0x3FD2] =	sst s25  }
0xa6: {  	s5 =	sshll.u32 s26, $0x1;
	_ =	strace $0x80000046;
	[dreg:$0x1] =	wrdreg $0xFFFFFFFF  }
0xa7: {  	s28 =	simm.s32 $_size_execute0_lowered;
	s3 =	sadd.s32 s3, s5;
	[dreg:$0x0] =	wrdreg $0x0  }
0xa8: {  	s5 =	sshll.u32 s28, $0x1;
	[dreg:$0x2] =	wrdreg s3  }
0xa9: {  	[dreg:$0x3] =	wrdreg s5  }
0xaa: {  	[dreg:$0x4] =	wrdreg $0xC0  }
0xab: {  	_ =	task [dreg:s7], $0x5FFFF  }
0xac: {  	[dreg:$0x1] =	wrdreg $0xFFFFFFFF  }
0xad: {  	[dreg:$0x0] =	wrdreg $0x60  }
0xae: {  	[dreg:$0x2] =	wrdreg s24  }
0xaf: {  	[dreg:$0x3] =	wrdreg s2  }
0xb0: {  	[dreg:$0x4] =	wrdreg $0x9  }
0xb1: {  	_ =	task.clear_ibuf [dreg:s7], $0x5FFFF;
	_ =	strace $0x90000046  }
0xb2: {  	s29 =	simm.s32 $0x9;
	_ =	strace $0x80000048  }
0xb3: {  	_ =	swait.ge [sflag:s29], $0x1  }
0xb4: {  	[sflag:s29] =	ssyncadd.s32 $0xFFFFFFFF  }
0xb5: {  	_ =	strace $0x90000048  }
0xb6: {  	_ =	sfence  }
0xb7: {  	s30 =	sld [smem:$0x0];
	_ =	sdelay $0x2  }
0xb8: {  	s31 =	sshll.u32 s1, $0xD;
	s1 =	sshrl.u32 s1, $0x2  }
0xb9: {  	s3 =	sand.u32 $0x4000, s31;
	s1 =	sadd.s32 s1, s30  }
0xba: {  	s0 =	sor.u32 s3, s0;
	s1 =	sshll.u32 s1, $0x11  }
0xbb: {  	s0 =	sor.u32 s1, s0  }
0xbc: {  	s0 =	sadd.s32 $0x8F2B, s0  }
0xbd: {  	[sflag:s0] =	ssyncadd.remote.s32 $0x1  }
0xbe: {  	_ =	sfence.sel $0xFFFF  }
0xbf: {  	[dreg:$0x0] =	wrdreg $0xFFFFFFFF;
	(pc) =	sbr.abs _section_cstart, $3  }
0xc0: {  	[dreg:$0x1] =	wrdreg $0xFFFFFFFF  }
0xc1: {  	_ =	task.clear_ibuf [dreg:s7], $0x2FFFF;
	_ =	strace $0x9FFFFFFF  }
0xc2: {  	(tm) =	ssettm $0x7FFFFFFF  }
0xc3: {  	_ =	shalt  }
tec
execute0_lowered:
.L_overlay_start_1:
0x0: {  	(tag) =	ssettag $0x1  }
0x1: {  	s3 =	rddreg [dreg:$0x0]  }
0x2: {  	s5 =	rddreg [dreg:$0x1];
	s2 =	srdreg.scid  }
0x3: {  	s0 =	rddreg [dreg:$0x2];
	s1 =	stileid.u32;
	s10 =	simm.s32 $0x400  }
0x4: {  	s11 =	simm.s32 $0x0;
	s4 =	sand.u32 $0x1, s2;
	s8 =	sshrl.u32 s1, $0x3  }
0x5: {  	s2 =	simm.s32 $0x0;
	s9 =	sshll.u32 s1, $0x7;
	s7 =	smul.u32 $0x27800, s4  }
0x6: {  	s6 =	sshll.u32 s4, $0x4;
	s8 =	smul.u32 $0x13C00, s8;
	[smem:$0x7FF] =	sst s2  }
0x7: {  	s30 =	sand.u32 $0x380, s9;
	s4 =	ssub.s32 $0x2, s4;
	s6 =	sor.u32 s1, s6  }
0x8: {  	s9 =	simm.s32 $0x80;
	s6 =	smul.u32 $0x4E2, s6;
	s7 =	sadd.s32 s7, s8  }
0x9: {  	_ =	strace $0x80000047;
	s31 =	sshrl.u32 s4, $0x1;
	s7 =	sor.u32 s30, s7  }
0xa: {  	s8 =	ssub.s32 s4, s31;
	s6 =	sadd.s32 s6, s3;
	s7 =	sshrl.u32 s7, $0x3  }
0xb: {  	s3 =	sadd.s32 $0x15A00, s3;
	s4 =	sadd.s32 $0x1E00, s6;
	s5 =	sadd.s32 s5, s7  }
0xc: {  	v0 =	vimm.f32 $1.000000000e+00;
	s6 =	smax.u32 s8, $0x1;
	s7 =	simm.s32 $0x2780;
	s8 =	simm.s32 $0x1  }
.LBB2_1:
0xd: {  	[tilespmem:s7], [sflag:$0x1] =	stream.linear.gather [hbm4b:s3+s2], $0x2780, $0x38;
	[tilespmem:$0x4F00] =	vst v63  }
0xe: {  	_ =	swait.ge [sflag:s8], $0x2780  }
0xf: {  	[sflag:s8] =	ssyncset.done $0x0  }
0x10: {  	[sflag:s8] =	ssyncadd.s32 $0xFFFFD880  }
0x11: {  	[tilespmem:s2], [sflag:$0x1] =	stream.linear.gather [hbm4b:s4+s2], $0x2710, $0x38;
	[tilespmem:$0x4F00] =	vst v63  }
0x12: {  	_ =	swait.ge [sflag:s8], $0x2710  }
0x13: {  	[sflag:s8] =	ssyncset.done $0x0  }
0x14: {  	s12 =	simm.s32 $0x0;
	[sflag:s8] =	ssyncadd.s32 $0xFFFFD8F0  }
.LBB2_2:
0x15: {  	s13 =	sshra.s32 s12, $0x2  }
0x16: {  	v1 =	vld [tilespmem:s13+$0x0];
	_ =	sdelay $0x7  }
0x17: {  	[tilespmem:v1+s7+$0x0] =	vst.idx.add.f32.msk $0xffff, v0  }
0x18: {  	v1 =	vld [tilespmem:s13+$0x10];
	_ =	sdelay $0x7  }
0x19: {  	[tilespmem:v1+s7+$0x0] =	vst.idx.add.f32.msk $0xffff, v0  }
0x1a: {  	v1 =	vld [tilespmem:s13+$0x20];
	_ =	sdelay $0x7  }
0x1b: {  	[tilespmem:v1+s7+$0x0] =	vst.idx.add.f32.msk $0xffff, v0  }
0x1c: {  	v1 =	vld [tilespmem:s13+$0x30];
	_ =	sdelay $0x7  }
0x1d: {  	[tilespmem:v1+s7+$0x0] =	vst.idx.add.f32.msk $0xffff, v0  }
0x1e: {  	v1 =	vld [tilespmem:s13+$0x40];
	_ =	sdelay $0x2  }
0x1f: {  	p0 =	sne.s32 s12, $0x9B00  }
.Ltmp0:
0x20: {  	_ = 	snop;
	(pc) =	sbr.rel @p0 .LBB2_2-.Ltmp0, $2  }
0x21: {  	_ =	sdelay $0x2  }
0x22: {  	s12 =	sadd.s32 $0x140, s12;
	[tilespmem:v1+s7+$0x0] =	vst.idx.add.f32.msk $0xffff, v0  }
0x23: {  	s11 =	sadd.s32 $0x1, s11  }
0x24: {  	p0 =	sne.s32 s11, s6  }
.Ltmp1:
0x25: {  	_ = 	snop;
	(pc) =	sbr.rel @p0 .LBB2_1-.Ltmp1, $4  }
0x26: {  	[hbm4b:s5+s9] =	stream.strided.scatter [tilespmem:s7], [sflag:$0x1], $0x2780, s10, s9, $0x38;
	[tilespmem:$0x4F00] =	vst v63  }
0x27: {  	_ =	swait.ge [sflag:s8], $0x2780  }
0x28: {  	[sflag:s8] =	ssyncset.done $0x0  }
0x29: {  	[sflag:s8] =	ssyncadd.s32 $0xFFFFD880  }
0x2a: {  	_ =	sfence.sel $0x180000  }
0x2b: {  	[bflag:$0x0] =	sbarrier.arrive $0xFFFF  }
0x2c: {  	p0 =	sne.s32 s1, $0x0;
	_ =	strace $0x90000047  }
0x2d: {  	s0 =	sadd.s32 @!p0 $0x100000, s0;
	[bflag:$0x2] =	sbarrier.arrive $0xFFFF  }
0x2e: {  	[sflag:s0] =	ssyncadd.tile.s32 @!p0 $0x1;
	_ =	shalt  }
.Lfunc_end2:
_tile_overlayer_lowered:
.L_overlay_start_2:
0x2f: {  	(tag) =	ssettag $0x2  }
0x30: {  	s0 =	rddreg [dreg:$0x0];
	s2 =	stileid.u32  }
0x31: {  	s1 =	rddreg [dreg:$0x1];
	p0 =	sne.s32 s2, $0x0  }
0x32: {  	s3 =	rddreg [dreg:$0x2];
	[bflag:$0x3] =	sbarrier.arrive $0xFFFF;
	s2 =	simm.s32 @!p0 $0x1C01  }
0x33: {  	[timem:s3], [sflag:s2] =	dma.local @!p0 [hbm:s0], s1  }
0x34: {  	s0 =	simm.s32 @!p0 $0x1  }
0x35: {  	_ =	swait.ge @!p0 [sflag:s0], s1  }
0x36: {  	s1 =	ssub.s32 @!p0 $0x0, s1;
	[sflag:s0] =	ssyncset.done @!p0 $0x0  }
0x37: {  	[sflag:s0] =	ssyncadd.s32 @!p0 s1  }
0x38: {  	[bflag:$0x3] =	sbarrier.arrive $0xFFFF  }
0x39: {  	_ =	shalt  }

</sc_bundles>
